<compile_context>
chip_gen: v7x
topology: tpu7x:2x2x1
jax: 0.10.2.dev20260603
libtpu: 0.0.44.dev20260713+nightly
codegen_flags: <defaults>
</compile_context>

<pallas_src>
import functools

import jax
import jax.numpy as jnp
from jax import lax
from jax.experimental import pallas as pl
from jax.experimental.pallas import tpu as pltpu
from jax.experimental.pallas import tpu_sc as plsc

B = 16
G = 20000
NSETS = 64
GP = 20480
GB = 512
NB = GP // GB
NC = 2
NSC = 16
HALF = G // 2


def _sc_hist_body(s_hbm, cnt_hbm, csum_hbm, s_v, cnt_v, csum_v):
    h = lax.axis_index("c")
    b = lax.axis_index("s")

    @plsc.parallel_loop(0, GP // 16, unroll=8)
    def _zero(i):
        z = jnp.zeros((16,), jnp.float32)
        cnt_v[pl.ds(i * 16, 16)] = z
        csum_v[pl.ds(i * 16, 16)] = z

    pltpu.sync_copy(s_hbm.at[pl.ds(b * G + h * HALF, HALF)], s_v)

    ones = jnp.ones((16,), jnp.float32)
    lane = lax.iota(jnp.int32, 16)
    base0 = h * HALF

    @plsc.parallel_loop(0, HALF // 16, unroll=8)
    def _scat(i):
        idx = s_v[pl.ds(i * 16, 16)]
        j = base0 + i * 16 + lane
        cj = (G - j).astype(jnp.float32) * (1.0 / G)
        plsc.addupdate_scatter(cnt_v, [idx], ones)
        plsc.addupdate_scatter(csum_v, [idx], cj)

    pltpu.sync_copy(cnt_v, cnt_hbm.at[pl.ds((h * B + b) * GP, GP)])
    pltpu.sync_copy(csum_v, csum_hbm.at[pl.ds((h * B + b) * GP, GP)])


@functools.cache
def _sc_hist():
    return pl.kernel(
        _sc_hist_body,
        out_type=(jax.ShapeDtypeStruct((2 * B * GP,), jnp.float32),
                  jax.ShapeDtypeStruct((2 * B * GP,), jnp.float32)),
        mesh=plsc.VectorSubcoreMesh(core_axis_name="c", subcore_axis_name="s",
                                    num_cores=NC, num_subcores=NSC),
        scratch_types=[pltpu.VMEM((HALF,), jnp.int32),
                       pltpu.VMEM((GP,), jnp.float32),
                       pltpu.VMEM((GP,), jnp.float32)],
        compiler_params=pltpu.CompilerParams(needs_layout_passes=False),
    )


NBF = G // GB
TAIL = G - NBF * GB


def _tc_body(sm_hbm, r_hbm, cnt_hbm, csum_hbm, es_ref,
             sm_v, r_v, cnt_v, csum_v, q_s, neg_s, uc2_s, c2_s, sems):
    cp_sm = pltpu.make_async_copy(sm_hbm, sm_v, sems.at[0])
    cp_sm.start()
    cp_r = pltpu.make_async_copy(r_hbm, r_v, sems.at[1])
    cp_r.start()
    cnt_cps = [pltpu.make_async_copy(cnt_hbm.at[pl.ds(k * GP, GP)],
                                     cnt_v.at[k], sems.at[2])
               for k in range(2 * B)]
    csum_cps = [pltpu.make_async_copy(csum_hbm.at[pl.ds(k * GP, GP)],
                                      csum_v.at[k], sems.at[3])
                for k in range(2 * B)]
    for cp in cnt_cps:
        cp.start()
    for cp in csum_cps:
        cp.start()

    cp_sm.wait()

    def blk_a(blk, acc):
        sig = jax.nn.sigmoid(sm_v[:, blk])
        q_s[:, blk] = sig
        return acc + jnp.sum(sig, axis=1, keepdims=True)

    def pass_a(i, acc):
        return blk_a(pl.ds(i * GB, GB), acc)

    rowsum = lax.fori_loop(0, NBF, pass_a,
                           jnp.zeros((NSETS, 1), jnp.float32))
    rowsum = blk_a(pl.ds(NBF * GB, TAIL), rowsum)
    thresh = rowsum * (0.3 / G)

    cp_r.wait()
    for cp in cnt_cps:
        cp.wait()
    for cp in csum_cps:
        cp.wait()

    def blk_b(blk):
        v = q_s[:, blk]
        ind = jnp.where(v < thresh, v * 0.01, v)
        neg_s[:, blk] = (ind < 0.1).astype(jnp.float32)
        q_s[:, blk] = jnp.sqrt(jnp.sqrt(ind))
        u = jnp.sqrt(jnp.sqrt(r_v[:, blk]))
        cnt = cnt_v[pl.ds(0, B), blk] + cnt_v[pl.ds(B, B), blk]
        csum = csum_v[pl.ds(0, B), blk] + csum_v[pl.ds(B, B), blk]
        c2_s[pl.ds(0, B), blk] = cnt
        c2_s[pl.ds(B, B), blk] = csum
        uc2_s[pl.ds(0, B), blk] = u * cnt
        uc2_s[pl.ds(B, B), blk] = u * csum

    def pass_b(i, carry):
        blk_b(pl.ds(i * GB, GB))
        return carry

    lax.fori_loop(0, NBF, pass_b, 0)
    blk_b(pl.ds(NBF * GB, TAIL))

    dn = (((1,), (1,)), ((), ()))
    hi = lax.Precision.HIGHEST
    aa = lax.dot_general(uc2_s[...], q_s[...], dn, precision=hi,
                         preferred_element_type=jnp.float32)
    nn = lax.dot_general(c2_s[...], neg_s[...], dn, precision=hi,
                         preferred_element_type=jnp.float32)
    amat, awmat = aa[0:B, :], aa[B:2 * B, :]
    nmat, nwmat = nn[0:B, :], nn[B:2 * B, :]

    pos = jnp.where(amat > 1e-8, awmat / (amat + 1e-10), 0.0)
    neg = jnp.where(nmat > 1e-8, nwmat / (nmat + 1e-10), 0.0)
    es_ref[...] = pos - neg


_tc_call = pl.pallas_call(
    _tc_body,
    out_shape=jax.ShapeDtypeStruct((B, NSETS), jnp.float32),
    in_specs=[pl.BlockSpec(memory_space=pl.ANY)] * 4,
    scratch_shapes=[pltpu.VMEM((NSETS, G), jnp.float32),
                    pltpu.VMEM((B, G), jnp.float32),
                    pltpu.VMEM((2 * B, GP), jnp.float32),
                    pltpu.VMEM((2 * B, GP), jnp.float32),
                    pltpu.VMEM((NSETS, G), jnp.float32),
                    pltpu.VMEM((NSETS, G), jnp.float32),
                    pltpu.VMEM((2 * B, G), jnp.float32),
                    pltpu.VMEM((2 * B, G), jnp.float32),
                    pltpu.SemaphoreType.DMA((4,))],
)


def kernel(R, S, set_membership):
    cnt_flat, csum_flat = _sc_hist()(S.reshape(-1))
    return _tc_call(set_membership, R, cnt_flat, csum_flat)

# --- scband reference (transcript-rebuilt; emitter-appended) ---
"""Pipeline reference for scband-trainable-gene-set-layer-54443005444402 (READ-ONLY COPY).

The authoritative reference and input builder live on the scoring server;
editing this copy changes nothing except your own understanding.
"""

import jax, jax.numpy as jnp
import numpy as np

B, G, NS = 16, 20000, 64
ALPHA = 0.25

def setup_inputs(seed: int = 0):
    key = jax.random.key(seed)
    k1, k2, k3 = jax.random.split(key, 3)
    R = jax.random.uniform(k1, (B, G), dtype=jnp.float32)
    S = jax.random.randint(k2, (B, G), 0, G, dtype=jnp.int32)
    set_membership = jax.random.normal(k3, (NS, G), dtype=jnp.float32)
    return {"R": R, "S": S, "set_membership": set_membership}

def reference(R, S, set_membership):
    num_sets, num_genes = set_membership.shape
    batch = R.shape[0]
    # get_set_indicators (no fc_transform, no prior)
    indicators = jax.nn.sigmoid(set_membership)
    avg = jnp.mean(indicators, axis=1, keepdims=True)
    indicators = jnp.where(indicators < avg * 0.3, indicators * 0.01, indicators)
    # gather indicators along gene axis with per-sample sort order S -> (batch, num_sets, num_genes)
    sorted_indicators = jnp.transpose(jnp.take(indicators, S, axis=1), (1, 0, 2))
    # gather R along gene axis and broadcast over sets
    R_sorted = jnp.take_along_axis(R, S, axis=1)[:, None, :]
    R_sorted = jnp.broadcast_to(R_sorted, (batch, num_sets, num_genes))
    clamped = jnp.clip(R_sorted * sorted_indicators, 1e-08, 10000.0)
    weighted_pos = clamped ** ALPHA
    sum_wp = jnp.sum(weighted_pos, axis=2, keepdims=True)
    cumsum_pos = jnp.cumsum(weighted_pos, axis=2)
    step_cdf_pos = jnp.where(sum_wp > 1e-08, cumsum_pos / (sum_wp + 1e-10), jnp.zeros_like(cumsum_pos))
    neg = (sorted_indicators < 0.1).astype(jnp.float32)
    sum_neg = jnp.sum(neg, axis=2, keepdims=True)
    cumsum_neg = jnp.cumsum(neg, axis=2)
    step_cdf_neg = jnp.where(sum_neg > 1e-08, cumsum_neg / (sum_neg + 1e-10), jnp.zeros_like(cumsum_neg))
    diff = (step_cdf_pos - step_cdf_neg) / num_genes
    es_scores = jnp.sum(diff, axis=2)
    return es_scores

if __name__ == "__main__":
    import jax
    _d = setup_inputs()
    print(jax.jit(kernel)(*tuple(_d.values())))

</pallas_src>

<mosaic_0001>
#map = affine_map<(d0, d1) -> (0)>
module attributes {stable_mosaic.version = 14 : i64} {
  func.func @_sc_hist_body(%arg0: i32, %arg1: i32, %arg2: memref<320000xi32, #tpu.memory_space<hbm>>, %arg3: memref<655360xf32, #tpu.memory_space<hbm>>, %arg4: memref<655360xf32, #tpu.memory_space<hbm>>, %arg5: memref<10000xi32, #tpu.memory_space<vmem>>, %arg6: memref<20480xf32, #tpu.memory_space<vmem>>, %arg7: memref<20480xf32, #tpu.memory_space<vmem>>) attributes {dimension_semantics = [#tpu.dimension_semantics<core_parallel>, #tpu.dimension_semantics<subcore_parallel>], iteration_bounds = array<i64: 2, 16>, scalar_prefetch = 0 : i64, scratch_operands = 3 : i64, tpu.core_type = #tpu.core_type<sc_vector_subcore>, window_params = [{transform_indices = #map}, {transform_indices = #map}, {transform_indices = #map}]} {
    %parallel_loop3A = arith.constant 0 : i32
    %parallel_loop3A_0 = arith.constant 1280 : i32
    %parallel_loop3A_1 = arith.constant 1 : i32
    scf.for %parallel_loop3A_21 = %parallel_loop3A to %parallel_loop3A_0 step %parallel_loop3A_1  : i32 {
      %parallel_loop3A_22 = arith.constant 0.000000e+00 : f32
      %parallel_loop3A_23 = vector.broadcast %parallel_loop3A_22 : f32 to vector<16xf32>
      %parallel_loop3A_24 = arith.constant 16 : i32
      %parallel_loop3A_25 = arith.muli %parallel_loop3A_21, %parallel_loop3A_24 : i32
      %parallel_loop3A_26 = arith.index_cast %parallel_loop3A_25 : i32 to index
      %parallel_loop3A_27 = tpu.vector_load %arg6[%parallel_loop3A_26] {strides = array<i32>} : memref<20480xf32, #tpu.memory_space<vmem>>, vector<16xf32>,
      tpu.vector_store %arg6[%parallel_loop3A_26], %parallel_loop3A_23 {strides = array<i32>} : memref<20480xf32, #tpu.memory_space<vmem>>, vector<16xf32>,
      %parallel_loop3A_28 = arith.constant 16 : i32
      %parallel_loop3A_29 = arith.muli %parallel_loop3A_21, %parallel_loop3A_28 : i32
      %parallel_loop3A_30 = arith.index_cast %parallel_loop3A_29 : i32 to index
      %parallel_loop3A_31 = tpu.vector_load %arg7[%parallel_loop3A_30] {strides = array<i32>} : memref<20480xf32, #tpu.memory_space<vmem>>, vector<16xf32>,
      tpu.vector_store %arg7[%parallel_loop3A_30], %parallel_loop3A_23 {strides = array<i32>} : memref<20480xf32, #tpu.memory_space<vmem>>, vector<16xf32>,
    } {sc.loop_unroll_factor = 8 : i64, sc.parallel_access}
    %mul3A = arith.constant 20000 : i32
    %mul3A_2 = arith.muli %arg1, %mul3A : i32
    %mul3A_3 = arith.constant 10000 : i32
    %mul3A_4 = arith.muli %arg0, %mul3A_3 : i32
    %add3A = arith.addi %mul3A_2, %mul3A_4 : i32
    "tpu.region"() ({
      %run_scoped3A = tpu.sem_alloc : memref<!tpu.dma_semaphore, #tpu.memory_space<semaphore_mem>>
      %dma_start3A = tpu.memref_slice %arg2[%add3A] : memref<320000xi32, #tpu.memory_space<hbm>> -> memref<10000xi32, #tpu.memory_space<hbm>>
      %dma_start3A_21 = tpu.memref_slice %arg2[%add3A] : memref<320000xi32, #tpu.memory_space<hbm>> -> memref<10000xi32, #tpu.memory_space<hbm>>
      tpu.enqueue_dma source(%dma_start3A_21 : memref<10000xi32, #tpu.memory_space<hbm>>) target(%arg5 : memref<10000xi32, #tpu.memory_space<vmem>>) target_semaphore(%run_scoped3A : memref<!tpu.dma_semaphore, #tpu.memory_space<semaphore_mem>>)
      %dma_wait3A = tpu.memref_slice %arg2[%add3A] : memref<320000xi32, #tpu.memory_space<hbm>> -> memref<10000xi32, #tpu.memory_space<hbm>>
      %dma_wait3A_22 = tpu.memref_slice %arg2[%add3A] : memref<320000xi32, #tpu.memory_space<hbm>> -> memref<10000xi32, #tpu.memory_space<hbm>>
      tpu.wait_dma2 semaphore(%run_scoped3A : memref<!tpu.dma_semaphore, #tpu.memory_space<semaphore_mem>>) src(%dma_wait3A_22 : memref<10000xi32, #tpu.memory_space<hbm>>) dst(%arg5 : memref<10000xi32, #tpu.memory_space<vmem>>)
      tpu.yield
    }) : () -> ()
    %broadcast_in_dim3A = arith.constant 1.000000e+00 : f32
    %broadcast_in_dim3A_5 = vector.broadcast %broadcast_in_dim3A : f32 to vector<16xf32>
    %iota3A = tpu.iota {dimensions = array<i32: 0>} : vector<16xi32>
    %mul3A_6 = arith.constant 10000 : i32
    %mul3A_7 = arith.muli %arg0, %mul3A_6 : i32
    %parallel_loop3A_8 = arith.constant 0 : i32
    %parallel_loop3A_9 = arith.constant 625 : i32
    %parallel_loop3A_10 = arith.constant 1 : i32
    scf.for %parallel_loop3A_21 = %parallel_loop3A_8 to %parallel_loop3A_9 step %parallel_loop3A_10  : i32 {
      %parallel_loop3A_22 = arith.constant 16 : i32
      %parallel_loop3A_23 = arith.muli %parallel_loop3A_21, %parallel_loop3A_22 : i32
      %parallel_loop3A_24 = arith.index_cast %parallel_loop3A_23 : i32 to index
      %parallel_loop3A_25 = tpu.vector_load %arg5[%parallel_loop3A_24] {strides = array<i32>} : memref<10000xi32, #tpu.memory_space<vmem>>, vector<16xi32>,
      %parallel_loop3A_26 = arith.constant 16 : i32
      %parallel_loop3A_27 = arith.muli %parallel_loop3A_21, %parallel_loop3A_26 : i32
      %parallel_loop3A_28 = arith.addi %mul3A_7, %parallel_loop3A_27 : i32
      %parallel_loop3A_29 = vector.broadcast %parallel_loop3A_28 : i32 to vector<16xi32>
      %parallel_loop3A_30 = arith.addi %parallel_loop3A_29, %iota3A : vector<16xi32>
      %parallel_loop3A_31 = arith.constant 20000 : i32
      %parallel_loop3A_32 = vector.broadcast %parallel_loop3A_31 : i32 to vector<16xi32>
      %parallel_loop3A_33 = arith.subi %parallel_loop3A_32, %parallel_loop3A_30 : vector<16xi32>
      %parallel_loop3A_34 = arith.sitofp %parallel_loop3A_33 : vector<16xi32> to vector<16xf32>
      %parallel_loop3A_35 = arith.constant 5.000000e-05 : f32
      %parallel_loop3A_36 = vector.broadcast %parallel_loop3A_35 : f32 to vector<16xf32>
      %parallel_loop3A_37 = arith.mulf %parallel_loop3A_34, %parallel_loop3A_36 : vector<16xf32>
      tpu.vector_store_idx %arg6[%parallel_loop3A_25], %broadcast_in_dim3A_5 {add = true} : memref<20480xf32, #tpu.memory_space<vmem>>[vector<16xi32>], vector<16xf32>,
      tpu.vector_store_idx %arg7[%parallel_loop3A_25], %parallel_loop3A_37 {add = true} : memref<20480xf32, #tpu.memory_space<vmem>>[vector<16xi32>], vector<16xf32>,
    } {sc.loop_unroll_factor = 8 : i64, sc.parallel_access}
    %mul3A_11 = arith.constant 16 : i32
    %mul3A_12 = arith.muli %arg0, %mul3A_11 : i32
    %add3A_13 = arith.addi %mul3A_12, %arg1 : i32
    %mul3A_14 = arith.constant 20480 : i32
    %mul3A_15 = arith.muli %add3A_13, %mul3A_14 : i32
    "tpu.region"() ({
      %run_scoped3A = tpu.sem_alloc : memref<!tpu.dma_semaphore, #tpu.memory_space<semaphore_mem>>
      %dma_start3A = tpu.memref_slice %arg3[%mul3A_15] : memref<655360xf32, #tpu.memory_space<hbm>> -> memref<20480xf32, #tpu.memory_space<hbm>>
      %dma_start3A_21 = tpu.memref_slice %arg3[%mul3A_15] : memref<655360xf32, #tpu.memory_space<hbm>> -> memref<20480xf32, #tpu.memory_space<hbm>>
      tpu.enqueue_dma source(%arg6 : memref<20480xf32, #tpu.memory_space<vmem>>) target(%dma_start3A_21 : memref<20480xf32, #tpu.memory_space<hbm>>) target_semaphore(%run_scoped3A : memref<!tpu.dma_semaphore, #tpu.memory_space<semaphore_mem>>)
      %dma_wait3A = tpu.memref_slice %arg3[%mul3A_15] : memref<655360xf32, #tpu.memory_space<hbm>> -> memref<20480xf32, #tpu.memory_space<hbm>>
      %dma_wait3A_22 = tpu.memref_slice %arg3[%mul3A_15] : memref<655360xf32, #tpu.memory_space<hbm>> -> memref<20480xf32, #tpu.memory_space<hbm>>
      tpu.wait_dma2 semaphore(%run_scoped3A : memref<!tpu.dma_semaphore, #tpu.memory_space<semaphore_mem>>) src(%arg6 : memref<20480xf32, #tpu.memory_space<vmem>>) dst(%dma_wait3A_22 : memref<20480xf32, #tpu.memory_space<hbm>>)
      tpu.yield
    }) : () -> ()
    %mul3A_16 = arith.constant 16 : i32
    %mul3A_17 = arith.muli %arg0, %mul3A_16 : i32
    %add3A_18 = arith.addi %mul3A_17, %arg1 : i32
    %mul3A_19 = arith.constant 20480 : i32
    %mul3A_20 = arith.muli %add3A_18, %mul3A_19 : i32
    "tpu.region"() ({
      %run_scoped3A = tpu.sem_alloc : memref<!tpu.dma_semaphore, #tpu.memory_space<semaphore_mem>>
      %dma_start3A = tpu.memref_slice %arg4[%mul3A_20] : memref<655360xf32, #tpu.memory_space<hbm>> -> memref<20480xf32, #tpu.memory_space<hbm>>
      %dma_start3A_21 = tpu.memref_slice %arg4[%mul3A_20] : memref<655360xf32, #tpu.memory_space<hbm>> -> memref<20480xf32, #tpu.memory_space<hbm>>
      tpu.enqueue_dma source(%arg7 : memref<20480xf32, #tpu.memory_space<vmem>>) target(%dma_start3A_21 : memref<20480xf32, #tpu.memory_space<hbm>>) target_semaphore(%run_scoped3A : memref<!tpu.dma_semaphore, #tpu.memory_space<semaphore_mem>>)
      %dma_wait3A = tpu.memref_slice %arg4[%mul3A_20] : memref<655360xf32, #tpu.memory_space<hbm>> -> memref<20480xf32, #tpu.memory_space<hbm>>
      %dma_wait3A_22 = tpu.memref_slice %arg4[%mul3A_20] : memref<655360xf32, #tpu.memory_space<hbm>> -> memref<20480xf32, #tpu.memory_space<hbm>>
      tpu.wait_dma2 semaphore(%run_scoped3A : memref<!tpu.dma_semaphore, #tpu.memory_space<semaphore_mem>>) src(%arg7 : memref<20480xf32, #tpu.memory_space<vmem>>) dst(%dma_wait3A_22 : memref<20480xf32, #tpu.memory_space<hbm>>)
      tpu.yield
    }) : () -> ()
    return
  }
}

module attributes {stable_mosaic.version = 14 : i64} {
  func.func @_tc_body(%arg0: memref<64x20000xf32, #tpu.memory_space<any>>, %arg1: memref<16x20000xf32, #tpu.memory_space<any>>, %arg2: memref<655360xf32, #tpu.memory_space<any>>, %arg3: memref<655360xf32, #tpu.memory_space<any>>, %arg4: memref<16x64xf32, #tpu.memory_space<vmem>>, %arg5: memref<64x20000xf32, #tpu.memory_space<vmem>>, %arg6: memref<16x20000xf32, #tpu.memory_space<vmem>>, %arg7: memref<32x20480xf32, #tpu.memory_space<vmem>>, %arg8: memref<32x20480xf32, #tpu.memory_space<vmem>>, %arg9: memref<64x20000xf32, #tpu.memory_space<vmem>>, %arg10: memref<64x20000xf32, #tpu.memory_space<vmem>>, %arg11: memref<32x20000xf32, #tpu.memory_space<vmem>>, %arg12: memref<32x20000xf32, #tpu.memory_space<vmem>>, %arg13: memref<4x!tpu.dma_semaphore, #tpu.memory_space<semaphore_mem>>) attributes {dimension_semantics = [], scalar_prefetch = 0 : i64, scratch_operands = 9 : i64, tpu.core_type = #tpu.core_type<tc>} {
    %dma_start3A = arith.constant 0 : i32
    %dma_start3A_0 = tpu.memref_slice %arg13[%dma_start3A] : memref<4x!tpu.dma_semaphore, #tpu.memory_space<semaphore_mem>> -> memref<1x!tpu.dma_semaphore, #tpu.memory_space<semaphore_mem>>
    %dma_start3A_1 = tpu.memref_squeeze %dma_start3A_0 : memref<1x!tpu.dma_semaphore, #tpu.memory_space<semaphore_mem>> -> memref<!tpu.dma_semaphore, #tpu.memory_space<semaphore_mem>>
    tpu.enqueue_dma source(%arg0 : memref<64x20000xf32, #tpu.memory_space<any>>) target(%arg5 : memref<64x20000xf32, #tpu.memory_space<vmem>>) target_semaphore(%dma_start3A_1 : memref<!tpu.dma_semaphore, #tpu.memory_space<semaphore_mem>>)
    %dma_start3A_2 = arith.constant 1 : i32
    %dma_start3A_3 = tpu.memref_slice %arg13[%dma_start3A_2] : memref<4x!tpu.dma_semaphore, #tpu.memory_space<semaphore_mem>> -> memref<1x!tpu.dma_semaphore, #tpu.memory_space<semaphore_mem>>
    %dma_start3A_4 = tpu.memref_squeeze %dma_start3A_3 : memref<1x!tpu.dma_semaphore, #tpu.memory_space<semaphore_mem>> -> memref<!tpu.dma_semaphore, #tpu.memory_space<semaphore_mem>>
    tpu.enqueue_dma source(%arg1 : memref<16x20000xf32, #tpu.memory_space<any>>) target(%arg6 : memref<16x20000xf32, #tpu.memory_space<vmem>>) target_semaphore(%dma_start3A_4 : memref<!tpu.dma_semaphore, #tpu.memory_space<semaphore_mem>>)
    %dma_start3A_5 = arith.constant 0 : i32
    %dma_start3A_6 = arith.constant 2 : i32
    %dma_start3A_7 = tpu.memref_slice %arg13[%dma_start3A_6] : memref<4x!tpu.dma_semaphore, #tpu.memory_space<semaphore_mem>> -> memref<1x!tpu.dma_semaphore, #tpu.memory_space<semaphore_mem>>
    %dma_start3A_8 = tpu.memref_squeeze %dma_start3A_7 : memref<1x!tpu.dma_semaphore, #tpu.memory_space<semaphore_mem>> -> memref<!tpu.dma_semaphore, #tpu.memory_space<semaphore_mem>>
    %dma_start3A_9 = arith.constant 0 : i32
    %dma_start3A_10 = tpu.memref_slice %arg7[%dma_start3A_5, %dma_start3A_9] : memref<32x20480xf32, #tpu.memory_space<vmem>> -> memref<1x20480xf32, #tpu.memory_space<vmem>>
    %dma_start3A_11 = tpu.memref_squeeze %dma_start3A_10 : memref<1x20480xf32, #tpu.memory_space<vmem>> -> memref<20480xf32, #tpu.memory_space<vmem>>
    %dma_start3A_12 = arith.constant 0 : i32
    %dma_start3A_13 = tpu.memref_slice %arg2[%dma_start3A_12] : memref<655360xf32, #tpu.memory_space<any>> -> memref<20480xf32, #tpu.memory_space<any>>
    tpu.enqueue_dma source(%dma_start3A_13 : memref<20480xf32, #tpu.memory_space<any>>) target(%dma_start3A_11 : memref<20480xf32, #tpu.memory_space<vmem>>) target_semaphore(%dma_start3A_8 : memref<!tpu.dma_semaphore, #tpu.memory_space<semaphore_mem>>)
    %dma_start3A_14 = arith.constant 1 : i32
    %dma_start3A_15 = arith.constant 2 : i32
    %dma_start3A_16 = tpu.memref_slice %arg13[%dma_start3A_15] : memref<4x!tpu.dma_semaphore, #tpu.memory_space<semaphore_mem>> -> memref<1x!tpu.dma_semaphore, #tpu.memory_space<semaphore_mem>>
    %dma_start3A_17 = tpu.memref_squeeze %dma_start3A_16 : memref<1x!tpu.dma_semaphore, #tpu.memory_space<semaphore_mem>> -> memref<!tpu.dma_semaphore, #tpu.memory_space<semaphore_mem>>
    %dma_start3A_18 = arith.constant 0 : i32
    %dma_start3A_19 = tpu.memref_slice %arg7[%dma_start3A_14, %dma_start3A_18] : memref<32x20480xf32, #tpu.memory_space<vmem>> -> memref<1x20480xf32, #tpu.memory_space<vmem>>
    %dma_start3A_20 = tpu.memref_squeeze %dma_start3A_19 : memref<1x20480xf32, #tpu.memory_space<vmem>> -> memref<20480xf32, #tpu.memory_space<vmem>>
    %dma_start3A_21 = arith.constant 20480 : i32
    %dma_start3A_22 = tpu.memref_slice %arg2[%dma_start3A_21] : memref<655360xf32, #tpu.memory_space<any>> -> memref<20480xf32, #tpu.memory_space<any>>
    tpu.enqueue_dma source(%dma_start3A_22 : memref<20480xf32, #tpu.memory_space<any>>) target(%dma_start3A_20 : memref<20480xf32, #tpu.memory_space<vmem>>) target_semaphore(%dma_start3A_17 : memref<!tpu.dma_semaphore, #tpu.memory_space<semaphore_mem>>)
    %dma_start3A_23 = arith.constant 2 : i32
    %dma_start3A_24 = arith.constant 2 : i32
    %dma_start3A_25 = tpu.memref_slice %arg13[%dma_start3A_24] : memref<4x!tpu.dma_semaphore, #tpu.memory_space<semaphore_mem>> -> memref<1x!tpu.dma_semaphore, #tpu.memory_space<semaphore_mem>>
    %dma_start3A_26 = tpu.memref_squeeze %dma_start3A_25 : memref<1x!tpu.dma_semaphore, #tpu.memory_space<semaphore_mem>> -> memref<!tpu.dma_semaphore, #tpu.memory_space<semaphore_mem>>
    %dma_start3A_27 = arith.constant 0 : i32
    %dma_start3A_28 = tpu.memref_slice %arg7[%dma_start3A_23, %dma_start3A_27] : memref<32x20480xf32, #tpu.memory_space<vmem>> -> memref<1x20480xf32, #tpu.memory_space<vmem>>
    %dma_start3A_29 = tpu.memref_squeeze %dma_start3A_28 : memref<1x20480xf32, #tpu.memory_space<vmem>> -> memref<20480xf32, #tpu.memory_space<vmem>>
    %dma_start3A_30 = arith.constant 40960 : i32
    %dma_start3A_31 = tpu.memref_slice %arg2[%dma_start3A_30] : memref<655360xf32, #tpu.memory_space<any>> -> memref<20480xf32, #tpu.memory_space<any>>
    tpu.enqueue_dma source(%dma_start3A_31 : memref<20480xf32, #tpu.memory_space<any>>) target(%dma_start3A_29 : memref<20480xf32, #tpu.memory_space<vmem>>) target_semaphore(%dma_start3A_26 : memref<!tpu.dma_semaphore, #tpu.memory_space<semaphore_mem>>)
    %dma_start3A_32 = arith.constant 3 : i32
    %dma_start3A_33 = arith.constant 2 : i32
    %dma_start3A_34 = tpu.memref_slice %arg13[%dma_start3A_33] : memref<4x!tpu.dma_semaphore, #tpu.memory_space<semaphore_mem>> -> memref<1x!tpu.dma_semaphore, #tpu.memory_space<semaphore_mem>>
    %dma_start3A_35 = tpu.memref_squeeze %dma_start3A_34 : memref<1x!tpu.dma_semaphore, #tpu.memory_space<semaphore_mem>> -> memref<!tpu.dma_semaphore, #tpu.memory_space<semaphore_mem>>
    %dma_start3A_36 = arith.constant 0 : i32
    %dma_start3A_37 = tpu.memref_slice %arg7[%dma_start3A_32, %dma_start3A_36] : memref<32x20480xf32, #tpu.memory_space<vmem>> -> memref<1x20480xf32, #tpu.memory_space<vmem>>
    %dma_start3A_38 = tpu.memref_squeeze %dma_start3A_37 : memref<1x20480xf32, #tpu.memory_space<vmem>> -> memref<20480xf32, #tpu.memory_space<vmem>>
    %dma_start3A_39 = arith.constant 61440 : i32
    %dma_start3A_40 = tpu.memref_slice %arg2[%dma_start3A_39] : memref<655360xf32, #tpu.memory_space<any>> -> memref<20480xf32, #tpu.memory_space<any>>
    tpu.enqueue_dma source(%dma_start3A_40 : memref<20480xf32, #tpu.memory_space<any>>) target(%dma_start3A_38 : memref<20480xf32, #tpu.memory_space<vmem>>) target_semaphore(%dma_start3A_35 : memref<!tpu.dma_semaphore, #tpu.memory_space<semaphore_mem>>)
    %dma_start3A_41 = arith.constant 4 : i32
    %dma_start3A_42 = arith.constant 2 : i32
    %dma_start3A_43 = tpu.memref_slice %arg13[%dma_start3A_42] : memref<4x!tpu.dma_semaphore, #tpu.memory_space<semaphore_mem>> -> memref<1x!tpu.dma_semaphore, #tpu.memory_space<semaphore_mem>>
    %dma_start3A_44 = tpu.memref_squeeze %dma_start3A_43 : memref<1x!tpu.dma_semaphore, #tpu.memory_space<semaphore_mem>> -> memref<!tpu.dma_semaphore, #tpu.memory_space<semaphore_mem>>
    %dma_start3A_45 = arith.constant 0 : i32
    %dma_start3A_46 = tpu.memref_slice %arg7[%dma_start3A_41, %dma_start3A_45] : memref<32x20480xf32, #tpu.memory_space<vmem>> -> memref<1x20480xf32, #tpu.memory_space<vmem>>
    %dma_start3A_47 = tpu.memref_squeeze %dma_start3A_46 : memref<1x20480xf32, #tpu.memory_space<vmem>> -> memref<20480xf32, #tpu.memory_space<vmem>>
    %dma_start3A_48 = arith.constant 81920 : i32
    %dma_start3A_49 = tpu.memref_slice %arg2[%dma_start3A_48] : memref<655360xf32, #tpu.memory_space<any>> -> memref<20480xf32, #tpu.memory_space<any>>
    tpu.enqueue_dma source(%dma_start3A_49 : memref<20480xf32, #tpu.memory_space<any>>) target(%dma_start3A_47 : memref<20480xf32, #tpu.memory_space<vmem>>) target_semaphore(%dma_start3A_44 : memref<!tpu.dma_semaphore, #tpu.memory_space<semaphore_mem>>)
    %dma_start3A_50 = arith.constant 5 : i32
    %dma_start3A_51 = arith.constant 2 : i32
    %dma_start3A_52 = tpu.memref_slice %arg13[%dma_start3A_51] : memref<4x!tpu.dma_semaphore, #tpu.memory_space<semaphore_mem>> -> memref<1x!tpu.dma_semaphore, #tpu.memory_space<semaphore_mem>>
    %dma_start3A_53 = tpu.memref_squeeze %dma_start3A_52 : memref<1x!tpu.dma_semaphore, #tpu.memory_space<semaphore_mem>> -> memref<!tpu.dma_semaphore, #tpu.memory_space<semaphore_mem>>
    %dma_start3A_54 = arith.constant 0 : i32
    %dma_start3A_55 = tpu.memref_slice %arg7[%dma_start3A_50, %dma_start3A_54] : memref<32x20480xf32, #tpu.memory_space<vmem>> -> memref<1x20480xf32, #tpu.memory_space<vmem>>
    %dma_start3A_56 = tpu.memref_squeeze %dma_start3A_55 : memref<1x20480xf32, #tpu.memory_space<vmem>> -> memref<20480xf32, #tpu.memory_space<vmem>>
    %dma_start3A_57 = arith.constant 102400 : i32
    %dma_start3A_58 = tpu.memref_slice %arg2[%dma_start3A_57] : memref<655360xf32, #tpu.memory_space<any>> -> memref<20480xf32, #tpu.memory_space<any>>
    tpu.enqueue_dma source(%dma_start3A_58 : memref<20480xf32, #tpu.memory_space<any>>) target(%dma_start3A_56 : memref<20480xf32, #tpu.memory_space<vmem>>) target_semaphore(%dma_start3A_53 : memref<!tpu.dma_semaphore, #tpu.memory_space<semaphore_mem>>)
    %dma_start3A_59 = arith.constant 6 : i32
    %dma_start3A_60 = arith.constant 2 : i32
    %dma_start3A_61 = tpu.memref_slice %arg13[%dma_start3A_60] : memref<4x!tpu.dma_semaphore, #tpu.memory_space<semaphore_mem>> -> memref<1x!tpu.dma_semaphore, #tpu.memory_space<semaphore_mem>>
    %dma_start3A_62 = tpu.memref_squeeze %dma_start3A_61 : memref<1x!tpu.dma_semaphore, #tpu.memory_space<semaphore_mem>> -> memref<!tpu.dma_semaphore, #tpu.memory_space<semaphore_mem>>
    %dma_start3A_63 = arith.constant 0 : i32
    %dma_start3A_64 = tpu.memref_slice %arg7[%dma_start3A_59, %dma_start3A_63] : memref<32x20480xf32, #tpu.memory_space<vmem>> -> memref<1x20480xf32, #tpu.memory_space<vmem>>
    %dma_start3A_65 = tpu.memref_squeeze %dma_start3A_64 : memref<1x20480xf32, #tpu.memory_space<vmem>> -> memref<20480xf32, #tpu.memory_space<vmem>>
    %dma_start3A_66 = arith.constant 122880 : i32
    %dma_start3A_67 = tpu.memref_slice %arg2[%dma_start3A_66] : memref<655360xf32, #tpu.memory_space<any>> -> memref<20480xf32, #tpu.memory_space<any>>
    tpu.enqueue_dma source(%dma_start3A_67 : memref<20480xf32, #tpu.memory_space<any>>) target(%dma_start3A_65 : memref<20480xf32, #tpu.memory_space<vmem>>) target_semaphore(%dma_start3A_62 : memref<!tpu.dma_semaphore, #tpu.memory_space<semaphore_mem>>)
    %dma_start3A_68 = arith.constant 7 : i32
    %dma_start3A_69 = arith.constant 2 : i32
    %dma_start3A_70 = tpu.memref_slice %arg13[%dma_start3A_69] : memref<4x!tpu.dma_semaphore, #tpu.memory_space<semaphore_mem>> -> memref<1x!tpu.dma_semaphore, #tpu.memory_space<semaphore_mem>>
    %dma_start3A_71 = tpu.memref_squeeze %dma_start3A_70 : memref<1x!tpu.dma_semaphore, #tpu.memory_space<semaphore_mem>> -> memref<!tpu.dma_semaphore, #tpu.memory_space<semaphore_mem>>
    %dma_start3A_72 = arith.constant 0 : i32
    %dma_start3A_73 = tpu.memref_slice %arg7[%dma_start3A_68, %dma_start3A_72] : memref<32x20480xf32, #tpu.memory_space<vmem>> -> memref<1x20480xf32, #tpu.memory_space<vmem>>
    %dma_start3A_74 = tpu.memref_squeeze %dma_start3A_73 : memref<1x20480xf32, #tpu.memory_space<vmem>> -> memref<20480xf32, #tpu.memory_space<vmem>>
    %dma_start3A_75 = arith.constant 143360 : i32
    %dma_start3A_76 = tpu.memref_slice %arg2[%dma_start3A_75] : memref<655360xf32, #tpu.memory_space<any>> -> memref<20480xf32, #tpu.memory_space<any>>
    tpu.enqueue_dma source(%dma_start3A_76 : memref<20480xf32, #tpu.memory_space<any>>) target(%dma_start3A_74 : memref<20480xf32, #tpu.memory_space<vmem>>) target_semaphore(%dma_start3A_71 : memref<!tpu.dma_semaphore, #tpu.memory_space<semaphore_mem>>)
    %dma_start3A_77 = arith.constant 8 : i32
    %dma_start3A_78 = arith.constant 2 : i32
    %dma_start3A_79 = tpu.memref_slice %arg13[%dma_start3A_78] : memref<4x!tpu.dma_semaphore, #tpu.memory_space<semaphore_mem>> -> memref<1x!tpu.dma_semaphore, #tpu.memory_space<semaphore_mem>>
    %dma_start3A_80 = tpu.memref_squeeze %dma_start3A_79 : memref<1x!tpu.dma_semaphore, #tpu.memory_space<semaphore_mem>> -> memref<!tpu.dma_semaphore, #tpu.memory_space<semaphore_mem>>
    %dma_start3A_81 = arith.constant 0 : i32
    %dma_start3A_82 = tpu.memref_slice %arg7[%dma_start3A_77, %dma_start3A_81] : memref<32x20480xf32, #tpu.memory_space<vmem>> -> memref<1x20480xf32, #tpu.memory_space<vmem>>
    %dma_start3A_83 = tpu.memref_squeeze %dma_start3A_82 : memref<1x20480xf32, #tpu.memory_space<vmem>> -> memref<20480xf32, #tpu.memory_space<vmem>>
    %dma_start3A_84 = arith.constant 163840 : i32
    %dma_start3A_85 = tpu.memref_slice %arg2[%dma_start3A_84] : memref<655360xf32, #tpu.memory_space<any>> -> memref<20480xf32, #tpu.memory_space<any>>
    tpu.enqueue_dma source(%dma_start3A_85 : memref<20480xf32, #tpu.memory_space<any>>) target(%dma_start3A_83 : memref<20480xf32, #tpu.memory_space<vmem>>) target_semaphore(%dma_start3A_80 : memref<!tpu.dma_semaphore, #tpu.memory_space<semaphore_mem>>)
    %dma_start3A_86 = arith.constant 9 : i32
    %dma_start3A_87 = arith.constant 2 : i32
    %dma_start3A_88 = tpu.memref_slice %arg13[%dma_start3A_87] : memref<4x!tpu.dma_semaphore, #tpu.memory_space<semaphore_mem>> -> memref<1x!tpu.dma_semaphore, #tpu.memory_space<semaphore_mem>>
    %dma_start3A_89 = tpu.memref_squeeze %dma_start3A_88 : memref<1x!tpu.dma_semaphore, #tpu.memory_space<semaphore_mem>> -> memref<!tpu.dma_semaphore, #tpu.memory_space<semaphore_mem>>
    %dma_start3A_90 = arith.constant 0 : i32
    %dma_start3A_91 = tpu.memref_slice %arg7[%dma_start3A_86, %dma_start3A_90] : memref<32x20480xf32, #tpu.memory_space<vmem>> -> memref<1x20480xf32, #tpu.memory_space<vmem>>
    %dma_start3A_92 = tpu.memref_squeeze %dma_start3A_91 : memref<1x20480xf32, #tpu.memory_space<vmem>> -> memref<20480xf32, #tpu.memory_space<vmem>>
    %dma_start3A_93 = arith.constant 184320 : i32
    %dma_start3A_94 = tpu.memref_slice %arg2[%dma_start3A_93] : memref<655360xf32, #tpu.memory_space<any>> -> memref<20480xf32, #tpu.memory_space<any>>
    tpu.enqueue_dma source(%dma_start3A_94 : memref<20480xf32, #tpu.memory_space<any>>) target(%dma_start3A_92 : memref<20480xf32, #tpu.memory_space<vmem>>) target_semaphore(%dma_start3A_89 : memref<!tpu.dma_semaphore, #tpu.memory_space<semaphore_mem>>)
    %dma_start3A_95 = arith.constant 10 : i32
    %dma_start3A_96 = arith.constant 2 : i32
    %dma_start3A_97 = tpu.memref_slice %arg13[%dma_start3A_96] : memref<4x!tpu.dma_semaphore, #tpu.memory_space<semaphore_mem>> -> memref<1x!tpu.dma_semaphore, #tpu.memory_space<semaphore_mem>>
    %dma_start3A_98 = tpu.memref_squeeze %dma_start3A_97 : memref<1x!tpu.dma_semaphore, #tpu.memory_space<semaphore_mem>> -> memref<!tpu.dma_semaphore, #tpu.memory_space<semaphore_mem>>
    %dma_start3A_99 = arith.constant 0 : i32
    %dma_start3A_100 = tpu.memref_slice %arg7[%dma_start3A_95, %dma_start3A_99] : memref<32x20480xf32, #tpu.memory_space<vmem>> -> memref<1x20480xf32, #tpu.memory_space<vmem>>
    %dma_start3A_101 = tpu.memref_squeeze %dma_start3A_100 : memref<1x20480xf32, #tpu.memory_space<vmem>> -> memref<20480xf32, #tpu.memory_space<vmem>>
    %dma_start3A_102 = arith.constant 204800 : i32
    %dma_start3A_103 = tpu.memref_slice %arg2[%dma_start3A_102] : memref<655360xf32, #tpu.memory_space<any>> -> memref<20480xf32, #tpu.memory_space<any>>
    tpu.enqueue_dma source(%dma_start3A_103 : memref<20480xf32, #tpu.memory_space<any>>) target(%dma_start3A_101 : memref<20480xf32, #tpu.memory_space<vmem>>) target_semaphore(%dma_start3A_98 : memref<!tpu.dma_semaphore, #tpu.memory_space<semaphore_mem>>)
    %dma_start3A_104 = arith.constant 11 : i32
    %dma_start3A_105 = arith.constant 2 : i32
    %dma_start3A_106 = tpu.memref_slice %arg13[%dma_start3A_105] : memref<4x!tpu.dma_semaphore, #tpu.memory_space<semaphore_mem>> -> memref<1x!tpu.dma_semaphore, #tpu.memory_space<semaphore_mem>>
    %dma_start3A_107 = tpu.memref_squeeze %dma_start3A_106 : memref<1x!tpu.dma_semaphore, #tpu.memory_space<semaphore_mem>> -> memref<!tpu.dma_semaphore, #tpu.memory_space<semaphore_mem>>
    %dma_start3A_108 = arith.constant 0 : i32
    %dma_start3A_109 = tpu.memref_slice %arg7[%dma_start3A_104, %dma_start3A_108] : memref<32x20480xf32, #tpu.memory_space<vmem>> -> memref<1x20480xf32, #tpu.memory_space<vmem>>
    %dma_start3A_110 = tpu.memref_squeeze %dma_start3A_109 : memref<1x20480xf32, #tpu.memory_space<vmem>> -> memref<20480xf32, #tpu.memory_space<vmem>>
    %dma_start3A_111 = arith.constant 225280 : i32
    %dma_start3A_112 = tpu.memref_slice %arg2[%dma_start3A_111] : memref<655360xf32, #tpu.memory_space<any>> -> memref<20480xf32, #tpu.memory_space<any>>
    tpu.enqueue_dma source(%dma_start3A_112 : memref<20480xf32, #tpu.memory_space<any>>) target(%dma_start3A_110 : memref<20480xf32, #tpu.memory_space<vmem>>) target_semaphore(%dma_start3A_107 : memref<!tpu.dma_semaphore, #tpu.memory_space<semaphore_mem>>)
    %dma_start3A_113 = arith.constant 12 : i32
    %dma_start3A_114 = arith.constant 2 : i32
    %dma_start3A_115 = tpu.memref_slice %arg13[%dma_start3A_114] : memref<4x!tpu.dma_semaphore, #tpu.memory_space<semaphore_mem>> -> memref<1x!tpu.dma_semaphore, #tpu.memory_space<semaphore_mem>>
    %dma_start3A_116 = tpu.memref_squeeze %dma_start3A_115 : memref<1x!tpu.dma_semaphore, #tpu.memory_space<semaphore_mem>> -> memref<!tpu.dma_semaphore, #tpu.memory_space<semaphore_mem>>
    %dma_start3A_117 = arith.constant 0 : i32
    %dma_start3A_118 = tpu.memref_slice %arg7[%dma_start3A_113, %dma_start3A_117] : memref<32x20480xf32, #tpu.memory_space<vmem>> -> memref<1x20480xf32, #tpu.memory_space<vmem>>
    %dma_start3A_119 = tpu.memref_squeeze %dma_start3A_118 : memref<1x20480xf32, #tpu.memory_space<vmem>> -> memref<20480xf32, #tpu.memory_space<vmem>>
    %dma_start3A_120 = arith.constant 245760 : i32
    %dma_start3A_121 = tpu.memref_slice %arg2[%dma_start3A_120] : memref<655360xf32, #tpu.memory_space<any>> -> memref<20480xf32, #tpu.memory_space<any>>
    tpu.enqueue_dma source(%dma_start3A_121 : memref<20480xf32, #tpu.memory_space<any>>) target(%dma_start3A_119 : memref<20480xf32, #tpu.memory_space<vmem>>) target_semaphore(%dma_start3A_116 : memref<!tpu.dma_semaphore, #tpu.memory_space<semaphore_mem>>)
    %dma_start3A_122 = arith.constant 13 : i32
    %dma_start3A_123 = arith.constant 2 : i32
    %dma_start3A_124 = tpu.memref_slice %arg13[%dma_start3A_123] : memref<4x!tpu.dma_semaphore, #tpu.memory_space<semaphore_mem>> -> memref<1x!tpu.dma_semaphore, #tpu.memory_space<semaphore_mem>>
    %dma_start3A_125 = tpu.memref_squeeze %dma_start3A_124 : memref<1x!tpu.dma_semaphore, #tpu.memory_space<semaphore_mem>> -> memref<!tpu.dma_semaphore, #tpu.memory_space<semaphore_mem>>
    %dma_start3A_126 = arith.constant 0 : i32
    %dma_start3A_127 = tpu.memref_slice %arg7[%dma_start3A_122, %dma_start3A_126] : memref<32x20480xf32, #tpu.memory_space<vmem>> -> memref<1x20480xf32, #tpu.memory_space<vmem>>
    %dma_start3A_128 = tpu.memref_squeeze %dma_start3A_127 : memref<1x20480xf32, #tpu.memory_space<vmem>> -> memref<20480xf32, #tpu.memory_space<vmem>>
    %dma_start3A_129 = arith.constant 266240 : i32
    %dma_start3A_130 = tpu.memref_slice %arg2[%dma_start3A_129] : memref<655360xf32, #tpu.memory_space<any>> -> memref<20480xf32, #tpu.memory_space<any>>
    tpu.enqueue_dma source(%dma_start3A_130 : memref<20480xf32, #tpu.memory_space<any>>) target(%dma_start3A_128 : memref<20480xf32, #tpu.memory_space<vmem>>) target_semaphore(%dma_start3A_125 : memref<!tpu.dma_semaphore, #tpu.memory_space<semaphore_mem>>)
    %dma_start3A_131 = arith.constant 14 : i32
    %dma_start3A_132 = arith.constant 2 : i32
    %dma_start3A_133 = tpu.memref_slice %arg13[%dma_start3A_132] : memref<4x!tpu.dma_semaphore, #tpu.memory_space<semaphore_mem>> -> memref<1x!tpu.dma_semaphore, #tpu.memory_space<semaphore_mem>>
    %dma_start3A_134 = tpu.memref_squeeze %dma_start3A_133 : memref<1x!tpu.dma_semaphore, #tpu.memory_space<semaphore_mem>> -> memref<!tpu.dma_semaphore, #tpu.memory_space<semaphore_mem>>
    %dma_start3A_135 = arith.constant 0 : i32
    %dma_start3A_136 = tpu.memref_slice %arg7[%dma_start3A_131, %dma_start3A_135] : memref<32x20480xf32, #tpu.memory_space<vmem>> -> memref<1x20480xf32, #tpu.memory_space<vmem>>
    %dma_start3A_137 = tpu.memref_squeeze %dma_start3A_136 : memref<1x20480xf32, #tpu.memory_space<vmem>> -> memref<20480xf32, #tpu.memory_space<vmem>>
    %dma_start3A_138 = arith.constant 286720 : i32
    %dma_start3A_139 = tpu.memref_slice %arg2[%dma_start3A_138] : memref<655360xf32, #tpu.memory_space<any>> -> memref<20480xf32, #tpu.memory_space<any>>
    tpu.enqueue_dma source(%dma_start3A_139 : memref<20480xf32, #tpu.memory_space<any>>) target(%dma_start3A_137 : memref<20480xf32, #tpu.memory_space<vmem>>) target_semaphore(%dma_start3A_134 : memref<!tpu.dma_semaphore, #tpu.memory_space<semaphore_mem>>)
    %dma_start3A_140 = arith.constant 15 : i32
    %dma_start3A_141 = arith.constant 2 : i32
    %dma_start3A_142 = tpu.memref_slice %arg13[%dma_start3A_141] : memref<4x!tpu.dma_semaphore, #tpu.memory_space<semaphore_mem>> -> memref<1x!tpu.dma_semaphore, #tpu.memory_space<semaphore_mem>>
    %dma_start3A_143 = tpu.memref_squeeze %dma_start3A_142 : memref<1x!tpu.dma_semaphore, #tpu.memory_space<semaphore_mem>> -> memref<!tpu.dma_semaphore, #tpu.memory_space<semaphore_mem>>
    %dma_start3A_144 = arith.constant 0 : i32
    %dma_start3A_145 = tpu.memref_slice %arg7[%dma_start3A_140, %dma_start3A_144] : memref<32x20480xf32, #tpu.memory_space<vmem>> -> memref<1x20480xf32, #tpu.memory_space<vmem>>
    %dma_start3A_146 = tpu.memref_squeeze %dma_start3A_145 : memref<1x20480xf32, #tpu.memory_space<vmem>> -> memref<20480xf32, #tpu.memory_space<vmem>>
    %dma_start3A_147 = arith.constant 307200 : i32
    %dma_start3A_148 = tpu.memref_slice %arg2[%dma_start3A_147] : memref<655360xf32, #tpu.memory_space<any>> -> memref<20480xf32, #tpu.memory_space<any>>
    tpu.enqueue_dma source(%dma_start3A_148 : memref<20480xf32, #tpu.memory_space<any>>) target(%dma_start3A_146 : memref<20480xf32, #tpu.memory_space<vmem>>) target_semaphore(%dma_start3A_143 : memref<!tpu.dma_semaphore, #tpu.memory_space<semaphore_mem>>)
    %dma_start3A_149 = arith.constant 16 : i32
    %dma_start3A_150 = arith.constant 2 : i32
    %dma_start3A_151 = tpu.memref_slice %arg13[%dma_start3A_150] : memref<4x!tpu.dma_semaphore, #tpu.memory_space<semaphore_mem>> -> memref<1x!tpu.dma_semaphore, #tpu.memory_space<semaphore_mem>>
    %dma_start3A_152 = tpu.memref_squeeze %dma_start3A_151 : memref<1x!tpu.dma_semaphore, #tpu.memory_space<semaphore_mem>> -> memref<!tpu.dma_semaphore, #tpu.memory_space<semaphore_mem>>
    %dma_start3A_153 = arith.constant 0 : i32
    %dma_start3A_154 = tpu.memref_slice %arg7[%dma_start3A_149, %dma_start3A_153] : memref<32x20480xf32, #tpu.memory_space<vmem>> -> memref<1x20480xf32, #tpu.memory_space<vmem>>
    %dma_start3A_155 = tpu.memref_squeeze %dma_start3A_154 : memref<1x20480xf32, #tpu.memory_space<vmem>> -> memref<20480xf32, #tpu.memory_space<vmem>>
    %dma_start3A_156 = arith.constant 327680 : i32
    %dma_start3A_157 = tpu.memref_slice %arg2[%dma_start3A_156] : memref<655360xf32, #tpu.memory_space<any>> -> memref<20480xf32, #tpu.memory_space<any>>
    tpu.enqueue_dma source(%dma_start3A_157 : memref<20480xf32, #tpu.memory_space<any>>) target(%dma_start3A_155 : memref<20480xf32, #tpu.memory_space<vmem>>) target_semaphore(%dma_start3A_152 : memref<!tpu.dma_semaphore, #tpu.memory_space<semaphore_mem>>)
    %dma_start3A_158 = arith.constant 17 : i32
    %dma_start3A_159 = arith.constant 2 : i32
    %dma_start3A_160 = tpu.memref_slice %arg13[%dma_start3A_159] : memref<4x!tpu.dma_semaphore, #tpu.memory_space<semaphore_mem>> -> memref<1x!tpu.dma_semaphore, #tpu.memory_space<semaphore_mem>>
    %dma_start3A_161 = tpu.memref_squeeze %dma_start3A_160 : memref<1x!tpu.dma_semaphore, #tpu.memory_space<semaphore_mem>> -> memref<!tpu.dma_semaphore, #tpu.memory_space<semaphore_mem>>
    %dma_start3A_162 = arith.constant 0 : i32
    %dma_start3A_163 = tpu.memref_slice %arg7[%dma_start3A_158, %dma_start3A_162] : memref<32x20480xf32, #tpu.memory_space<vmem>> -> memref<1x20480xf32, #tpu.memory_space<vmem>>
    %dma_start3A_164 = tpu.memref_squeeze %dma_start3A_163 : memref<1x20480xf32, #tpu.memory_space<vmem>> -> memref<20480xf32, #tpu.memory_space<vmem>>
    %dma_start3A_165 = arith.constant 348160 : i32
    %dma_start3A_166 = tpu.memref_slice %arg2[%dma_start3A_165] : memref<655360xf32, #tpu.memory_space<any>> -> memref<20480xf32, #tpu.memory_space<any>>
    tpu.enqueue_dma source(%dma_start3A_166 : memref<20480xf32, #tpu.memory_space<any>>) target(%dma_start3A_164 : memref<20480xf32, #tpu.memory_space<vmem>>) target_semaphore(%dma_start3A_161 : memref<!tpu.dma_semaphore, #tpu.memory_space<semaphore_mem>>)
    %dma_start3A_167 = arith.constant 18 : i32
    %dma_start3A_168 = arith.constant 2 : i32
    %dma_start3A_169 = tpu.memref_slice %arg13[%dma_start3A_168] : memref<4x!tpu.dma_semaphore, #tpu.memory_space<semaphore_mem>> -> memref<1x!tpu.dma_semaphore, #tpu.memory_space<semaphore_mem>>
    %dma_start3A_170 = tpu.memref_squeeze %dma_start3A_169 : memref<1x!tpu.dma_semaphore, #tpu.memory_space<semaphore_mem>> -> memref<!tpu.dma_semaphore, #tpu.memory_space<semaphore_mem>>
    %dma_start3A_171 = arith.constant 0 : i32
    %dma_start3A_172 = tpu.memref_slice %arg7[%dma_start3A_167, %dma_start3A_171] : memref<32x20480xf32, #tpu.memory_space<vmem>> -> memref<1x20480xf32, #tpu.memory_space<vmem>>
    %dma_start3A_173 = tpu.memref_squeeze %dma_start3A_172 : memref<1x20480xf32, #tpu.memory_space<vmem>> -> memref<20480xf32, #tpu.memory_space<vmem>>
    %dma_start3A_174 = arith.constant 368640 : i32
    %dma_start3A_175 = tpu.memref_slice %arg2[%dma_start3A_174] : memref<655360xf32, #tpu.memory_space<any>> -> memref<20480xf32, #tpu.memory_space<any>>
    tpu.enqueue_dma source(%dma_start3A_175 : memref<20480xf32, #tpu.memory_space<any>>) target(%dma_start3A_173 : memref<20480xf32, #tpu.memory_space<vmem>>) target_semaphore(%dma_start3A_170 : memref<!tpu.dma_semaphore, #tpu.memory_space<semaphore_mem>>)
    %dma_start3A_176 = arith.constant 19 : i32
    %dma_start3A_177 = arith.constant 2 : i32
    %dma_start3A_178 = tpu.memref_slice %arg13[%dma_start3A_177] : memref<4x!tpu.dma_semaphore, #tpu.memory_space<semaphore_mem>> -> memref<1x!tpu.dma_semaphore, #tpu.memory_space<semaphore_mem>>
    %dma_start3A_179 = tpu.memref_squeeze %dma_start3A_178 : memref<1x!tpu.dma_semaphore, #tpu.memory_space<semaphore_mem>> -> memref<!tpu.dma_semaphore, #tpu.memory_space<semaphore_mem>>
    %dma_start3A_180 = arith.constant 0 : i32
    %dma_start3A_181 = tpu.memref_slice %arg7[%dma_start3A_176, %dma_start3A_180] : memref<32x20480xf32, #tpu.memory_space<vmem>> -> memref<1x20480xf32, #tpu.memory_space<vmem>>
    %dma_start3A_182 = tpu.memref_squeeze %dma_start3A_181 : memref<1x20480xf32, #tpu.memory_space<vmem>> -> memref<20480xf32, #tpu.memory_space<vmem>>
    %dma_start3A_183 = arith.constant 389120 : i32
    %dma_start3A_184 = tpu.memref_slice %arg2[%dma_start3A_183] : memref<655360xf32, #tpu.memory_space<any>> -> memref<20480xf32, #tpu.memory_space<any>>
    tpu.enqueue_dma source(%dma_start3A_184 : memref<20480xf32, #tpu.memory_space<any>>) target(%dma_start3A_182 : memref<20480xf32, #tpu.memory_space<vmem>>) target_semaphore(%dma_start3A_179 : memref<!tpu.dma_semaphore, #tpu.memory_space<semaphore_mem>>)
    %dma_start3A_185 = arith.constant 20 : i32
    %dma_start3A_186 = arith.constant 2 : i32
    %dma_start3A_187 = tpu.memref_slice %arg13[%dma_start3A_186] : memref<4x!tpu.dma_semaphore, #tpu.memory_space<semaphore_mem>> -> memref<1x!tpu.dma_semaphore, #tpu.memory_space<semaphore_mem>>
    %dma_start3A_188 = tpu.memref_squeeze %dma_start3A_187 : memref<1x!tpu.dma_semaphore, #tpu.memory_space<semaphore_mem>> -> memref<!tpu.dma_semaphore, #tpu.memory_space<semaphore_mem>>
    %dma_start3A_189 = arith.constant 0 : i32
    %dma_start3A_190 = tpu.memref_slice %arg7[%dma_start3A_185, %dma_start3A_189] : memref<32x20480xf32, #tpu.memory_space<vmem>> -> memref<1x20480xf32, #tpu.memory_space<vmem>>
    %dma_start3A_191 = tpu.memref_squeeze %dma_start3A_190 : memref<1x20480xf32, #tpu.memory_space<vmem>> -> memref<20480xf32, #tpu.memory_space<vmem>>
    %dma_start3A_192 = arith.constant 409600 : i32
    %dma_start3A_193 = tpu.memref_slice %arg2[%dma_start3A_192] : memref<655360xf32, #tpu.memory_space<any>> -> memref<20480xf32, #tpu.memory_space<any>>
    tpu.enqueue_dma source(%dma_start3A_193 : memref<20480xf32, #tpu.memory_space<any>>) target(%dma_start3A_191 : memref<20480xf32, #tpu.memory_space<vmem>>) target_semaphore(%dma_start3A_188 : memref<!tpu.dma_semaphore, #tpu.memory_space<semaphore_mem>>)
    %dma_start3A_194 = arith.constant 21 : i32
    %dma_start3A_195 = arith.constant 2 : i32
    %dma_start3A_196 = tpu.memref_slice %arg13[%dma_start3A_195] : memref<4x!tpu.dma_semaphore, #tpu.memory_space<semaphore_mem>> -> memref<1x!tpu.dma_semaphore, #tpu.memory_space<semaphore_mem>>
    %dma_start3A_197 = tpu.memref_squeeze %dma_start3A_196 : memref<1x!tpu.dma_semaphore, #tpu.memory_space<semaphore_mem>> -> memref<!tpu.dma_semaphore, #tpu.memory_space<semaphore_mem>>
    %dma_start3A_198 = arith.constant 0 : i32
    %dma_start3A_199 = tpu.memref_slice %arg7[%dma_start3A_194, %dma_start3A_198] : memref<32x20480xf32, #tpu.memory_space<vmem>> -> memref<1x20480xf32, #tpu.memory_space<vmem>>
    %dma_start3A_200 = tpu.memref_squeeze %dma_start3A_199 : memref<1x20480xf32, #tpu.memory_space<vmem>> -> memref<20480xf32, #tpu.memory_space<vmem>>
    %dma_start3A_201 = arith.constant 430080 : i32
    %dma_start3A_202 = tpu.memref_slice %arg2[%dma_start3A_201] : memref<655360xf32, #tpu.memory_space<any>> -> memref<20480xf32, #tpu.memory_space<any>>
    tpu.enqueue_dma source(%dma_start3A_202 : memref<20480xf32, #tpu.memory_space<any>>) target(%dma_start3A_200 : memref<20480xf32, #tpu.memory_space<vmem>>) target_semaphore(%dma_start3A_197 : memref<!tpu.dma_semaphore, #tpu.memory_space<semaphore_mem>>)
    %dma_start3A_203 = arith.constant 22 : i32
    %dma_start3A_204 = arith.constant 2 : i32
    %dma_start3A_205 = tpu.memref_slice %arg13[%dma_start3A_204] : memref<4x!tpu.dma_semaphore, #tpu.memory_space<semaphore_mem>> -> memref<1x!tpu.dma_semaphore, #tpu.memory_space<semaphore_mem>>
    %dma_start3A_206 = tpu.memref_squeeze %dma_start3A_205 : memref<1x!tpu.dma_semaphore, #tpu.memory_space<semaphore_mem>> -> memref<!tpu.dma_semaphore, #tpu.memory_space<semaphore_mem>>
    %dma_start3A_207 = arith.constant 0 : i32
    %dma_start3A_208 = tpu.memref_slice %arg7[%dma_start3A_203, %dma_start3A_207] : memref<32x20480xf32, #tpu.memory_space<vmem>> -> memref<1x20480xf32, #tpu.memory_space<vmem>>
    %dma_start3A_209 = tpu.memref_squeeze %dma_start3A_208 : memref<1x20480xf32, #tpu.memory_space<vmem>> -> memref<20480xf32, #tpu.memory_space<vmem>>
    %dma_start3A_210 = arith.constant 450560 : i32
    %dma_start3A_211 = tpu.memref_slice %arg2[%dma_start3A_210] : memref<655360xf32, #tpu.memory_space<any>> -> memref<20480xf32, #tpu.memory_space<any>>
    tpu.enqueue_dma source(%dma_start3A_211 : memref<20480xf32, #tpu.memory_space<any>>) target(%dma_start3A_209 : memref<20480xf32, #tpu.memory_space<vmem>>) target_semaphore(%dma_start3A_206 : memref<!tpu.dma_semaphore, #tpu.memory_space<semaphore_mem>>)
    %dma_start3A_212 = arith.constant 23 : i32
    %dma_start3A_213 = arith.constant 2 : i32
    %dma_start3A_214 = tpu.memref_slice %arg13[%dma_start3A_213] : memref<4x!tpu.dma_semaphore, #tpu.memory_space<semaphore_mem>> -> memref<1x!tpu.dma_semaphore, #tpu.memory_space<semaphore_mem>>
    %dma_start3A_215 = tpu.memref_squeeze %dma_start3A_214 : memref<1x!tpu.dma_semaphore, #tpu.memory_space<semaphore_mem>> -> memref<!tpu.dma_semaphore, #tpu.memory_space<semaphore_mem>>
    %dma_start3A_216 = arith.constant 0 : i32
    %dma_start3A_217 = tpu.memref_slice %arg7[%dma_start3A_212, %dma_start3A_216] : memref<32x20480xf32, #tpu.memory_space<vmem>> -> memref<1x20480xf32, #tpu.memory_space<vmem>>
    %dma_start3A_218 = tpu.memref_squeeze %dma_start3A_217 : memref<1x20480xf32, #tpu.memory_space<vmem>> -> memref<20480xf32, #tpu.memory_space<vmem>>
    %dma_start3A_219 = arith.constant 471040 : i32
    %dma_start3A_220 = tpu.memref_slice %arg2[%dma_start3A_219] : memref<655360xf32, #tpu.memory_space<any>> -> memref<20480xf32, #tpu.memory_space<any>>
    tpu.enqueue_dma source(%dma_start3A_220 : memref<20480xf32, #tpu.memory_space<any>>) target(%dma_start3A_218 : memref<20480xf32, #tpu.memory_space<vmem>>) target_semaphore(%dma_start3A_215 : memref<!tpu.dma_semaphore, #tpu.memory_space<semaphore_mem>>)
    %dma_start3A_221 = arith.constant 24 : i32
    %dma_start3A_222 = arith.constant 2 : i32
    %dma_start3A_223 = tpu.memref_slice %arg13[%dma_start3A_222] : memref<4x!tpu.dma_semaphore, #tpu.memory_space<semaphore_mem>> -> memref<1x!tpu.dma_semaphore, #tpu.memory_space<semaphore_mem>>
    %dma_start3A_224 = tpu.memref_squeeze %dma_start3A_223 : memref<1x!tpu.dma_semaphore, #tpu.memory_space<semaphore_mem>> -> memref<!tpu.dma_semaphore, #tpu.memory_space<semaphore_mem>>
    %dma_start3A_225 = arith.constant 0 : i32
    %dma_start3A_226 = tpu.memref_slice %arg7[%dma_start3A_221, %dma_start3A_225] : memref<32x20480xf32, #tpu.memory_space<vmem>> -> memref<1x20480xf32, #tpu.memory_space<vmem>>
    %dma_start3A_227 = tpu.memref_squeeze %dma_start3A_226 : memref<1x20480xf32, #tpu.memory_space<vmem>> -> memref<20480xf32, #tpu.memory_space<vmem>>
    %dma_start3A_228 = arith.constant 491520 : i32
    %dma_start3A_229 = tpu.memref_slice %arg2[%dma_start3A_228] : memref<655360xf32, #tpu.memory_space<any>> -> memref<20480xf32, #tpu.memory_space<any>>
    tpu.enqueue_dma source(%dma_start3A_229 : memref<20480xf32, #tpu.memory_space<any>>) target(%dma_start3A_227 : memref<20480xf32, #tpu.memory_space<vmem>>) target_semaphore(%dma_start3A_224 : memref<!tpu.dma_semaphore, #tpu.memory_space<semaphore_mem>>)
    %dma_start3A_230 = arith.constant 25 : i32
    %dma_start3A_231 = arith.constant 2 : i32
    %dma_start3A_232 = tpu.memref_slice %arg13[%dma_start3A_231] : memref<4x!tpu.dma_semaphore, #tpu.memory_space<semaphore_mem>> -> memref<1x!tpu.dma_semaphore, #tpu.memory_space<semaphore_mem>>
    %dma_start3A_233 = tpu.memref_squeeze %dma_start3A_232 : memref<1x!tpu.dma_semaphore, #tpu.memory_space<semaphore_mem>> -> memref<!tpu.dma_semaphore, #tpu.memory_space<semaphore_mem>>
    %dma_start3A_234 = arith.constant 0 : i32
    %dma_start3A_235 = tpu.memref_slice %arg7[%dma_start3A_230, %dma_start3A_234] : memref<32x20480xf32, #tpu.memory_space<vmem>> -> memref<1x20480xf32, #tpu.memory_space<vmem>>
    %dma_start3A_236 = tpu.memref_squeeze %dma_start3A_235 : memref<1x20480xf32, #tpu.memory_space<vmem>> -> memref<20480xf32, #tpu.memory_space<vmem>>
    %dma_start3A_237 = arith.constant 512000 : i32
    %dma_start3A_238 = tpu.memref_slice %arg2[%dma_start3A_237] : memref<655360xf32, #tpu.memory_space<any>> -> memref<20480xf32, #tpu.memory_space<any>>
    tpu.enqueue_dma source(%dma_start3A_238 : memref<20480xf32, #tpu.memory_space<any>>) target(%dma_start3A_236 : memref<20480xf32, #tpu.memory_space<vmem>>) target_semaphore(%dma_start3A_233 : memref<!tpu.dma_semaphore, #tpu.memory_space<semaphore_mem>>)
    %dma_start3A_239 = arith.constant 26 : i32
    %dma_start3A_240 = arith.constant 2 : i32
    %dma_start3A_241 = tpu.memref_slice %arg13[%dma_start3A_240] : memref<4x!tpu.dma_semaphore, #tpu.memory_space<semaphore_mem>> -> memref<1x!tpu.dma_semaphore, #tpu.memory_space<semaphore_mem>>
    %dma_start3A_242 = tpu.memref_squeeze %dma_start3A_241 : memref<1x!tpu.dma_semaphore, #tpu.memory_space<semaphore_mem>> -> memref<!tpu.dma_semaphore, #tpu.memory_space<semaphore_mem>>
    %dma_start3A_243 = arith.constant 0 : i32
    %dma_start3A_244 = tpu.memref_slice %arg7[%dma_start3A_239, %dma_start3A_243] : memref<32x20480xf32, #tpu.memory_space<vmem>> -> memref<1x20480xf32, #tpu.memory_space<vmem>>
    %dma_start3A_245 = tpu.memref_squeeze %dma_start3A_244 : memref<1x20480xf32, #tpu.memory_space<vmem>> -> memref<20480xf32, #tpu.memory_space<vmem>>
    %dma_start3A_246 = arith.constant 532480 : i32
    %dma_start3A_247 = tpu.memref_slice %arg2[%dma_start3A_246] : memref<655360xf32, #tpu.memory_space<any>> -> memref<20480xf32, #tpu.memory_space<any>>
    tpu.enqueue_dma source(%dma_start3A_247 : memref<20480xf32, #tpu.memory_space<any>>) target(%dma_start3A_245 : memref<20480xf32, #tpu.memory_space<vmem>>) target_semaphore(%dma_start3A_242 : memref<!tpu.dma_semaphore, #tpu.memory_space<semaphore_mem>>)
    %dma_start3A_248 = arith.constant 27 : i32
    %dma_start3A_249 = arith.constant 2 : i32
    %dma_start3A_250 = tpu.memref_slice %arg13[%dma_start3A_249] : memref<4x!tpu.dma_semaphore, #tpu.memory_space<semaphore_mem>> -> memref<1x!tpu.dma_semaphore, #tpu.memory_space<semaphore_mem>>
    %dma_start3A_251 = tpu.memref_squeeze %dma_start3A_250 : memref<1x!tpu.dma_semaphore, #tpu.memory_space<semaphore_mem>> -> memref<!tpu.dma_semaphore, #tpu.memory_space<semaphore_mem>>
    %dma_start3A_252 = arith.constant 0 : i32
    %dma_start3A_253 = tpu.memref_slice %arg7[%dma_start3A_248, %dma_start3A_252] : memref<32x20480xf32, #tpu.memory_space<vmem>> -> memref<1x20480xf32, #tpu.memory_space<vmem>>
    %dma_start3A_254 = tpu.memref_squeeze %dma_start3A_253 : memref<1x20480xf32, #tpu.memory_space<vmem>> -> memref<20480xf32, #tpu.memory_space<vmem>>
    %dma_start3A_255 = arith.constant 552960 : i32
    %dma_start3A_256 = tpu.memref_slice %arg2[%dma_start3A_255] : memref<655360xf32, #tpu.memory_space<any>> -> memref<20480xf32, #tpu.memory_space<any>>
    tpu.enqueue_dma source(%dma_start3A_256 : memref<20480xf32, #tpu.memory_space<any>>) target(%dma_start3A_254 : memref<20480xf32, #tpu.memory_space<vmem>>) target_semaphore(%dma_start3A_251 : memref<!tpu.dma_semaphore, #tpu.memory_space<semaphore_mem>>)
    %dma_start3A_257 = arith.constant 28 : i32
    %dma_start3A_258 = arith.constant 2 : i32
    %dma_start3A_259 = tpu.memref_slice %arg13[%dma_start3A_258] : memref<4x!tpu.dma_semaphore, #tpu.memory_space<semaphore_mem>> -> memref<1x!tpu.dma_semaphore, #tpu.memory_space<semaphore_mem>>
    %dma_start3A_260 = tpu.memref_squeeze %dma_start3A_259 : memref<1x!tpu.dma_semaphore, #tpu.memory_space<semaphore_mem>> -> memref<!tpu.dma_semaphore, #tpu.memory_space<semaphore_mem>>
    %dma_start3A_261 = arith.constant 0 : i32
    %dma_start3A_262 = tpu.memref_slice %arg7[%dma_start3A_257, %dma_start3A_261] : memref<32x20480xf32, #tpu.memory_space<vmem>> -> memref<1x20480xf32, #tpu.memory_space<vmem>>
    %dma_start3A_263 = tpu.memref_squeeze %dma_start3A_262 : memref<1x20480xf32, #tpu.memory_space<vmem>> -> memref<20480xf32, #tpu.memory_space<vmem>>
    %dma_start3A_264 = arith.constant 573440 : i32
    %dma_start3A_265 = tpu.memref_slice %arg2[%dma_start3A_264] : memref<655360xf32, #tpu.memory_space<any>> -> memref<20480xf32, #tpu.memory_space<any>>
    tpu.enqueue_dma source(%dma_start3A_265 : memref<20480xf32, #tpu.memory_space<any>>) target(%dma_start3A_263 : memref<20480xf32, #tpu.memory_space<vmem>>) target_semaphore(%dma_start3A_260 : memref<!tpu.dma_semaphore, #tpu.memory_space<semaphore_mem>>)
    %dma_start3A_266 = arith.constant 29 : i32
    %dma_start3A_267 = arith.constant 2 : i32
    %dma_start3A_268 = tpu.memref_slice %arg13[%dma_start3A_267] : memref<4x!tpu.dma_semaphore, #tpu.memory_space<semaphore_mem>> -> memref<1x!tpu.dma_semaphore, #tpu.memory_space<semaphore_mem>>
    %dma_start3A_269 = tpu.memref_squeeze %dma_start3A_268 : memref<1x!tpu.dma_semaphore, #tpu.memory_space<semaphore_mem>> -> memref<!tpu.dma_semaphore, #tpu.memory_space<semaphore_mem>>
    %dma_start3A_270 = arith.constant 0 : i32
    %dma_start3A_271 = tpu.memref_slice %arg7[%dma_start3A_266, %dma_start3A_270] : memref<32x20480xf32, #tpu.memory_space<vmem>> -> memref<1x20480xf32, #tpu.memory_space<vmem>>
    %dma_start3A_272 = tpu.memref_squeeze %dma_start3A_271 : memref<1x20480xf32, #tpu.memory_space<vmem>> -> memref<20480xf32, #tpu.memory_space<vmem>>
    %dma_start3A_273 = arith.constant 593920 : i32
    %dma_start3A_274 = tpu.memref_slice %arg2[%dma_start3A_273] : memref<655360xf32, #tpu.memory_space<any>> -> memref<20480xf32, #tpu.memory_space<any>>
    tpu.enqueue_dma source(%dma_start3A_274 : memref<20480xf32, #tpu.memory_space<any>>) target(%dma_start3A_272 : memref<20480xf32, #tpu.memory_space<vmem>>) target_semaphore(%dma_start3A_269 : memref<!tpu.dma_semaphore, #tpu.memory_space<semaphore_mem>>)
    %dma_start3A_275 = arith.constant 30 : i32
    %dma_start3A_276 = arith.constant 2 : i32
    %dma_start3A_277 = tpu.memref_slice %arg13[%dma_start3A_276] : memref<4x!tpu.dma_semaphore, #tpu.memory_space<semaphore_mem>> -> memref<1x!tpu.dma_semaphore, #tpu.memory_space<semaphore_mem>>
    %dma_start3A_278 = tpu.memref_squeeze %dma_start3A_277 : memref<1x!tpu.dma_semaphore, #tpu.memory_space<semaphore_mem>> -> memref<!tpu.dma_semaphore, #tpu.memory_space<semaphore_mem>>
    %dma_start3A_279 = arith.constant 0 : i32
    %dma_start3A_280 = tpu.memref_slice %arg7[%dma_start3A_275, %dma_start3A_279] : memref<32x20480xf32, #tpu.memory_space<vmem>> -> memref<1x20480xf32, #tpu.memory_space<vmem>>
    %dma_start3A_281 = tpu.memref_squeeze %dma_start3A_280 : memref<1x20480xf32, #tpu.memory_space<vmem>> -> memref<20480xf32, #tpu.memory_space<vmem>>
    %dma_start3A_282 = arith.constant 614400 : i32
    %dma_start3A_283 = tpu.memref_slice %arg2[%dma_start3A_282] : memref<655360xf32, #tpu.memory_space<any>> -> memref<20480xf32, #tpu.memory_space<any>>
    tpu.enqueue_dma source(%dma_start3A_283 : memref<20480xf32, #tpu.memory_space<any>>) target(%dma_start3A_281 : memref<20480xf32, #tpu.memory_space<vmem>>) target_semaphore(%dma_start3A_278 : memref<!tpu.dma_semaphore, #tpu.memory_space<semaphore_mem>>)
    %dma_start3A_284 = arith.constant 31 : i32
    %dma_start3A_285 = arith.constant 2 : i32
    %dma_start3A_286 = tpu.memref_slice %arg13[%dma_start3A_285] : memref<4x!tpu.dma_semaphore, #tpu.memory_space<semaphore_mem>> -> memref<1x!tpu.dma_semaphore, #tpu.memory_space<semaphore_mem>>
    %dma_start3A_287 = tpu.memref_squeeze %dma_start3A_286 : memref<1x!tpu.dma_semaphore, #tpu.memory_space<semaphore_mem>> -> memref<!tpu.dma_semaphore, #tpu.memory_space<semaphore_mem>>
    %dma_start3A_288 = arith.constant 0 : i32
    %dma_start3A_289 = tpu.memref_slice %arg7[%dma_start3A_284, %dma_start3A_288] : memref<32x20480xf32, #tpu.memory_space<vmem>> -> memref<1x20480xf32, #tpu.memory_space<vmem>>
    %dma_start3A_290 = tpu.memref_squeeze %dma_start3A_289 : memref<1x20480xf32, #tpu.memory_space<vmem>> -> memref<20480xf32, #tpu.memory_space<vmem>>
    %dma_start3A_291 = arith.constant 634880 : i32
    %dma_start3A_292 = tpu.memref_slice %arg2[%dma_start3A_291] : memref<655360xf32, #tpu.memory_space<any>> -> memref<20480xf32, #tpu.memory_space<any>>
    tpu.enqueue_dma source(%dma_start3A_292 : memref<20480xf32, #tpu.memory_space<any>>) target(%dma_start3A_290 : memref<20480xf32, #tpu.memory_space<vmem>>) target_semaphore(%dma_start3A_287 : memref<!tpu.dma_semaphore, #tpu.memory_space<semaphore_mem>>)
    %dma_start3A_293 = arith.constant 0 : i32
    %dma_start3A_294 = arith.constant 3 : i32
    %dma_start3A_295 = tpu.memref_slice %arg13[%dma_start3A_294] : memref<4x!tpu.dma_semaphore, #tpu.memory_space<semaphore_mem>> -> memref<1x!tpu.dma_semaphore, #tpu.memory_space<semaphore_mem>>
    %dma_start3A_296 = tpu.memref_squeeze %dma_start3A_295 : memref<1x!tpu.dma_semaphore, #tpu.memory_space<semaphore_mem>> -> memref<!tpu.dma_semaphore, #tpu.memory_space<semaphore_mem>>
    %dma_start3A_297 = arith.constant 0 : i32
    %dma_start3A_298 = tpu.memref_slice %arg8[%dma_start3A_293, %dma_start3A_297] : memref<32x20480xf32, #tpu.memory_space<vmem>> -> memref<1x20480xf32, #tpu.memory_space<vmem>>
    %dma_start3A_299 = tpu.memref_squeeze %dma_start3A_298 : memref<1x20480xf32, #tpu.memory_space<vmem>> -> memref<20480xf32, #tpu.memory_space<vmem>>
    %dma_start3A_300 = arith.constant 0 : i32
    %dma_start3A_301 = tpu.memref_slice %arg3[%dma_start3A_300] : memref<655360xf32, #tpu.memory_space<any>> -> memref<20480xf32, #tpu.memory_space<any>>
    tpu.enqueue_dma source(%dma_start3A_301 : memref<20480xf32, #tpu.memory_space<any>>) target(%dma_start3A_299 : memref<20480xf32, #tpu.memory_space<vmem>>) target_semaphore(%dma_start3A_296 : memref<!tpu.dma_semaphore, #tpu.memory_space<semaphore_mem>>)
    %dma_start3A_302 = arith.constant 1 : i32
    %dma_start3A_303 = arith.constant 3 : i32
    %dma_start3A_304 = tpu.memref_slice %arg13[%dma_start3A_303] : memref<4x!tpu.dma_semaphore, #tpu.memory_space<semaphore_mem>> -> memref<1x!tpu.dma_semaphore, #tpu.memory_space<semaphore_mem>>
    %dma_start3A_305 = tpu.memref_squeeze %dma_start3A_304 : memref<1x!tpu.dma_semaphore, #tpu.memory_space<semaphore_mem>> -> memref<!tpu.dma_semaphore, #tpu.memory_space<semaphore_mem>>
    %dma_start3A_306 = arith.constant 0 : i32
    %dma_start3A_307 = tpu.memref_slice %arg8[%dma_start3A_302, %dma_start3A_306] : memref<32x20480xf32, #tpu.memory_space<vmem>> -> memref<1x20480xf32, #tpu.memory_space<vmem>>
    %dma_start3A_308 = tpu.memref_squeeze %dma_start3A_307 : memref<1x20480xf32, #tpu.memory_space<vmem>> -> memref<20480xf32, #tpu.memory_space<vmem>>
    %dma_start3A_309 = arith.constant 20480 : i32
    %dma_start3A_310 = tpu.memref_slice %arg3[%dma_start3A_309] : memref<655360xf32, #tpu.memory_space<any>> -> memref<20480xf32, #tpu.memory_space<any>>
    tpu.enqueue_dma source(%dma_start3A_310 : memref<20480xf32, #tpu.memory_space<any>>) target(%dma_start3A_308 : memref<20480xf32, #tpu.memory_space<vmem>>) target_semaphore(%dma_start3A_305 : memref<!tpu.dma_semaphore, #tpu.memory_space<semaphore_mem>>)
    %dma_start3A_311 = arith.constant 2 : i32
    %dma_start3A_312 = arith.constant 3 : i32
    %dma_start3A_313 = tpu.memref_slice %arg13[%dma_start3A_312] : memref<4x!tpu.dma_semaphore, #tpu.memory_space<semaphore_mem>> -> memref<1x!tpu.dma_semaphore, #tpu.memory_space<semaphore_mem>>
    %dma_start3A_314 = tpu.memref_squeeze %dma_start3A_313 : memref<1x!tpu.dma_semaphore, #tpu.memory_space<semaphore_mem>> -> memref<!tpu.dma_semaphore, #tpu.memory_space<semaphore_mem>>
    %dma_start3A_315 = arith.constant 0 : i32
    %dma_start3A_316 = tpu.memref_slice %arg8[%dma_start3A_311, %dma_start3A_315] : memref<32x20480xf32, #tpu.memory_space<vmem>> -> memref<1x20480xf32, #tpu.memory_space<vmem>>
    %dma_start3A_317 = tpu.memref_squeeze %dma_start3A_316 : memref<1x20480xf32, #tpu.memory_space<vmem>> -> memref<20480xf32, #tpu.memory_space<vmem>>
    %dma_start3A_318 = arith.constant 40960 : i32
    %dma_start3A_319 = tpu.memref_slice %arg3[%dma_start3A_318] : memref<655360xf32, #tpu.memory_space<any>> -> memref<20480xf32, #tpu.memory_space<any>>
    tpu.enqueue_dma source(%dma_start3A_319 : memref<20480xf32, #tpu.memory_space<any>>) target(%dma_start3A_317 : memref<20480xf32, #tpu.memory_space<vmem>>) target_semaphore(%dma_start3A_314 : memref<!tpu.dma_semaphore, #tpu.memory_space<semaphore_mem>>)
    %dma_start3A_320 = arith.constant 3 : i32
    %dma_start3A_321 = arith.constant 3 : i32
    %dma_start3A_322 = tpu.memref_slice %arg13[%dma_start3A_321] : memref<4x!tpu.dma_semaphore, #tpu.memory_space<semaphore_mem>> -> memref<1x!tpu.dma_semaphore, #tpu.memory_space<semaphore_mem>>
    %dma_start3A_323 = tpu.memref_squeeze %dma_start3A_322 : memref<1x!tpu.dma_semaphore, #tpu.memory_space<semaphore_mem>> -> memref<!tpu.dma_semaphore, #tpu.memory_space<semaphore_mem>>
    %dma_start3A_324 = arith.constant 0 : i32
    %dma_start3A_325 = tpu.memref_slice %arg8[%dma_start3A_320, %dma_start3A_324] : memref<32x20480xf32, #tpu.memory_space<vmem>> -> memref<1x20480xf32, #tpu.memory_space<vmem>>
    %dma_start3A_326 = tpu.memref_squeeze %dma_start3A_325 : memref<1x20480xf32, #tpu.memory_space<vmem>> -> memref<20480xf32, #tpu.memory_space<vmem>>
    %dma_start3A_327 = arith.constant 61440 : i32
    %dma_start3A_328 = tpu.memref_slice %arg3[%dma_start3A_327] : memref<655360xf32, #tpu.memory_space<any>> -> memref<20480xf32, #tpu.memory_space<any>>
    tpu.enqueue_dma source(%dma_start3A_328 : memref<20480xf32, #tpu.memory_space<any>>) target(%dma_start3A_326 : memref<20480xf32, #tpu.memory_space<vmem>>) target_semaphore(%dma_start3A_323 : memref<!tpu.dma_semaphore, #tpu.memory_space<semaphore_mem>>)
    %dma_start3A_329 = arith.constant 4 : i32
    %dma_start3A_330 = arith.constant 3 : i32
    %dma_start3A_331 = tpu.memref_slice %arg13[%dma_start3A_330] : memref<4x!tpu.dma_semaphore, #tpu.memory_space<semaphore_mem>> -> memref<1x!tpu.dma_semaphore, #tpu.memory_space<semaphore_mem>>
    %dma_start3A_332 = tpu.memref_squeeze %dma_start3A_331 : memref<1x!tpu.dma_semaphore, #tpu.memory_space<semaphore_mem>> -> memref<!tpu.dma_semaphore, #tpu.memory_space<semaphore_mem>>
    %dma_start3A_333 = arith.constant 0 : i32
    %dma_start3A_334 = tpu.memref_slice %arg8[%dma_start3A_329, %dma_start3A_333] : memref<32x20480xf32, #tpu.memory_space<vmem>> -> memref<1x20480xf32, #tpu.memory_space<vmem>>
    %dma_start3A_335 = tpu.memref_squeeze %dma_start3A_334 : memref<1x20480xf32, #tpu.memory_space<vmem>> -> memref<20480xf32, #tpu.memory_space<vmem>>
    %dma_start3A_336 = arith.constant 81920 : i32
    %dma_start3A_337 = tpu.memref_slice %arg3[%dma_start3A_336] : memref<655360xf32, #tpu.memory_space<any>> -> memref<20480xf32, #tpu.memory_space<any>>
    tpu.enqueue_dma source(%dma_start3A_337 : memref<20480xf32, #tpu.memory_space<any>>) target(%dma_start3A_335 : memref<20480xf32, #tpu.memory_space<vmem>>) target_semaphore(%dma_start3A_332 : memref<!tpu.dma_semaphore, #tpu.memory_space<semaphore_mem>>)
    %dma_start3A_338 = arith.constant 5 : i32
    %dma_start3A_339 = arith.constant 3 : i32
    %dma_start3A_340 = tpu.memref_slice %arg13[%dma_start3A_339] : memref<4x!tpu.dma_semaphore, #tpu.memory_space<semaphore_mem>> -> memref<1x!tpu.dma_semaphore, #tpu.memory_space<semaphore_mem>>
    %dma_start3A_341 = tpu.memref_squeeze %dma_start3A_340 : memref<1x!tpu.dma_semaphore, #tpu.memory_space<semaphore_mem>> -> memref<!tpu.dma_semaphore, #tpu.memory_space<semaphore_mem>>
    %dma_start3A_342 = arith.constant 0 : i32
    %dma_start3A_343 = tpu.memref_slice %arg8[%dma_start3A_338, %dma_start3A_342] : memref<32x20480xf32, #tpu.memory_space<vmem>> -> memref<1x20480xf32, #tpu.memory_space<vmem>>
    %dma_start3A_344 = tpu.memref_squeeze %dma_start3A_343 : memref<1x20480xf32, #tpu.memory_space<vmem>> -> memref<20480xf32, #tpu.memory_space<vmem>>
    %dma_start3A_345 = arith.constant 102400 : i32
    %dma_start3A_346 = tpu.memref_slice %arg3[%dma_start3A_345] : memref<655360xf32, #tpu.memory_space<any>> -> memref<20480xf32, #tpu.memory_space<any>>
    tpu.enqueue_dma source(%dma_start3A_346 : memref<20480xf32, #tpu.memory_space<any>>) target(%dma_start3A_344 : memref<20480xf32, #tpu.memory_space<vmem>>) target_semaphore(%dma_start3A_341 : memref<!tpu.dma_semaphore, #tpu.memory_space<semaphore_mem>>)
    %dma_start3A_347 = arith.constant 6 : i32
    %dma_start3A_348 = arith.constant 3 : i32
    %dma_start3A_349 = tpu.memref_slice %arg13[%dma_start3A_348] : memref<4x!tpu.dma_semaphore, #tpu.memory_space<semaphore_mem>> -> memref<1x!tpu.dma_semaphore, #tpu.memory_space<semaphore_mem>>
    %dma_start3A_350 = tpu.memref_squeeze %dma_start3A_349 : memref<1x!tpu.dma_semaphore, #tpu.memory_space<semaphore_mem>> -> memref<!tpu.dma_semaphore, #tpu.memory_space<semaphore_mem>>
    %dma_start3A_351 = arith.constant 0 : i32
    %dma_start3A_352 = tpu.memref_slice %arg8[%dma_start3A_347, %dma_start3A_351] : memref<32x20480xf32, #tpu.memory_space<vmem>> -> memref<1x20480xf32, #tpu.memory_space<vmem>>
    %dma_start3A_353 = tpu.memref_squeeze %dma_start3A_352 : memref<1x20480xf32, #tpu.memory_space<vmem>> -> memref<20480xf32, #tpu.memory_space<vmem>>
    %dma_start3A_354 = arith.constant 122880 : i32
    %dma_start3A_355 = tpu.memref_slice %arg3[%dma_start3A_354] : memref<655360xf32, #tpu.memory_space<any>> -> memref<20480xf32, #tpu.memory_space<any>>
    tpu.enqueue_dma source(%dma_start3A_355 : memref<20480xf32, #tpu.memory_space<any>>) target(%dma_start3A_353 : memref<20480xf32, #tpu.memory_space<vmem>>) target_semaphore(%dma_start3A_350 : memref<!tpu.dma_semaphore, #tpu.memory_space<semaphore_mem>>)
    %dma_start3A_356 = arith.constant 7 : i32
    %dma_start3A_357 = arith.constant 3 : i32
    %dma_start3A_358 = tpu.memref_slice %arg13[%dma_start3A_357] : memref<4x!tpu.dma_semaphore, #tpu.memory_space<semaphore_mem>> -> memref<1x!tpu.dma_semaphore, #tpu.memory_space<semaphore_mem>>
    %dma_start3A_359 = tpu.memref_squeeze %dma_start3A_358 : memref<1x!tpu.dma_semaphore, #tpu.memory_space<semaphore_mem>> -> memref<!tpu.dma_semaphore, #tpu.memory_space<semaphore_mem>>
    %dma_start3A_360 = arith.constant 0 : i32
    %dma_start3A_361 = tpu.memref_slice %arg8[%dma_start3A_356, %dma_start3A_360] : memref<32x20480xf32, #tpu.memory_space<vmem>> -> memref<1x20480xf32, #tpu.memory_space<vmem>>
    %dma_start3A_362 = tpu.memref_squeeze %dma_start3A_361 : memref<1x20480xf32, #tpu.memory_space<vmem>> -> memref<20480xf32, #tpu.memory_space<vmem>>
    %dma_start3A_363 = arith.constant 143360 : i32
    %dma_start3A_364 = tpu.memref_slice %arg3[%dma_start3A_363] : memref<655360xf32, #tpu.memory_space<any>> -> memref<20480xf32, #tpu.memory_space<any>>
    tpu.enqueue_dma source(%dma_start3A_364 : memref<20480xf32, #tpu.memory_space<any>>) target(%dma_start3A_362 : memref<20480xf32, #tpu.memory_space<vmem>>) target_semaphore(%dma_start3A_359 : memref<!tpu.dma_semaphore, #tpu.memory_space<semaphore_mem>>)
    %dma_start3A_365 = arith.constant 8 : i32
    %dma_start3A_366 = arith.constant 3 : i32
    %dma_start3A_367 = tpu.memref_slice %arg13[%dma_start3A_366] : memref<4x!tpu.dma_semaphore, #tpu.memory_space<semaphore_mem>> -> memref<1x!tpu.dma_semaphore, #tpu.memory_space<semaphore_mem>>
    %dma_start3A_368 = tpu.memref_squeeze %dma_start3A_367 : memref<1x!tpu.dma_semaphore, #tpu.memory_space<semaphore_mem>> -> memref<!tpu.dma_semaphore, #tpu.memory_space<semaphore_mem>>
    %dma_start3A_369 = arith.constant 0 : i32
    %dma_start3A_370 = tpu.memref_slice %arg8[%dma_start3A_365, %dma_start3A_369] : memref<32x20480xf32, #tpu.memory_space<vmem>> -> memref<1x20480xf32, #tpu.memory_space<vmem>>
    %dma_start3A_371 = tpu.memref_squeeze %dma_start3A_370 : memref<1x20480xf32, #tpu.memory_space<vmem>> -> memref<20480xf32, #tpu.memory_space<vmem>>
    %dma_start3A_372 = arith.constant 163840 : i32
    %dma_start3A_373 = tpu.memref_slice %arg3[%dma_start3A_372] : memref<655360xf32, #tpu.memory_space<any>> -> memref<20480xf32, #tpu.memory_space<any>>
    tpu.enqueue_dma source(%dma_start3A_373 : memref<20480xf32, #tpu.memory_space<any>>) target(%dma_start3A_371 : memref<20480xf32, #tpu.memory_space<vmem>>) target_semaphore(%dma_start3A_368 : memref<!tpu.dma_semaphore, #tpu.memory_space<semaphore_mem>>)
    %dma_start3A_374 = arith.constant 9 : i32
    %dma_start3A_375 = arith.constant 3 : i32
    %dma_start3A_376 = tpu.memref_slice %arg13[%dma_start3A_375] : memref<4x!tpu.dma_semaphore, #tpu.memory_space<semaphore_mem>> -> memref<1x!tpu.dma_semaphore, #tpu.memory_space<semaphore_mem>>
    %dma_start3A_377 = tpu.memref_squeeze %dma_start3A_376 : memref<1x!tpu.dma_semaphore, #tpu.memory_space<semaphore_mem>> -> memref<!tpu.dma_semaphore, #tpu.memory_space<semaphore_mem>>
    %dma_start3A_378 = arith.constant 0 : i32
    %dma_start3A_379 = tpu.memref_slice %arg8[%dma_start3A_374, %dma_start3A_378] : memref<32x20480xf32, #tpu.memory_space<vmem>> -> memref<1x20480xf32, #tpu.memory_space<vmem>>
    %dma_start3A_380 = tpu.memref_squeeze %dma_start3A_379 : memref<1x20480xf32, #tpu.memory_space<vmem>> -> memref<20480xf32, #tpu.memory_space<vmem>>
    %dma_start3A_381 = arith.constant 184320 : i32
    %dma_start3A_382 = tpu.memref_slice %arg3[%dma_start3A_381] : memref<655360xf32, #tpu.memory_space<any>> -> memref<20480xf32, #tpu.memory_space<any>>
    tpu.enqueue_dma source(%dma_start3A_382 : memref<20480xf32, #tpu.memory_space<any>>) target(%dma_start3A_380 : memref<20480xf32, #tpu.memory_space<vmem>>) target_semaphore(%dma_start3A_377 : memref<!tpu.dma_semaphore, #tpu.memory_space<semaphore_mem>>)
    %dma_start3A_383 = arith.constant 10 : i32
    %dma_start3A_384 = arith.constant 3 : i32
    %dma_start3A_385 = tpu.memref_slice %arg13[%dma_start3A_384] : memref<4x!tpu.dma_semaphore, #tpu.memory_space<semaphore_mem>> -> memref<1x!tpu.dma_semaphore, #tpu.memory_space<semaphore_mem>>
    %dma_start3A_386 = tpu.memref_squeeze %dma_start3A_385 : memref<1x!tpu.dma_semaphore, #tpu.memory_space<semaphore_mem>> -> memref<!tpu.dma_semaphore, #tpu.memory_space<semaphore_mem>>
    %dma_start3A_387 = arith.constant 0 : i32
    %dma_start3A_388 = tpu.memref_slice %arg8[%dma_start3A_383, %dma_start3A_387] : memref<32x20480xf32, #tpu.memory_space<vmem>> -> memref<1x20480xf32, #tpu.memory_space<vmem>>
    %dma_start3A_389 = tpu.memref_squeeze %dma_start3A_388 : memref<1x20480xf32, #tpu.memory_space<vmem>> -> memref<20480xf32, #tpu.memory_space<vmem>>
    %dma_start3A_390 = arith.constant 204800 : i32
    %dma_start3A_391 = tpu.memref_slice %arg3[%dma_start3A_390] : memref<655360xf32, #tpu.memory_space<any>> -> memref<20480xf32, #tpu.memory_space<any>>
    tpu.enqueue_dma source(%dma_start3A_391 : memref<20480xf32, #tpu.memory_space<any>>) target(%dma_start3A_389 : memref<20480xf32, #tpu.memory_space<vmem>>) target_semaphore(%dma_start3A_386 : memref<!tpu.dma_semaphore, #tpu.memory_space<semaphore_mem>>)
    %dma_start3A_392 = arith.constant 11 : i32
    %dma_start3A_393 = arith.constant 3 : i32
    %dma_start3A_394 = tpu.memref_slice %arg13[%dma_start3A_393] : memref<4x!tpu.dma_semaphore, #tpu.memory_space<semaphore_mem>> -> memref<1x!tpu.dma_semaphore, #tpu.memory_space<semaphore_mem>>
    %dma_start3A_395 = tpu.memref_squeeze %dma_start3A_394 : memref<1x!tpu.dma_semaphore, #tpu.memory_space<semaphore_mem>> -> memref<!tpu.dma_semaphore, #tpu.memory_space<semaphore_mem>>
    %dma_start3A_396 = arith.constant 0 : i32
    %dma_start3A_397 = tpu.memref_slice %arg8[%dma_start3A_392, %dma_start3A_396] : memref<32x20480xf32, #tpu.memory_space<vmem>> -> memref<1x20480xf32, #tpu.memory_space<vmem>>
    %dma_start3A_398 = tpu.memref_squeeze %dma_start3A_397 : memref<1x20480xf32, #tpu.memory_space<vmem>> -> memref<20480xf32, #tpu.memory_space<vmem>>
    %dma_start3A_399 = arith.constant 225280 : i32
    %dma_start3A_400 = tpu.memref_slice %arg3[%dma_start3A_399] : memref<655360xf32, #tpu.memory_space<any>> -> memref<20480xf32, #tpu.memory_space<any>>
    tpu.enqueue_dma source(%dma_start3A_400 : memref<20480xf32, #tpu.memory_space<any>>) target(%dma_start3A_398 : memref<20480xf32, #tpu.memory_space<vmem>>) target_semaphore(%dma_start3A_395 : memref<!tpu.dma_semaphore, #tpu.memory_space<semaphore_mem>>)
    %dma_start3A_401 = arith.constant 12 : i32
    %dma_start3A_402 = arith.constant 3 : i32
    %dma_start3A_403 = tpu.memref_slice %arg13[%dma_start3A_402] : memref<4x!tpu.dma_semaphore, #tpu.memory_space<semaphore_mem>> -> memref<1x!tpu.dma_semaphore, #tpu.memory_space<semaphore_mem>>
    %dma_start3A_404 = tpu.memref_squeeze %dma_start3A_403 : memref<1x!tpu.dma_semaphore, #tpu.memory_space<semaphore_mem>> -> memref<!tpu.dma_semaphore, #tpu.memory_space<semaphore_mem>>
    %dma_start3A_405 = arith.constant 0 : i32
    %dma_start3A_406 = tpu.memref_slice %arg8[%dma_start3A_401, %dma_start3A_405] : memref<32x20480xf32, #tpu.memory_space<vmem>> -> memref<1x20480xf32, #tpu.memory_space<vmem>>
    %dma_start3A_407 = tpu.memref_squeeze %dma_start3A_406 : memref<1x20480xf32, #tpu.memory_space<vmem>> -> memref<20480xf32, #tpu.memory_space<vmem>>
    %dma_start3A_408 = arith.constant 245760 : i32
    %dma_start3A_409 = tpu.memref_slice %arg3[%dma_start3A_408] : memref<655360xf32, #tpu.memory_space<any>> -> memref<20480xf32, #tpu.memory_space<any>>
    tpu.enqueue_dma source(%dma_start3A_409 : memref<20480xf32, #tpu.memory_space<any>>) target(%dma_start3A_407 : memref<20480xf32, #tpu.memory_space<vmem>>) target_semaphore(%dma_start3A_404 : memref<!tpu.dma_semaphore, #tpu.memory_space<semaphore_mem>>)
    %dma_start3A_410 = arith.constant 13 : i32
    %dma_start3A_411 = arith.constant 3 : i32
    %dma_start3A_412 = tpu.memref_slice %arg13[%dma_start3A_411] : memref<4x!tpu.dma_semaphore, #tpu.memory_space<semaphore_mem>> -> memref<1x!tpu.dma_semaphore, #tpu.memory_space<semaphore_mem>>
    %dma_start3A_413 = tpu.memref_squeeze %dma_start3A_412 : memref<1x!tpu.dma_semaphore, #tpu.memory_space<semaphore_mem>> -> memref<!tpu.dma_semaphore, #tpu.memory_space<semaphore_mem>>
    %dma_start3A_414 = arith.constant 0 : i32
    %dma_start3A_415 = tpu.memref_slice %arg8[%dma_start3A_410, %dma_start3A_414] : memref<32x20480xf32, #tpu.memory_space<vmem>> -> memref<1x20480xf32, #tpu.memory_space<vmem>>
    %dma_start3A_416 = tpu.memref_squeeze %dma_start3A_415 : memref<1x20480xf32, #tpu.memory_space<vmem>> -> memref<20480xf32, #tpu.memory_space<vmem>>
    %dma_start3A_417 = arith.constant 266240 : i32
    %dma_start3A_418 = tpu.memref_slice %arg3[%dma_start3A_417] : memref<655360xf32, #tpu.memory_space<any>> -> memref<20480xf32, #tpu.memory_space<any>>
    tpu.enqueue_dma source(%dma_start3A_418 : memref<20480xf32, #tpu.memory_space<any>>) target(%dma_start3A_416 : memref<20480xf32, #tpu.memory_space<vmem>>) target_semaphore(%dma_start3A_413 : memref<!tpu.dma_semaphore, #tpu.memory_space<semaphore_mem>>)
    %dma_start3A_419 = arith.constant 14 : i32
    %dma_start3A_420 = arith.constant 3 : i32
    %dma_start3A_421 = tpu.memref_slice %arg13[%dma_start3A_420] : memref<4x!tpu.dma_semaphore, #tpu.memory_space<semaphore_mem>> -> memref<1x!tpu.dma_semaphore, #tpu.memory_space<semaphore_mem>>
    %dma_start3A_422 = tpu.memref_squeeze %dma_start3A_421 : memref<1x!tpu.dma_semaphore, #tpu.memory_space<semaphore_mem>> -> memref<!tpu.dma_semaphore, #tpu.memory_space<semaphore_mem>>
    %dma_start3A_423 = arith.constant 0 : i32
    %dma_start3A_424 = tpu.memref_slice %arg8[%dma_start3A_419, %dma_start3A_423] : memref<32x20480xf32, #tpu.memory_space<vmem>> -> memref<1x20480xf32, #tpu.memory_space<vmem>>
    %dma_start3A_425 = tpu.memref_squeeze %dma_start3A_424 : memref<1x20480xf32, #tpu.memory_space<vmem>> -> memref<20480xf32, #tpu.memory_space<vmem>>
    %dma_start3A_426 = arith.constant 286720 : i32
    %dma_start3A_427 = tpu.memref_slice %arg3[%dma_start3A_426] : memref<655360xf32, #tpu.memory_space<any>> -> memref<20480xf32, #tpu.memory_space<any>>
    tpu.enqueue_dma source(%dma_start3A_427 : memref<20480xf32, #tpu.memory_space<any>>) target(%dma_start3A_425 : memref<20480xf32, #tpu.memory_space<vmem>>) target_semaphore(%dma_start3A_422 : memref<!tpu.dma_semaphore, #tpu.memory_space<semaphore_mem>>)
    %dma_start3A_428 = arith.constant 15 : i32
    %dma_start3A_429 = arith.constant 3 : i32
    %dma_start3A_430 = tpu.memref_slice %arg13[%dma_start3A_429] : memref<4x!tpu.dma_semaphore, #tpu.memory_space<semaphore_mem>> -> memref<1x!tpu.dma_semaphore, #tpu.memory_space<semaphore_mem>>
    %dma_start3A_431 = tpu.memref_squeeze %dma_start3A_430 : memref<1x!tpu.dma_semaphore, #tpu.memory_space<semaphore_mem>> -> memref<!tpu.dma_semaphore, #tpu.memory_space<semaphore_mem>>
    %dma_start3A_432 = arith.constant 0 : i32
    %dma_start3A_433 = tpu.memref_slice %arg8[%dma_start3A_428, %dma_start3A_432] : memref<32x20480xf32, #tpu.memory_space<vmem>> -> memref<1x20480xf32, #tpu.memory_space<vmem>>
    %dma_start3A_434 = tpu.memref_squeeze %dma_start3A_433 : memref<1x20480xf32, #tpu.memory_space<vmem>> -> memref<20480xf32, #tpu.memory_space<vmem>>
    %dma_start3A_435 = arith.constant 307200 : i32
    %dma_start3A_436 = tpu.memref_slice %arg3[%dma_start3A_435] : memref<655360xf32, #tpu.memory_space<any>> -> memref<20480xf32, #tpu.memory_space<any>>
    tpu.enqueue_dma source(%dma_start3A_436 : memref<20480xf32, #tpu.memory_space<any>>) target(%dma_start3A_434 : memref<20480xf32, #tpu.memory_space<vmem>>) target_semaphore(%dma_start3A_431 : memref<!tpu.dma_semaphore, #tpu.memory_space<semaphore_mem>>)
    %dma_start3A_437 = arith.constant 16 : i32
    %dma_start3A_438 = arith.constant 3 : i32
    %dma_start3A_439 = tpu.memref_slice %arg13[%dma_start3A_438] : memref<4x!tpu.dma_semaphore, #tpu.memory_space<semaphore_mem>> -> memref<1x!tpu.dma_semaphore, #tpu.memory_space<semaphore_mem>>
    %dma_start3A_440 = tpu.memref_squeeze %dma_start3A_439 : memref<1x!tpu.dma_semaphore, #tpu.memory_space<semaphore_mem>> -> memref<!tpu.dma_semaphore, #tpu.memory_space<semaphore_mem>>
    %dma_start3A_441 = arith.constant 0 : i32
    %dma_start3A_442 = tpu.memref_slice %arg8[%dma_start3A_437, %dma_start3A_441] : memref<32x20480xf32, #tpu.memory_space<vmem>> -> memref<1x20480xf32, #tpu.memory_space<vmem>>
    %dma_start3A_443 = tpu.memref_squeeze %dma_start3A_442 : memref<1x20480xf32, #tpu.memory_space<vmem>> -> memref<20480xf32, #tpu.memory_space<vmem>>
    %dma_start3A_444 = arith.constant 327680 : i32
    %dma_start3A_445 = tpu.memref_slice %arg3[%dma_start3A_444] : memref<655360xf32, #tpu.memory_space<any>> -> memref<20480xf32, #tpu.memory_space<any>>
    tpu.enqueue_dma source(%dma_start3A_445 : memref<20480xf32, #tpu.memory_space<any>>) target(%dma_start3A_443 : memref<20480xf32, #tpu.memory_space<vmem>>) target_semaphore(%dma_start3A_440 : memref<!tpu.dma_semaphore, #tpu.memory_space<semaphore_mem>>)
    %dma_start3A_446 = arith.constant 17 : i32
    %dma_start3A_447 = arith.constant 3 : i32
    %dma_start3A_448 = tpu.memref_slice %arg13[%dma_start3A_447] : memref<4x!tpu.dma_semaphore, #tpu.memory_space<semaphore_mem>> -> memref<1x!tpu.dma_semaphore, #tpu.memory_space<semaphore_mem>>
    %dma_start3A_449 = tpu.memref_squeeze %dma_start3A_448 : memref<1x!tpu.dma_semaphore, #tpu.memory_space<semaphore_mem>> -> memref<!tpu.dma_semaphore, #tpu.memory_space<semaphore_mem>>
    %dma_start3A_450 = arith.constant 0 : i32
    %dma_start3A_451 = tpu.memref_slice %arg8[%dma_start3A_446, %dma_start3A_450] : memref<32x20480xf32, #tpu.memory_space<vmem>> -> memref<1x20480xf32, #tpu.memory_space<vmem>>
    %dma_start3A_452 = tpu.memref_squeeze %dma_start3A_451 : memref<1x20480xf32, #tpu.memory_space<vmem>> -> memref<20480xf32, #tpu.memory_space<vmem>>
    %dma_start3A_453 = arith.constant 348160 : i32
    %dma_start3A_454 = tpu.memref_slice %arg3[%dma_start3A_453] : memref<655360xf32, #tpu.memory_space<any>> -> memref<20480xf32, #tpu.memory_space<any>>
    tpu.enqueue_dma source(%dma_start3A_454 : memref<20480xf32, #tpu.memory_space<any>>) target(%dma_start3A_452 : memref<20480xf32, #tpu.memory_space<vmem>>) target_semaphore(%dma_start3A_449 : memref<!tpu.dma_semaphore, #tpu.memory_space<semaphore_mem>>)
    %dma_start3A_455 = arith.constant 18 : i32
    %dma_start3A_456 = arith.constant 3 : i32
    %dma_start3A_457 = tpu.memref_slice %arg13[%dma_start3A_456] : memref<4x!tpu.dma_semaphore, #tpu.memory_space<semaphore_mem>> -> memref<1x!tpu.dma_semaphore, #tpu.memory_space<semaphore_mem>>
    %dma_start3A_458 = tpu.memref_squeeze %dma_start3A_457 : memref<1x!tpu.dma_semaphore, #tpu.memory_space<semaphore_mem>> -> memref<!tpu.dma_semaphore, #tpu.memory_space<semaphore_mem>>
    %dma_start3A_459 = arith.constant 0 : i32
    %dma_start3A_460 = tpu.memref_slice %arg8[%dma_start3A_455, %dma_start3A_459] : memref<32x20480xf32, #tpu.memory_space<vmem>> -> memref<1x20480xf32, #tpu.memory_space<vmem>>
    %dma_start3A_461 = tpu.memref_squeeze %dma_start3A_460 : memref<1x20480xf32, #tpu.memory_space<vmem>> -> memref<20480xf32, #tpu.memory_space<vmem>>
    %dma_start3A_462 = arith.constant 368640 : i32
    %dma_start3A_463 = tpu.memref_slice %arg3[%dma_start3A_462] : memref<655360xf32, #tpu.memory_space<any>> -> memref<20480xf32, #tpu.memory_space<any>>
    tpu.enqueue_dma source(%dma_start3A_463 : memref<20480xf32, #tpu.memory_space<any>>) target(%dma_start3A_461 : memref<20480xf32, #tpu.memory_space<vmem>>) target_semaphore(%dma_start3A_458 : memref<!tpu.dma_semaphore, #tpu.memory_space<semaphore_mem>>)
    %dma_start3A_464 = arith.constant 19 : i32
    %dma_start3A_465 = arith.constant 3 : i32
    %dma_start3A_466 = tpu.memref_slice %arg13[%dma_start3A_465] : memref<4x!tpu.dma_semaphore, #tpu.memory_space<semaphore_mem>> -> memref<1x!tpu.dma_semaphore, #tpu.memory_space<semaphore_mem>>
    %dma_start3A_467 = tpu.memref_squeeze %dma_start3A_466 : memref<1x!tpu.dma_semaphore, #tpu.memory_space<semaphore_mem>> -> memref<!tpu.dma_semaphore, #tpu.memory_space<semaphore_mem>>
    %dma_start3A_468 = arith.constant 0 : i32
    %dma_start3A_469 = tpu.memref_slice %arg8[%dma_start3A_464, %dma_start3A_468] : memref<32x20480xf32, #tpu.memory_space<vmem>> -> memref<1x20480xf32, #tpu.memory_space<vmem>>
    %dma_start3A_470 = tpu.memref_squeeze %dma_start3A_469 : memref<1x20480xf32, #tpu.memory_space<vmem>> -> memref<20480xf32, #tpu.memory_space<vmem>>
    %dma_start3A_471 = arith.constant 389120 : i32
    %dma_start3A_472 = tpu.memref_slice %arg3[%dma_start3A_471] : memref<655360xf32, #tpu.memory_space<any>> -> memref<20480xf32, #tpu.memory_space<any>>
    tpu.enqueue_dma source(%dma_start3A_472 : memref<20480xf32, #tpu.memory_space<any>>) target(%dma_start3A_470 : memref<20480xf32, #tpu.memory_space<vmem>>) target_semaphore(%dma_start3A_467 : memref<!tpu.dma_semaphore, #tpu.memory_space<semaphore_mem>>)
    %dma_start3A_473 = arith.constant 20 : i32
    %dma_start3A_474 = arith.constant 3 : i32
    %dma_start3A_475 = tpu.memref_slice %arg13[%dma_start3A_474] : memref<4x!tpu.dma_semaphore, #tpu.memory_space<semaphore_mem>> -> memref<1x!tpu.dma_semaphore, #tpu.memory_space<semaphore_mem>>
    %dma_start3A_476 = tpu.memref_squeeze %dma_start3A_475 : memref<1x!tpu.dma_semaphore, #tpu.memory_space<semaphore_mem>> -> memref<!tpu.dma_semaphore, #tpu.memory_space<semaphore_mem>>
    %dma_start3A_477 = arith.constant 0 : i32
    %dma_start3A_478 = tpu.memref_slice %arg8[%dma_start3A_473, %dma_start3A_477] : memref<32x20480xf32, #tpu.memory_space<vmem>> -> memref<1x20480xf32, #tpu.memory_space<vmem>>
    %dma_start3A_479 = tpu.memref_squeeze %dma_start3A_478 : memref<1x20480xf32, #tpu.memory_space<vmem>> -> memref<20480xf32, #tpu.memory_space<vmem>>
    %dma_start3A_480 = arith.constant 409600 : i32
    %dma_start3A_481 = tpu.memref_slice %arg3[%dma_start3A_480] : memref<655360xf32, #tpu.memory_space<any>> -> memref<20480xf32, #tpu.memory_space<any>>
    tpu.enqueue_dma source(%dma_start3A_481 : memref<20480xf32, #tpu.memory_space<any>>) target(%dma_start3A_479 : memref<20480xf32, #tpu.memory_space<vmem>>) target_semaphore(%dma_start3A_476 : memref<!tpu.dma_semaphore, #tpu.memory_space<semaphore_mem>>)
    %dma_start3A_482 = arith.constant 21 : i32
    %dma_start3A_483 = arith.constant 3 : i32
    %dma_start3A_484 = tpu.memref_slice %arg13[%dma_start3A_483] : memref<4x!tpu.dma_semaphore, #tpu.memory_space<semaphore_mem>> -> memref<1x!tpu.dma_semaphore, #tpu.memory_space<semaphore_mem>>
    %dma_start3A_485 = tpu.memref_squeeze %dma_start3A_484 : memref<1x!tpu.dma_semaphore, #tpu.memory_space<semaphore_mem>> -> memref<!tpu.dma_semaphore, #tpu.memory_space<semaphore_mem>>
    %dma_start3A_486 = arith.constant 0 : i32
    %dma_start3A_487 = tpu.memref_slice %arg8[%dma_start3A_482, %dma_start3A_486] : memref<32x20480xf32, #tpu.memory_space<vmem>> -> memref<1x20480xf32, #tpu.memory_space<vmem>>
    %dma_start3A_488 = tpu.memref_squeeze %dma_start3A_487 : memref<1x20480xf32, #tpu.memory_space<vmem>> -> memref<20480xf32, #tpu.memory_space<vmem>>
    %dma_start3A_489 = arith.constant 430080 : i32
    %dma_start3A_490 = tpu.memref_slice %arg3[%dma_start3A_489] : memref<655360xf32, #tpu.memory_space<any>> -> memref<20480xf32, #tpu.memory_space<any>>
    tpu.enqueue_dma source(%dma_start3A_490 : memref<20480xf32, #tpu.memory_space<any>>) target(%dma_start3A_488 : memref<20480xf32, #tpu.memory_space<vmem>>) target_semaphore(%dma_start3A_485 : memref<!tpu.dma_semaphore, #tpu.memory_space<semaphore_mem>>)
    %dma_start3A_491 = arith.constant 22 : i32
    %dma_start3A_492 = arith.constant 3 : i32
    %dma_start3A_493 = tpu.memref_slice %arg13[%dma_start3A_492] : memref<4x!tpu.dma_semaphore, #tpu.memory_space<semaphore_mem>> -> memref<1x!tpu.dma_semaphore, #tpu.memory_space<semaphore_mem>>
    %dma_start3A_494 = tpu.memref_squeeze %dma_start3A_493 : memref<1x!tpu.dma_semaphore, #tpu.memory_space<semaphore_mem>> -> memref<!tpu.dma_semaphore, #tpu.memory_space<semaphore_mem>>
    %dma_start3A_495 = arith.constant 0 : i32
    %dma_start3A_496 = tpu.memref_slice %arg8[%dma_start3A_491, %dma_start3A_495] : memref<32x20480xf32, #tpu.memory_space<vmem>> -> memref<1x20480xf32, #tpu.memory_space<vmem>>
    %dma_start3A_497 = tpu.memref_squeeze %dma_start3A_496 : memref<1x20480xf32, #tpu.memory_space<vmem>> -> memref<20480xf32, #tpu.memory_space<vmem>>
    %dma_start3A_498 = arith.constant 450560 : i32
    %dma_start3A_499 = tpu.memref_slice %arg3[%dma_start3A_498] : memref<655360xf32, #tpu.memory_space<any>> -> memref<20480xf32, #tpu.memory_space<any>>
    tpu.enqueue_dma source(%dma_start3A_499 : memref<20480xf32, #tpu.memory_space<any>>) target(%dma_start3A_497 : memref<20480xf32, #tpu.memory_space<vmem>>) target_semaphore(%dma_start3A_494 : memref<!tpu.dma_semaphore, #tpu.memory_space<semaphore_mem>>)
    %dma_start3A_500 = arith.constant 23 : i32
    %dma_start3A_501 = arith.constant 3 : i32
    %dma_start3A_502 = tpu.memref_slice %arg13[%dma_start3A_501] : memref<4x!tpu.dma_semaphore, #tpu.memory_space<semaphore_mem>> -> memref<1x!tpu.dma_semaphore, #tpu.memory_space<semaphore_mem>>
    %dma_start3A_503 = tpu.memref_squeeze %dma_start3A_502 : memref<1x!tpu.dma_semaphore, #tpu.memory_space<semaphore_mem>> -> memref<!tpu.dma_semaphore, #tpu.memory_space<semaphore_mem>>
    %dma_start3A_504 = arith.constant 0 : i32
    %dma_start3A_505 = tpu.memref_slice %arg8[%dma_start3A_500, %dma_start3A_504] : memref<32x20480xf32, #tpu.memory_space<vmem>> -> memref<1x20480xf32, #tpu.memory_space<vmem>>
    %dma_start3A_506 = tpu.memref_squeeze %dma_start3A_505 : memref<1x20480xf32, #tpu.memory_space<vmem>> -> memref<20480xf32, #tpu.memory_space<vmem>>
    %dma_start3A_507 = arith.constant 471040 : i32
    %dma_start3A_508 = tpu.memref_slice %arg3[%dma_start3A_507] : memref<655360xf32, #tpu.memory_space<any>> -> memref<20480xf32, #tpu.memory_space<any>>
    tpu.enqueue_dma source(%dma_start3A_508 : memref<20480xf32, #tpu.memory_space<any>>) target(%dma_start3A_506 : memref<20480xf32, #tpu.memory_space<vmem>>) target_semaphore(%dma_start3A_503 : memref<!tpu.dma_semaphore, #tpu.memory_space<semaphore_mem>>)
    %dma_start3A_509 = arith.constant 24 : i32
    %dma_start3A_510 = arith.constant 3 : i32
    %dma_start3A_511 = tpu.memref_slice %arg13[%dma_start3A_510] : memref<4x!tpu.dma_semaphore, #tpu.memory_space<semaphore_mem>> -> memref<1x!tpu.dma_semaphore, #tpu.memory_space<semaphore_mem>>
    %dma_start3A_512 = tpu.memref_squeeze %dma_start3A_511 : memref<1x!tpu.dma_semaphore, #tpu.memory_space<semaphore_mem>> -> memref<!tpu.dma_semaphore, #tpu.memory_space<semaphore_mem>>
    %dma_start3A_513 = arith.constant 0 : i32
    %dma_start3A_514 = tpu.memref_slice %arg8[%dma_start3A_509, %dma_start3A_513] : memref<32x20480xf32, #tpu.memory_space<vmem>> -> memref<1x20480xf32, #tpu.memory_space<vmem>>
    %dma_start3A_515 = tpu.memref_squeeze %dma_start3A_514 : memref<1x20480xf32, #tpu.memory_space<vmem>> -> memref<20480xf32, #tpu.memory_space<vmem>>
    %dma_start3A_516 = arith.constant 491520 : i32
    %dma_start3A_517 = tpu.memref_slice %arg3[%dma_start3A_516] : memref<655360xf32, #tpu.memory_space<any>> -> memref<20480xf32, #tpu.memory_space<any>>
    tpu.enqueue_dma source(%dma_start3A_517 : memref<20480xf32, #tpu.memory_space<any>>) target(%dma_start3A_515 : memref<20480xf32, #tpu.memory_space<vmem>>) target_semaphore(%dma_start3A_512 : memref<!tpu.dma_semaphore, #tpu.memory_space<semaphore_mem>>)
    %dma_start3A_518 = arith.constant 25 : i32
    %dma_start3A_519 = arith.constant 3 : i32
    %dma_start3A_520 = tpu.memref_slice %arg13[%dma_start3A_519] : memref<4x!tpu.dma_semaphore, #tpu.memory_space<semaphore_mem>> -> memref<1x!tpu.dma_semaphore, #tpu.memory_space<semaphore_mem>>
    %dma_start3A_521 = tpu.memref_squeeze %dma_start3A_520 : memref<1x!tpu.dma_semaphore, #tpu.memory_space<semaphore_mem>> -> memref<!tpu.dma_semaphore, #tpu.memory_space<semaphore_mem>>
    %dma_start3A_522 = arith.constant 0 : i32
    %dma_start3A_523 = tpu.memref_slice %arg8[%dma_start3A_518, %dma_start3A_522] : memref<32x20480xf32, #tpu.memory_space<vmem>> -> memref<1x20480xf32, #tpu.memory_space<vmem>>
    %dma_start3A_524 = tpu.memref_squeeze %dma_start3A_523 : memref<1x20480xf32, #tpu.memory_space<vmem>> -> memref<20480xf32, #tpu.memory_space<vmem>>
    %dma_start3A_525 = arith.constant 512000 : i32
    %dma_start3A_526 = tpu.memref_slice %arg3[%dma_start3A_525] : memref<655360xf32, #tpu.memory_space<any>> -> memref<20480xf32, #tpu.memory_space<any>>
    tpu.enqueue_dma source(%dma_start3A_526 : memref<20480xf32, #tpu.memory_space<any>>) target(%dma_start3A_524 : memref<20480xf32, #tpu.memory_space<vmem>>) target_semaphore(%dma_start3A_521 : memref<!tpu.dma_semaphore, #tpu.memory_space<semaphore_mem>>)
    %dma_start3A_527 = arith.constant 26 : i32
    %dma_start3A_528 = arith.constant 3 : i32
    %dma_start3A_529 = tpu.memref_slice %arg13[%dma_start3A_528] : memref<4x!tpu.dma_semaphore, #tpu.memory_space<semaphore_mem>> -> memref<1x!tpu.dma_semaphore, #tpu.memory_space<semaphore_mem>>
    %dma_start3A_530 = tpu.memref_squeeze %dma_start3A_529 : memref<1x!tpu.dma_semaphore, #tpu.memory_space<semaphore_mem>> -> memref<!tpu.dma_semaphore, #tpu.memory_space<semaphore_mem>>
    %dma_start3A_531 = arith.constant 0 : i32
    %dma_start3A_532 = tpu.memref_slice %arg8[%dma_start3A_527, %dma_start3A_531] : memref<32x20480xf32, #tpu.memory_space<vmem>> -> memref<1x20480xf32, #tpu.memory_space<vmem>>
    %dma_start3A_533 = tpu.memref_squeeze %dma_start3A_532 : memref<1x20480xf32, #tpu.memory_space<vmem>> -> memref<20480xf32, #tpu.memory_space<vmem>>
    %dma_start3A_534 = arith.constant 532480 : i32
    %dma_start3A_535 = tpu.memref_slice %arg3[%dma_start3A_534] : memref<655360xf32, #tpu.memory_space<any>> -> memref<20480xf32, #tpu.memory_space<any>>
    tpu.enqueue_dma source(%dma_start3A_535 : memref<20480xf32, #tpu.memory_space<any>>) target(%dma_start3A_533 : memref<20480xf32, #tpu.memory_space<vmem>>) target_semaphore(%dma_start3A_530 : memref<!tpu.dma_semaphore, #tpu.memory_space<semaphore_mem>>)
    %dma_start3A_536 = arith.constant 27 : i32
    %dma_start3A_537 = arith.constant 3 : i32
    %dma_start3A_538 = tpu.memref_slice %arg13[%dma_start3A_537] : memref<4x!tpu.dma_semaphore, #tpu.memory_space<semaphore_mem>> -> memref<1x!tpu.dma_semaphore, #tpu.memory_space<semaphore_mem>>
    %dma_start3A_539 = tpu.memref_squeeze %dma_start3A_538 : memref<1x!tpu.dma_semaphore, #tpu.memory_space<semaphore_mem>> -> memref<!tpu.dma_semaphore, #tpu.memory_space<semaphore_mem>>
    %dma_start3A_540 = arith.constant 0 : i32
    %dma_start3A_541 = tpu.memref_slice %arg8[%dma_start3A_536, %dma_start3A_540] : memref<32x20480xf32, #tpu.memory_space<vmem>> -> memref<1x20480xf32, #tpu.memory_space<vmem>>
    %dma_start3A_542 = tpu.memref_squeeze %dma_start3A_541 : memref<1x20480xf32, #tpu.memory_space<vmem>> -> memref<20480xf32, #tpu.memory_space<vmem>>
    %dma_start3A_543 = arith.constant 552960 : i32
    %dma_start3A_544 = tpu.memref_slice %arg3[%dma_start3A_543] : memref<655360xf32, #tpu.memory_space<any>> -> memref<20480xf32, #tpu.memory_space<any>>
    tpu.enqueue_dma source(%dma_start3A_544 : memref<20480xf32, #tpu.memory_space<any>>) target(%dma_start3A_542 : memref<20480xf32, #tpu.memory_space<vmem>>) target_semaphore(%dma_start3A_539 : memref<!tpu.dma_semaphore, #tpu.memory_space<semaphore_mem>>)
    %dma_start3A_545 = arith.constant 28 : i32
    %dma_start3A_546 = arith.constant 3 : i32
    %dma_start3A_547 = tpu.memref_slice %arg13[%dma_start3A_546] : memref<4x!tpu.dma_semaphore, #tpu.memory_space<semaphore_mem>> -> memref<1x!tpu.dma_semaphore, #tpu.memory_space<semaphore_mem>>
    %dma_start3A_548 = tpu.memref_squeeze %dma_start3A_547 : memref<1x!tpu.dma_semaphore, #tpu.memory_space<semaphore_mem>> -> memref<!tpu.dma_semaphore, #tpu.memory_space<semaphore_mem>>
    %dma_start3A_549 = arith.constant 0 : i32
    %dma_start3A_550 = tpu.memref_slice %arg8[%dma_start3A_545, %dma_start3A_549] : memref<32x20480xf32, #tpu.memory_space<vmem>> -> memref<1x20480xf32, #tpu.memory_space<vmem>>
    %dma_start3A_551 = tpu.memref_squeeze %dma_start3A_550 : memref<1x20480xf32, #tpu.memory_space<vmem>> -> memref<20480xf32, #tpu.memory_space<vmem>>
    %dma_start3A_552 = arith.constant 573440 : i32
    %dma_start3A_553 = tpu.memref_slice %arg3[%dma_start3A_552] : memref<655360xf32, #tpu.memory_space<any>> -> memref<20480xf32, #tpu.memory_space<any>>
    tpu.enqueue_dma source(%dma_start3A_553 : memref<20480xf32, #tpu.memory_space<any>>) target(%dma_start3A_551 : memref<20480xf32, #tpu.memory_space<vmem>>) target_semaphore(%dma_start3A_548 : memref<!tpu.dma_semaphore, #tpu.memory_space<semaphore_mem>>)
    %dma_start3A_554 = arith.constant 29 : i32
    %dma_start3A_555 = arith.constant 3 : i32
    %dma_start3A_556 = tpu.memref_slice %arg13[%dma_start3A_555] : memref<4x!tpu.dma_semaphore, #tpu.memory_space<semaphore_mem>> -> memref<1x!tpu.dma_semaphore, #tpu.memory_space<semaphore_mem>>
    %dma_start3A_557 = tpu.memref_squeeze %dma_start3A_556 : memref<1x!tpu.dma_semaphore, #tpu.memory_space<semaphore_mem>> -> memref<!tpu.dma_semaphore, #tpu.memory_space<semaphore_mem>>
    %dma_start3A_558 = arith.constant 0 : i32
    %dma_start3A_559 = tpu.memref_slice %arg8[%dma_start3A_554, %dma_start3A_558] : memref<32x20480xf32, #tpu.memory_space<vmem>> -> memref<1x20480xf32, #tpu.memory_space<vmem>>
    %dma_start3A_560 = tpu.memref_squeeze %dma_start3A_559 : memref<1x20480xf32, #tpu.memory_space<vmem>> -> memref<20480xf32, #tpu.memory_space<vmem>>
    %dma_start3A_561 = arith.constant 593920 : i32
    %dma_start3A_562 = tpu.memref_slice %arg3[%dma_start3A_561] : memref<655360xf32, #tpu.memory_space<any>> -> memref<20480xf32, #tpu.memory_space<any>>
    tpu.enqueue_dma source(%dma_start3A_562 : memref<20480xf32, #tpu.memory_space<any>>) target(%dma_start3A_560 : memref<20480xf32, #tpu.memory_space<vmem>>) target_semaphore(%dma_start3A_557 : memref<!tpu.dma_semaphore, #tpu.memory_space<semaphore_mem>>)
    %dma_start3A_563 = arith.constant 30 : i32
    %dma_start3A_564 = arith.constant 3 : i32
    %dma_start3A_565 = tpu.memref_slice %arg13[%dma_start3A_564] : memref<4x!tpu.dma_semaphore, #tpu.memory_space<semaphore_mem>> -> memref<1x!tpu.dma_semaphore, #tpu.memory_space<semaphore_mem>>
    %dma_start3A_566 = tpu.memref_squeeze %dma_start3A_565 : memref<1x!tpu.dma_semaphore, #tpu.memory_space<semaphore_mem>> -> memref<!tpu.dma_semaphore, #tpu.memory_space<semaphore_mem>>
    %dma_start3A_567 = arith.constant 0 : i32
    %dma_start3A_568 = tpu.memref_slice %arg8[%dma_start3A_563, %dma_start3A_567] : memref<32x20480xf32, #tpu.memory_space<vmem>> -> memref<1x20480xf32, #tpu.memory_space<vmem>>
    %dma_start3A_569 = tpu.memref_squeeze %dma_start3A_568 : memref<1x20480xf32, #tpu.memory_space<vmem>> -> memref<20480xf32, #tpu.memory_space<vmem>>
    %dma_start3A_570 = arith.constant 614400 : i32
    %dma_start3A_571 = tpu.memref_slice %arg3[%dma_start3A_570] : memref<655360xf32, #tpu.memory_space<any>> -> memref<20480xf32, #tpu.memory_space<any>>
    tpu.enqueue_dma source(%dma_start3A_571 : memref<20480xf32, #tpu.memory_space<any>>) target(%dma_start3A_569 : memref<20480xf32, #tpu.memory_space<vmem>>) target_semaphore(%dma_start3A_566 : memref<!tpu.dma_semaphore, #tpu.memory_space<semaphore_mem>>)
    %dma_start3A_572 = arith.constant 31 : i32
    %dma_start3A_573 = arith.constant 3 : i32
    %dma_start3A_574 = tpu.memref_slice %arg13[%dma_start3A_573] : memref<4x!tpu.dma_semaphore, #tpu.memory_space<semaphore_mem>> -> memref<1x!tpu.dma_semaphore, #tpu.memory_space<semaphore_mem>>
    %dma_start3A_575 = tpu.memref_squeeze %dma_start3A_574 : memref<1x!tpu.dma_semaphore, #tpu.memory_space<semaphore_mem>> -> memref<!tpu.dma_semaphore, #tpu.memory_space<semaphore_mem>>
    %dma_start3A_576 = arith.constant 0 : i32
    %dma_start3A_577 = tpu.memref_slice %arg8[%dma_start3A_572, %dma_start3A_576] : memref<32x20480xf32, #tpu.memory_space<vmem>> -> memref<1x20480xf32, #tpu.memory_space<vmem>>
    %dma_start3A_578 = tpu.memref_squeeze %dma_start3A_577 : memref<1x20480xf32, #tpu.memory_space<vmem>> -> memref<20480xf32, #tpu.memory_space<vmem>>
    %dma_start3A_579 = arith.constant 634880 : i32
    %dma_start3A_580 = tpu.memref_slice %arg3[%dma_start3A_579] : memref<655360xf32, #tpu.memory_space<any>> -> memref<20480xf32, #tpu.memory_space<any>>
    tpu.enqueue_dma source(%dma_start3A_580 : memref<20480xf32, #tpu.memory_space<any>>) target(%dma_start3A_578 : memref<20480xf32, #tpu.memory_space<vmem>>) target_semaphore(%dma_start3A_575 : memref<!tpu.dma_semaphore, #tpu.memory_space<semaphore_mem>>)
    %dma_wait3A = arith.constant 0 : i32
    %dma_wait3A_581 = tpu.memref_slice %arg13[%dma_wait3A] : memref<4x!tpu.dma_semaphore, #tpu.memory_space<semaphore_mem>> -> memref<1x!tpu.dma_semaphore, #tpu.memory_space<semaphore_mem>>
    %dma_wait3A_582 = tpu.memref_squeeze %dma_wait3A_581 : memref<1x!tpu.dma_semaphore, #tpu.memory_space<semaphore_mem>> -> memref<!tpu.dma_semaphore, #tpu.memory_space<semaphore_mem>>
    tpu.wait_dma2 semaphore(%dma_wait3A_582 : memref<!tpu.dma_semaphore, #tpu.memory_space<semaphore_mem>>) src(%arg0 : memref<64x20000xf32, #tpu.memory_space<any>>) dst(%arg5 : memref<64x20000xf32, #tpu.memory_space<vmem>>)
    %broadcast_in_dim3A = arith.constant 0.000000e+00 : f32
    %broadcast_in_dim3A_583 = vector.broadcast %broadcast_in_dim3A : f32 to vector<64x1xf32>
    %scan3A = arith.constant 0 : i32
    %scan3A_584 = arith.constant 39 : i32
    %scan3A_585 = arith.addi %scan3A, %scan3A_584 : i32
    %scan3A_586 = arith.constant 1 : i32
    %scan3A_587 = scf.for %scan3A_1275 = %scan3A to %scan3A_585 step %scan3A_586 iter_args(%scan3A_1276 = %broadcast_in_dim3A_583) -> (vector<64x1xf32>)  : i32 {
      %mul3A_1277 = arith.constant 512 : i32
      %mul3A_1278 = arith.muli %scan3A_1275, %mul3A_1277 : i32
      %get3A_1279 = arith.constant 0 : index
      %get3A_1280 = arith.index_cast %mul3A_1278 : i32 to index
      %get3A_1281 = vector.load %arg5[%get3A_1279, %get3A_1280] : memref<64x20000xf32, #tpu.memory_space<vmem>>, vector<64x512xf32>
      %logistic3A_1282 = arith.negf %get3A_1281 : vector<64x512xf32>
      %logistic3A_1283 = math.exp %logistic3A_1282 : vector<64x512xf32>
      %logistic3A_1284 = arith.constant 1.000000e+00 : f32
      %logistic3A_1285 = vector.broadcast %logistic3A_1284 : f32 to vector<64x512xf32>
      %logistic3A_1286 = arith.addf %logistic3A_1285, %logistic3A_1283 : vector<64x512xf32>
      %logistic3A_1287 = arith.divf %logistic3A_1285, %logistic3A_1286 : vector<64x512xf32>
      %swap3A_1288 = arith.constant 0 : index
      %swap3A_1289 = arith.index_cast %mul3A_1278 : i32 to index
      %swap3A_1290 = vector.load %arg9[%swap3A_1288, %swap3A_1289] : memref<64x20000xf32, #tpu.memory_space<vmem>>, vector<64x512xf32>
      tpu.vector_store %arg9[%swap3A_1288, %swap3A_1289], %logistic3A_1287 {strides = array<i32>} : memref<64x20000xf32, #tpu.memory_space<vmem>>, vector<64x512xf32>,
      %reduce_sum3A_1291 = arith.constant dense<0.000000e+00> : vector<64xf32>
      %reduce_sum3A_1292 = vector.multi_reduction <add>, %logistic3A_1287, %reduce_sum3A_1291 [1] : vector<64x512xf32> to vector<64xf32>
      %broadcast_in_dim3A_1293 = vector.shape_cast %reduce_sum3A_1292 : vector<64xf32> to vector<64x1xf32>
      %add3A_1294 = arith.addf %scan3A_1276, %broadcast_in_dim3A_1293 : vector<64x1xf32>
      scf.yield %add3A_1294 : vector<64x1xf32>
    }
    %scan3A_588 = arith.constant 39 : i32
    %get3A = arith.constant 0 : index
    %get3A_589 = arith.constant 19968 : index
    %get3A_590 = vector.load %arg5[%get3A, %get3A_589] : memref<64x20000xf32, #tpu.memory_space<vmem>>, vector<64x32xf32>
    %logistic3A = arith.negf %get3A_590 : vector<64x32xf32>
    %logistic3A_591 = math.exp %logistic3A : vector<64x32xf32>
    %logistic3A_592 = arith.constant 1.000000e+00 : f32
    %logistic3A_593 = vector.broadcast %logistic3A_592 : f32 to vector<64x32xf32>
    %logistic3A_594 = arith.addf %logistic3A_593, %logistic3A_591 : vector<64x32xf32>
    %logistic3A_595 = arith.divf %logistic3A_593, %logistic3A_594 : vector<64x32xf32>
    %swap3A = arith.constant 0 : index
    %swap3A_596 = arith.constant 19968 : index
    %swap3A_597 = vector.load %arg9[%swap3A, %swap3A_596] : memref<64x20000xf32, #tpu.memory_space<vmem>>, vector<64x32xf32>
    tpu.vector_store %arg9[%swap3A, %swap3A_596], %logistic3A_595 {strides = array<i32>} : memref<64x20000xf32, #tpu.memory_space<vmem>>, vector<64x32xf32>,
    %reduce_sum3A = arith.constant dense<0.000000e+00> : vector<64xf32>
    %reduce_sum3A_598 = vector.multi_reduction <add>, %logistic3A_595, %reduce_sum3A [1] : vector<64x32xf32> to vector<64xf32>
    %broadcast_in_dim3A_599 = vector.shape_cast %reduce_sum3A_598 : vector<64xf32> to vector<64x1xf32>
    %add3A = arith.addf %scan3A_587, %broadcast_in_dim3A_599 : vector<64x1xf32>
    %mul3A = arith.constant 1.500000e-05 : f32
    %mul3A_600 = vector.broadcast %mul3A : f32 to vector<64x1xf32>
    %mul3A_601 = arith.mulf %add3A, %mul3A_600 : vector<64x1xf32>
    %dma_wait3A_602 = arith.constant 1 : i32
    %dma_wait3A_603 = tpu.memref_slice %arg13[%dma_wait3A_602] : memref<4x!tpu.dma_semaphore, #tpu.memory_space<semaphore_mem>> -> memref<1x!tpu.dma_semaphore, #tpu.memory_space<semaphore_mem>>
    %dma_wait3A_604 = tpu.memref_squeeze %dma_wait3A_603 : memref<1x!tpu.dma_semaphore, #tpu.memory_space<semaphore_mem>> -> memref<!tpu.dma_semaphore, #tpu.memory_space<semaphore_mem>>
    tpu.wait_dma2 semaphore(%dma_wait3A_604 : memref<!tpu.dma_semaphore, #tpu.memory_space<semaphore_mem>>) src(%arg1 : memref<16x20000xf32, #tpu.memory_space<any>>) dst(%arg6 : memref<16x20000xf32, #tpu.memory_space<vmem>>)
    %dma_wait3A_605 = arith.constant 0 : i32
    %dma_wait3A_606 = arith.constant 2 : i32
    %dma_wait3A_607 = tpu.memref_slice %arg13[%dma_wait3A_606] : memref<4x!tpu.dma_semaphore, #tpu.memory_space<semaphore_mem>> -> memref<1x!tpu.dma_semaphore, #tpu.memory_space<semaphore_mem>>
    %dma_wait3A_608 = tpu.memref_squeeze %dma_wait3A_607 : memref<1x!tpu.dma_semaphore, #tpu.memory_space<semaphore_mem>> -> memref<!tpu.dma_semaphore, #tpu.memory_space<semaphore_mem>>
    %dma_wait3A_609 = arith.constant 0 : i32
    %dma_wait3A_610 = tpu.memref_slice %arg7[%dma_wait3A_605, %dma_wait3A_609] : memref<32x20480xf32, #tpu.memory_space<vmem>> -> memref<1x20480xf32, #tpu.memory_space<vmem>>
    %dma_wait3A_611 = tpu.memref_squeeze %dma_wait3A_610 : memref<1x20480xf32, #tpu.memory_space<vmem>> -> memref<20480xf32, #tpu.memory_space<vmem>>
    %dma_wait3A_612 = arith.constant 0 : i32
    %dma_wait3A_613 = tpu.memref_slice %arg2[%dma_wait3A_612] : memref<655360xf32, #tpu.memory_space<any>> -> memref<20480xf32, #tpu.memory_space<any>>
    tpu.wait_dma2 semaphore(%dma_wait3A_608 : memref<!tpu.dma_semaphore, #tpu.memory_space<semaphore_mem>>) src(%dma_wait3A_613 : memref<20480xf32, #tpu.memory_space<any>>) dst(%dma_wait3A_611 : memref<20480xf32, #tpu.memory_space<vmem>>)
    %dma_wait3A_614 = arith.constant 1 : i32
    %dma_wait3A_615 = arith.constant 2 : i32
    %dma_wait3A_616 = tpu.memref_slice %arg13[%dma_wait3A_615] : memref<4x!tpu.dma_semaphore, #tpu.memory_space<semaphore_mem>> -> memref<1x!tpu.dma_semaphore, #tpu.memory_space<semaphore_mem>>
    %dma_wait3A_617 = tpu.memref_squeeze %dma_wait3A_616 : memref<1x!tpu.dma_semaphore, #tpu.memory_space<semaphore_mem>> -> memref<!tpu.dma_semaphore, #tpu.memory_space<semaphore_mem>>
    %dma_wait3A_618 = arith.constant 0 : i32
    %dma_wait3A_619 = tpu.memref_slice %arg7[%dma_wait3A_614, %dma_wait3A_618] : memref<32x20480xf32, #tpu.memory_space<vmem>> -> memref<1x20480xf32, #tpu.memory_space<vmem>>
    %dma_wait3A_620 = tpu.memref_squeeze %dma_wait3A_619 : memref<1x20480xf32, #tpu.memory_space<vmem>> -> memref<20480xf32, #tpu.memory_space<vmem>>
    %dma_wait3A_621 = arith.constant 20480 : i32
    %dma_wait3A_622 = tpu.memref_slice %arg2[%dma_wait3A_621] : memref<655360xf32, #tpu.memory_space<any>> -> memref<20480xf32, #tpu.memory_space<any>>
    tpu.wait_dma2 semaphore(%dma_wait3A_617 : memref<!tpu.dma_semaphore, #tpu.memory_space<semaphore_mem>>) src(%dma_wait3A_622 : memref<20480xf32, #tpu.memory_space<any>>) dst(%dma_wait3A_620 : memref<20480xf32, #tpu.memory_space<vmem>>)
    %dma_wait3A_623 = arith.constant 2 : i32
    %dma_wait3A_624 = arith.constant 2 : i32
    %dma_wait3A_625 = tpu.memref_slice %arg13[%dma_wait3A_624] : memref<4x!tpu.dma_semaphore, #tpu.memory_space<semaphore_mem>> -> memref<1x!tpu.dma_semaphore, #tpu.memory_space<semaphore_mem>>
    %dma_wait3A_626 = tpu.memref_squeeze %dma_wait3A_625 : memref<1x!tpu.dma_semaphore, #tpu.memory_space<semaphore_mem>> -> memref<!tpu.dma_semaphore, #tpu.memory_space<semaphore_mem>>
    %dma_wait3A_627 = arith.constant 0 : i32
    %dma_wait3A_628 = tpu.memref_slice %arg7[%dma_wait3A_623, %dma_wait3A_627] : memref<32x20480xf32, #tpu.memory_space<vmem>> -> memref<1x20480xf32, #tpu.memory_space<vmem>>
    %dma_wait3A_629 = tpu.memref_squeeze %dma_wait3A_628 : memref<1x20480xf32, #tpu.memory_space<vmem>> -> memref<20480xf32, #tpu.memory_space<vmem>>
    %dma_wait3A_630 = arith.constant 40960 : i32
    %dma_wait3A_631 = tpu.memref_slice %arg2[%dma_wait3A_630] : memref<655360xf32, #tpu.memory_space<any>> -> memref<20480xf32, #tpu.memory_space<any>>
    tpu.wait_dma2 semaphore(%dma_wait3A_626 : memref<!tpu.dma_semaphore, #tpu.memory_space<semaphore_mem>>) src(%dma_wait3A_631 : memref<20480xf32, #tpu.memory_space<any>>) dst(%dma_wait3A_629 : memref<20480xf32, #tpu.memory_space<vmem>>)
    %dma_wait3A_632 = arith.constant 3 : i32
    %dma_wait3A_633 = arith.constant 2 : i32
    %dma_wait3A_634 = tpu.memref_slice %arg13[%dma_wait3A_633] : memref<4x!tpu.dma_semaphore, #tpu.memory_space<semaphore_mem>> -> memref<1x!tpu.dma_semaphore, #tpu.memory_space<semaphore_mem>>
    %dma_wait3A_635 = tpu.memref_squeeze %dma_wait3A_634 : memref<1x!tpu.dma_semaphore, #tpu.memory_space<semaphore_mem>> -> memref<!tpu.dma_semaphore, #tpu.memory_space<semaphore_mem>>
    %dma_wait3A_636 = arith.constant 0 : i32
    %dma_wait3A_637 = tpu.memref_slice %arg7[%dma_wait3A_632, %dma_wait3A_636] : memref<32x20480xf32, #tpu.memory_space<vmem>> -> memref<1x20480xf32, #tpu.memory_space<vmem>>
    %dma_wait3A_638 = tpu.memref_squeeze %dma_wait3A_637 : memref<1x20480xf32, #tpu.memory_space<vmem>> -> memref<20480xf32, #tpu.memory_space<vmem>>
    %dma_wait3A_639 = arith.constant 61440 : i32
    %dma_wait3A_640 = tpu.memref_slice %arg2[%dma_wait3A_639] : memref<655360xf32, #tpu.memory_space<any>> -> memref<20480xf32, #tpu.memory_space<any>>
    tpu.wait_dma2 semaphore(%dma_wait3A_635 : memref<!tpu.dma_semaphore, #tpu.memory_space<semaphore_mem>>) src(%dma_wait3A_640 : memref<20480xf32, #tpu.memory_space<any>>) dst(%dma_wait3A_638 : memref<20480xf32, #tpu.memory_space<vmem>>)
    %dma_wait3A_641 = arith.constant 4 : i32
    %dma_wait3A_642 = arith.constant 2 : i32
    %dma_wait3A_643 = tpu.memref_slice %arg13[%dma_wait3A_642] : memref<4x!tpu.dma_semaphore, #tpu.memory_space<semaphore_mem>> -> memref<1x!tpu.dma_semaphore, #tpu.memory_space<semaphore_mem>>
    %dma_wait3A_644 = tpu.memref_squeeze %dma_wait3A_643 : memref<1x!tpu.dma_semaphore, #tpu.memory_space<semaphore_mem>> -> memref<!tpu.dma_semaphore, #tpu.memory_space<semaphore_mem>>
    %dma_wait3A_645 = arith.constant 0 : i32
    %dma_wait3A_646 = tpu.memref_slice %arg7[%dma_wait3A_641, %dma_wait3A_645] : memref<32x20480xf32, #tpu.memory_space<vmem>> -> memref<1x20480xf32, #tpu.memory_space<vmem>>
    %dma_wait3A_647 = tpu.memref_squeeze %dma_wait3A_646 : memref<1x20480xf32, #tpu.memory_space<vmem>> -> memref<20480xf32, #tpu.memory_space<vmem>>
    %dma_wait3A_648 = arith.constant 81920 : i32
    %dma_wait3A_649 = tpu.memref_slice %arg2[%dma_wait3A_648] : memref<655360xf32, #tpu.memory_space<any>> -> memref<20480xf32, #tpu.memory_space<any>>
    tpu.wait_dma2 semaphore(%dma_wait3A_644 : memref<!tpu.dma_semaphore, #tpu.memory_space<semaphore_mem>>) src(%dma_wait3A_649 : memref<20480xf32, #tpu.memory_space<any>>) dst(%dma_wait3A_647 : memref<20480xf32, #tpu.memory_space<vmem>>)
    %dma_wait3A_650 = arith.constant 5 : i32
    %dma_wait3A_651 = arith.constant 2 : i32
    %dma_wait3A_652 = tpu.memref_slice %arg13[%dma_wait3A_651] : memref<4x!tpu.dma_semaphore, #tpu.memory_space<semaphore_mem>> -> memref<1x!tpu.dma_semaphore, #tpu.memory_space<semaphore_mem>>
    %dma_wait3A_653 = tpu.memref_squeeze %dma_wait3A_652 : memref<1x!tpu.dma_semaphore, #tpu.memory_space<semaphore_mem>> -> memref<!tpu.dma_semaphore, #tpu.memory_space<semaphore_mem>>
    %dma_wait3A_654 = arith.constant 0 : i32
    %dma_wait3A_655 = tpu.memref_slice %arg7[%dma_wait3A_650, %dma_wait3A_654] : memref<32x20480xf32, #tpu.memory_space<vmem>> -> memref<1x20480xf32, #tpu.memory_space<vmem>>
    %dma_wait3A_656 = tpu.memref_squeeze %dma_wait3A_655 : memref<1x20480xf32, #tpu.memory_space<vmem>> -> memref<20480xf32, #tpu.memory_space<vmem>>
    %dma_wait3A_657 = arith.constant 102400 : i32
    %dma_wait3A_658 = tpu.memref_slice %arg2[%dma_wait3A_657] : memref<655360xf32, #tpu.memory_space<any>> -> memref<20480xf32, #tpu.memory_space<any>>
    tpu.wait_dma2 semaphore(%dma_wait3A_653 : memref<!tpu.dma_semaphore, #tpu.memory_space<semaphore_mem>>) src(%dma_wait3A_658 : memref<20480xf32, #tpu.memory_space<any>>) dst(%dma_wait3A_656 : memref<20480xf32, #tpu.memory_space<vmem>>)
    %dma_wait3A_659 = arith.constant 6 : i32
    %dma_wait3A_660 = arith.constant 2 : i32
    %dma_wait3A_661 = tpu.memref_slice %arg13[%dma_wait3A_660] : memref<4x!tpu.dma_semaphore, #tpu.memory_space<semaphore_mem>> -> memref<1x!tpu.dma_semaphore, #tpu.memory_space<semaphore_mem>>
    %dma_wait3A_662 = tpu.memref_squeeze %dma_wait3A_661 : memref<1x!tpu.dma_semaphore, #tpu.memory_space<semaphore_mem>> -> memref<!tpu.dma_semaphore, #tpu.memory_space<semaphore_mem>>
    %dma_wait3A_663 = arith.constant 0 : i32
    %dma_wait3A_664 = tpu.memref_slice %arg7[%dma_wait3A_659, %dma_wait3A_663] : memref<32x20480xf32, #tpu.memory_space<vmem>> -> memref<1x20480xf32, #tpu.memory_space<vmem>>
    %dma_wait3A_665 = tpu.memref_squeeze %dma_wait3A_664 : memref<1x20480xf32, #tpu.memory_space<vmem>> -> memref<20480xf32, #tpu.memory_space<vmem>>
    %dma_wait3A_666 = arith.constant 122880 : i32
    %dma_wait3A_667 = tpu.memref_slice %arg2[%dma_wait3A_666] : memref<655360xf32, #tpu.memory_space<any>> -> memref<20480xf32, #tpu.memory_space<any>>
    tpu.wait_dma2 semaphore(%dma_wait3A_662 : memref<!tpu.dma_semaphore, #tpu.memory_space<semaphore_mem>>) src(%dma_wait3A_667 : memref<20480xf32, #tpu.memory_space<any>>) dst(%dma_wait3A_665 : memref<20480xf32, #tpu.memory_space<vmem>>)
    %dma_wait3A_668 = arith.constant 7 : i32
    %dma_wait3A_669 = arith.constant 2 : i32
    %dma_wait3A_670 = tpu.memref_slice %arg13[%dma_wait3A_669] : memref<4x!tpu.dma_semaphore, #tpu.memory_space<semaphore_mem>> -> memref<1x!tpu.dma_semaphore, #tpu.memory_space<semaphore_mem>>
    %dma_wait3A_671 = tpu.memref_squeeze %dma_wait3A_670 : memref<1x!tpu.dma_semaphore, #tpu.memory_space<semaphore_mem>> -> memref<!tpu.dma_semaphore, #tpu.memory_space<semaphore_mem>>
    %dma_wait3A_672 = arith.constant 0 : i32
    %dma_wait3A_673 = tpu.memref_slice %arg7[%dma_wait3A_668, %dma_wait3A_672] : memref<32x20480xf32, #tpu.memory_space<vmem>> -> memref<1x20480xf32, #tpu.memory_space<vmem>>
    %dma_wait3A_674 = tpu.memref_squeeze %dma_wait3A_673 : memref<1x20480xf32, #tpu.memory_space<vmem>> -> memref<20480xf32, #tpu.memory_space<vmem>>
    %dma_wait3A_675 = arith.constant 143360 : i32
    %dma_wait3A_676 = tpu.memref_slice %arg2[%dma_wait3A_675] : memref<655360xf32, #tpu.memory_space<any>> -> memref<20480xf32, #tpu.memory_space<any>>
    tpu.wait_dma2 semaphore(%dma_wait3A_671 : memref<!tpu.dma_semaphore, #tpu.memory_space<semaphore_mem>>) src(%dma_wait3A_676 : memref<20480xf32, #tpu.memory_space<any>>) dst(%dma_wait3A_674 : memref<20480xf32, #tpu.memory_space<vmem>>)
    %dma_wait3A_677 = arith.constant 8 : i32
    %dma_wait3A_678 = arith.constant 2 : i32
    %dma_wait3A_679 = tpu.memref_slice %arg13[%dma_wait3A_678] : memref<4x!tpu.dma_semaphore, #tpu.memory_space<semaphore_mem>> -> memref<1x!tpu.dma_semaphore, #tpu.memory_space<semaphore_mem>>
    %dma_wait3A_680 = tpu.memref_squeeze %dma_wait3A_679 : memref<1x!tpu.dma_semaphore, #tpu.memory_space<semaphore_mem>> -> memref<!tpu.dma_semaphore, #tpu.memory_space<semaphore_mem>>
    %dma_wait3A_681 = arith.constant 0 : i32
    %dma_wait3A_682 = tpu.memref_slice %arg7[%dma_wait3A_677, %dma_wait3A_681] : memref<32x20480xf32, #tpu.memory_space<vmem>> -> memref<1x20480xf32, #tpu.memory_space<vmem>>
    %dma_wait3A_683 = tpu.memref_squeeze %dma_wait3A_682 : memref<1x20480xf32, #tpu.memory_space<vmem>> -> memref<20480xf32, #tpu.memory_space<vmem>>
    %dma_wait3A_684 = arith.constant 163840 : i32
    %dma_wait3A_685 = tpu.memref_slice %arg2[%dma_wait3A_684] : memref<655360xf32, #tpu.memory_space<any>> -> memref<20480xf32, #tpu.memory_space<any>>
    tpu.wait_dma2 semaphore(%dma_wait3A_680 : memref<!tpu.dma_semaphore, #tpu.memory_space<semaphore_mem>>) src(%dma_wait3A_685 : memref<20480xf32, #tpu.memory_space<any>>) dst(%dma_wait3A_683 : memref<20480xf32, #tpu.memory_space<vmem>>)
    %dma_wait3A_686 = arith.constant 9 : i32
    %dma_wait3A_687 = arith.constant 2 : i32
    %dma_wait3A_688 = tpu.memref_slice %arg13[%dma_wait3A_687] : memref<4x!tpu.dma_semaphore, #tpu.memory_space<semaphore_mem>> -> memref<1x!tpu.dma_semaphore, #tpu.memory_space<semaphore_mem>>
    %dma_wait3A_689 = tpu.memref_squeeze %dma_wait3A_688 : memref<1x!tpu.dma_semaphore, #tpu.memory_space<semaphore_mem>> -> memref<!tpu.dma_semaphore, #tpu.memory_space<semaphore_mem>>
    %dma_wait3A_690 = arith.constant 0 : i32
    %dma_wait3A_691 = tpu.memref_slice %arg7[%dma_wait3A_686, %dma_wait3A_690] : memref<32x20480xf32, #tpu.memory_space<vmem>> -> memref<1x20480xf32, #tpu.memory_space<vmem>>
    %dma_wait3A_692 = tpu.memref_squeeze %dma_wait3A_691 : memref<1x20480xf32, #tpu.memory_space<vmem>> -> memref<20480xf32, #tpu.memory_space<vmem>>
    %dma_wait3A_693 = arith.constant 184320 : i32
    %dma_wait3A_694 = tpu.memref_slice %arg2[%dma_wait3A_693] : memref<655360xf32, #tpu.memory_space<any>> -> memref<20480xf32, #tpu.memory_space<any>>
    tpu.wait_dma2 semaphore(%dma_wait3A_689 : memref<!tpu.dma_semaphore, #tpu.memory_space<semaphore_mem>>) src(%dma_wait3A_694 : memref<20480xf32, #tpu.memory_space<any>>) dst(%dma_wait3A_692 : memref<20480xf32, #tpu.memory_space<vmem>>)
    %dma_wait3A_695 = arith.constant 10 : i32
    %dma_wait3A_696 = arith.constant 2 : i32
    %dma_wait3A_697 = tpu.memref_slice %arg13[%dma_wait3A_696] : memref<4x!tpu.dma_semaphore, #tpu.memory_space<semaphore_mem>> -> memref<1x!tpu.dma_semaphore, #tpu.memory_space<semaphore_mem>>
    %dma_wait3A_698 = tpu.memref_squeeze %dma_wait3A_697 : memref<1x!tpu.dma_semaphore, #tpu.memory_space<semaphore_mem>> -> memref<!tpu.dma_semaphore, #tpu.memory_space<semaphore_mem>>
    %dma_wait3A_699 = arith.constant 0 : i32
    %dma_wait3A_700 = tpu.memref_slice %arg7[%dma_wait3A_695, %dma_wait3A_699] : memref<32x20480xf32, #tpu.memory_space<vmem>> -> memref<1x20480xf32, #tpu.memory_space<vmem>>
    %dma_wait3A_701 = tpu.memref_squeeze %dma_wait3A_700 : memref<1x20480xf32, #tpu.memory_space<vmem>> -> memref<20480xf32, #tpu.memory_space<vmem>>
    %dma_wait3A_702 = arith.constant 204800 : i32
    %dma_wait3A_703 = tpu.memref_slice %arg2[%dma_wait3A_702] : memref<655360xf32, #tpu.memory_space<any>> -> memref<20480xf32, #tpu.memory_space<any>>
    tpu.wait_dma2 semaphore(%dma_wait3A_698 : memref<!tpu.dma_semaphore, #tpu.memory_space<semaphore_mem>>) src(%dma_wait3A_703 : memref<20480xf32, #tpu.memory_space<any>>) dst(%dma_wait3A_701 : memref<20480xf32, #tpu.memory_space<vmem>>)
    %dma_wait3A_704 = arith.constant 11 : i32
    %dma_wait3A_705 = arith.constant 2 : i32
    %dma_wait3A_706 = tpu.memref_slice %arg13[%dma_wait3A_705] : memref<4x!tpu.dma_semaphore, #tpu.memory_space<semaphore_mem>> -> memref<1x!tpu.dma_semaphore, #tpu.memory_space<semaphore_mem>>
    %dma_wait3A_707 = tpu.memref_squeeze %dma_wait3A_706 : memref<1x!tpu.dma_semaphore, #tpu.memory_space<semaphore_mem>> -> memref<!tpu.dma_semaphore, #tpu.memory_space<semaphore_mem>>
    %dma_wait3A_708 = arith.constant 0 : i32
    %dma_wait3A_709 = tpu.memref_slice %arg7[%dma_wait3A_704, %dma_wait3A_708] : memref<32x20480xf32, #tpu.memory_space<vmem>> -> memref<1x20480xf32, #tpu.memory_space<vmem>>
    %dma_wait3A_710 = tpu.memref_squeeze %dma_wait3A_709 : memref<1x20480xf32, #tpu.memory_space<vmem>> -> memref<20480xf32, #tpu.memory_space<vmem>>
    %dma_wait3A_711 = arith.constant 225280 : i32
    %dma_wait3A_712 = tpu.memref_slice %arg2[%dma_wait3A_711] : memref<655360xf32, #tpu.memory_space<any>> -> memref<20480xf32, #tpu.memory_space<any>>
    tpu.wait_dma2 semaphore(%dma_wait3A_707 : memref<!tpu.dma_semaphore, #tpu.memory_space<semaphore_mem>>) src(%dma_wait3A_712 : memref<20480xf32, #tpu.memory_space<any>>) dst(%dma_wait3A_710 : memref<20480xf32, #tpu.memory_space<vmem>>)
    %dma_wait3A_713 = arith.constant 12 : i32
    %dma_wait3A_714 = arith.constant 2 : i32
    %dma_wait3A_715 = tpu.memref_slice %arg13[%dma_wait3A_714] : memref<4x!tpu.dma_semaphore, #tpu.memory_space<semaphore_mem>> -> memref<1x!tpu.dma_semaphore, #tpu.memory_space<semaphore_mem>>
    %dma_wait3A_716 = tpu.memref_squeeze %dma_wait3A_715 : memref<1x!tpu.dma_semaphore, #tpu.memory_space<semaphore_mem>> -> memref<!tpu.dma_semaphore, #tpu.memory_space<semaphore_mem>>
    %dma_wait3A_717 = arith.constant 0 : i32
    %dma_wait3A_718 = tpu.memref_slice %arg7[%dma_wait3A_713, %dma_wait3A_717] : memref<32x20480xf32, #tpu.memory_space<vmem>> -> memref<1x20480xf32, #tpu.memory_space<vmem>>
    %dma_wait3A_719 = tpu.memref_squeeze %dma_wait3A_718 : memref<1x20480xf32, #tpu.memory_space<vmem>> -> memref<20480xf32, #tpu.memory_space<vmem>>
    %dma_wait3A_720 = arith.constant 245760 : i32
    %dma_wait3A_721 = tpu.memref_slice %arg2[%dma_wait3A_720] : memref<655360xf32, #tpu.memory_space<any>> -> memref<20480xf32, #tpu.memory_space<any>>
    tpu.wait_dma2 semaphore(%dma_wait3A_716 : memref<!tpu.dma_semaphore, #tpu.memory_space<semaphore_mem>>) src(%dma_wait3A_721 : memref<20480xf32, #tpu.memory_space<any>>) dst(%dma_wait3A_719 : memref<20480xf32, #tpu.memory_space<vmem>>)
    %dma_wait3A_722 = arith.constant 13 : i32
    %dma_wait3A_723 = arith.constant 2 : i32
    %dma_wait3A_724 = tpu.memref_slice %arg13[%dma_wait3A_723] : memref<4x!tpu.dma_semaphore, #tpu.memory_space<semaphore_mem>> -> memref<1x!tpu.dma_semaphore, #tpu.memory_space<semaphore_mem>>
    %dma_wait3A_725 = tpu.memref_squeeze %dma_wait3A_724 : memref<1x!tpu.dma_semaphore, #tpu.memory_space<semaphore_mem>> -> memref<!tpu.dma_semaphore, #tpu.memory_space<semaphore_mem>>
    %dma_wait3A_726 = arith.constant 0 : i32
    %dma_wait3A_727 = tpu.memref_slice %arg7[%dma_wait3A_722, %dma_wait3A_726] : memref<32x20480xf32, #tpu.memory_space<vmem>> -> memref<1x20480xf32, #tpu.memory_space<vmem>>
    %dma_wait3A_728 = tpu.memref_squeeze %dma_wait3A_727 : memref<1x20480xf32, #tpu.memory_space<vmem>> -> memref<20480xf32, #tpu.memory_space<vmem>>
    %dma_wait3A_729 = arith.constant 266240 : i32
    %dma_wait3A_730 = tpu.memref_slice %arg2[%dma_wait3A_729] : memref<655360xf32, #tpu.memory_space<any>> -> memref<20480xf32, #tpu.memory_space<any>>
    tpu.wait_dma2 semaphore(%dma_wait3A_725 : memref<!tpu.dma_semaphore, #tpu.memory_space<semaphore_mem>>) src(%dma_wait3A_730 : memref<20480xf32, #tpu.memory_space<any>>) dst(%dma_wait3A_728 : memref<20480xf32, #tpu.memory_space<vmem>>)
    %dma_wait3A_731 = arith.constant 14 : i32
    %dma_wait3A_732 = arith.constant 2 : i32
    %dma_wait3A_733 = tpu.memref_slice %arg13[%dma_wait3A_732] : memref<4x!tpu.dma_semaphore, #tpu.memory_space<semaphore_mem>> -> memref<1x!tpu.dma_semaphore, #tpu.memory_space<semaphore_mem>>
    %dma_wait3A_734 = tpu.memref_squeeze %dma_wait3A_733 : memref<1x!tpu.dma_semaphore, #tpu.memory_space<semaphore_mem>> -> memref<!tpu.dma_semaphore, #tpu.memory_space<semaphore_mem>>
    %dma_wait3A_735 = arith.constant 0 : i32
    %dma_wait3A_736 = tpu.memref_slice %arg7[%dma_wait3A_731, %dma_wait3A_735] : memref<32x20480xf32, #tpu.memory_space<vmem>> -> memref<1x20480xf32, #tpu.memory_space<vmem>>
    %dma_wait3A_737 = tpu.memref_squeeze %dma_wait3A_736 : memref<1x20480xf32, #tpu.memory_space<vmem>> -> memref<20480xf32, #tpu.memory_space<vmem>>
    %dma_wait3A_738 = arith.constant 286720 : i32
    %dma_wait3A_739 = tpu.memref_slice %arg2[%dma_wait3A_738] : memref<655360xf32, #tpu.memory_space<any>> -> memref<20480xf32, #tpu.memory_space<any>>
    tpu.wait_dma2 semaphore(%dma_wait3A_734 : memref<!tpu.dma_semaphore, #tpu.memory_space<semaphore_mem>>) src(%dma_wait3A_739 : memref<20480xf32, #tpu.memory_space<any>>) dst(%dma_wait3A_737 : memref<20480xf32, #tpu.memory_space<vmem>>)
    %dma_wait3A_740 = arith.constant 15 : i32
    %dma_wait3A_741 = arith.constant 2 : i32
    %dma_wait3A_742 = tpu.memref_slice %arg13[%dma_wait3A_741] : memref<4x!tpu.dma_semaphore, #tpu.memory_space<semaphore_mem>> -> memref<1x!tpu.dma_semaphore, #tpu.memory_space<semaphore_mem>>
    %dma_wait3A_743 = tpu.memref_squeeze %dma_wait3A_742 : memref<1x!tpu.dma_semaphore, #tpu.memory_space<semaphore_mem>> -> memref<!tpu.dma_semaphore, #tpu.memory_space<semaphore_mem>>
    %dma_wait3A_744 = arith.constant 0 : i32
    %dma_wait3A_745 = tpu.memref_slice %arg7[%dma_wait3A_740, %dma_wait3A_744] : memref<32x20480xf32, #tpu.memory_space<vmem>> -> memref<1x20480xf32, #tpu.memory_space<vmem>>
    %dma_wait3A_746 = tpu.memref_squeeze %dma_wait3A_745 : memref<1x20480xf32, #tpu.memory_space<vmem>> -> memref<20480xf32, #tpu.memory_space<vmem>>
    %dma_wait3A_747 = arith.constant 307200 : i32
    %dma_wait3A_748 = tpu.memref_slice %arg2[%dma_wait3A_747] : memref<655360xf32, #tpu.memory_space<any>> -> memref<20480xf32, #tpu.memory_space<any>>
    tpu.wait_dma2 semaphore(%dma_wait3A_743 : memref<!tpu.dma_semaphore, #tpu.memory_space<semaphore_mem>>) src(%dma_wait3A_748 : memref<20480xf32, #tpu.memory_space<any>>) dst(%dma_wait3A_746 : memref<20480xf32, #tpu.memory_space<vmem>>)
    %dma_wait3A_749 = arith.constant 16 : i32
    %dma_wait3A_750 = arith.constant 2 : i32
    %dma_wait3A_751 = tpu.memref_slice %arg13[%dma_wait3A_750] : memref<4x!tpu.dma_semaphore, #tpu.memory_space<semaphore_mem>> -> memref<1x!tpu.dma_semaphore, #tpu.memory_space<semaphore_mem>>
    %dma_wait3A_752 = tpu.memref_squeeze %dma_wait3A_751 : memref<1x!tpu.dma_semaphore, #tpu.memory_space<semaphore_mem>> -> memref<!tpu.dma_semaphore, #tpu.memory_space<semaphore_mem>>
    %dma_wait3A_753 = arith.constant 0 : i32
    %dma_wait3A_754 = tpu.memref_slice %arg7[%dma_wait3A_749, %dma_wait3A_753] : memref<32x20480xf32, #tpu.memory_space<vmem>> -> memref<1x20480xf32, #tpu.memory_space<vmem>>
    %dma_wait3A_755 = tpu.memref_squeeze %dma_wait3A_754 : memref<1x20480xf32, #tpu.memory_space<vmem>> -> memref<20480xf32, #tpu.memory_space<vmem>>
    %dma_wait3A_756 = arith.constant 327680 : i32
    %dma_wait3A_757 = tpu.memref_slice %arg2[%dma_wait3A_756] : memref<655360xf32, #tpu.memory_space<any>> -> memref<20480xf32, #tpu.memory_space<any>>
    tpu.wait_dma2 semaphore(%dma_wait3A_752 : memref<!tpu.dma_semaphore, #tpu.memory_space<semaphore_mem>>) src(%dma_wait3A_757 : memref<20480xf32, #tpu.memory_space<any>>) dst(%dma_wait3A_755 : memref<20480xf32, #tpu.memory_space<vmem>>)
    %dma_wait3A_758 = arith.constant 17 : i32
    %dma_wait3A_759 = arith.constant 2 : i32
    %dma_wait3A_760 = tpu.memref_slice %arg13[%dma_wait3A_759] : memref<4x!tpu.dma_semaphore, #tpu.memory_space<semaphore_mem>> -> memref<1x!tpu.dma_semaphore, #tpu.memory_space<semaphore_mem>>
    %dma_wait3A_761 = tpu.memref_squeeze %dma_wait3A_760 : memref<1x!tpu.dma_semaphore, #tpu.memory_space<semaphore_mem>> -> memref<!tpu.dma_semaphore, #tpu.memory_space<semaphore_mem>>
    %dma_wait3A_762 = arith.constant 0 : i32
    %dma_wait3A_763 = tpu.memref_slice %arg7[%dma_wait3A_758, %dma_wait3A_762] : memref<32x20480xf32, #tpu.memory_space<vmem>> -> memref<1x20480xf32, #tpu.memory_space<vmem>>
    %dma_wait3A_764 = tpu.memref_squeeze %dma_wait3A_763 : memref<1x20480xf32, #tpu.memory_space<vmem>> -> memref<20480xf32, #tpu.memory_space<vmem>>
    %dma_wait3A_765 = arith.constant 348160 : i32
    %dma_wait3A_766 = tpu.memref_slice %arg2[%dma_wait3A_765] : memref<655360xf32, #tpu.memory_space<any>> -> memref<20480xf32, #tpu.memory_space<any>>
    tpu.wait_dma2 semaphore(%dma_wait3A_761 : memref<!tpu.dma_semaphore, #tpu.memory_space<semaphore_mem>>) src(%dma_wait3A_766 : memref<20480xf32, #tpu.memory_space<any>>) dst(%dma_wait3A_764 : memref<20480xf32, #tpu.memory_space<vmem>>)
    %dma_wait3A_767 = arith.constant 18 : i32
    %dma_wait3A_768 = arith.constant 2 : i32
    %dma_wait3A_769 = tpu.memref_slice %arg13[%dma_wait3A_768] : memref<4x!tpu.dma_semaphore, #tpu.memory_space<semaphore_mem>> -> memref<1x!tpu.dma_semaphore, #tpu.memory_space<semaphore_mem>>
    %dma_wait3A_770 = tpu.memref_squeeze %dma_wait3A_769 : memref<1x!tpu.dma_semaphore, #tpu.memory_space<semaphore_mem>> -> memref<!tpu.dma_semaphore, #tpu.memory_space<semaphore_mem>>
    %dma_wait3A_771 = arith.constant 0 : i32
    %dma_wait3A_772 = tpu.memref_slice %arg7[%dma_wait3A_767, %dma_wait3A_771] : memref<32x20480xf32, #tpu.memory_space<vmem>> -> memref<1x20480xf32, #tpu.memory_space<vmem>>
    %dma_wait3A_773 = tpu.memref_squeeze %dma_wait3A_772 : memref<1x20480xf32, #tpu.memory_space<vmem>> -> memref<20480xf32, #tpu.memory_space<vmem>>
    %dma_wait3A_774 = arith.constant 368640 : i32
    %dma_wait3A_775 = tpu.memref_slice %arg2[%dma_wait3A_774] : memref<655360xf32, #tpu.memory_space<any>> -> memref<20480xf32, #tpu.memory_space<any>>
    tpu.wait_dma2 semaphore(%dma_wait3A_770 : memref<!tpu.dma_semaphore, #tpu.memory_space<semaphore_mem>>) src(%dma_wait3A_775 : memref<20480xf32, #tpu.memory_space<any>>) dst(%dma_wait3A_773 : memref<20480xf32, #tpu.memory_space<vmem>>)
    %dma_wait3A_776 = arith.constant 19 : i32
    %dma_wait3A_777 = arith.constant 2 : i32
    %dma_wait3A_778 = tpu.memref_slice %arg13[%dma_wait3A_777] : memref<4x!tpu.dma_semaphore, #tpu.memory_space<semaphore_mem>> -> memref<1x!tpu.dma_semaphore, #tpu.memory_space<semaphore_mem>>
    %dma_wait3A_779 = tpu.memref_squeeze %dma_wait3A_778 : memref<1x!tpu.dma_semaphore, #tpu.memory_space<semaphore_mem>> -> memref<!tpu.dma_semaphore, #tpu.memory_space<semaphore_mem>>
    %dma_wait3A_780 = arith.constant 0 : i32
    %dma_wait3A_781 = tpu.memref_slice %arg7[%dma_wait3A_776, %dma_wait3A_780] : memref<32x20480xf32, #tpu.memory_space<vmem>> -> memref<1x20480xf32, #tpu.memory_space<vmem>>
    %dma_wait3A_782 = tpu.memref_squeeze %dma_wait3A_781 : memref<1x20480xf32, #tpu.memory_space<vmem>> -> memref<20480xf32, #tpu.memory_space<vmem>>
    %dma_wait3A_783 = arith.constant 389120 : i32
    %dma_wait3A_784 = tpu.memref_slice %arg2[%dma_wait3A_783] : memref<655360xf32, #tpu.memory_space<any>> -> memref<20480xf32, #tpu.memory_space<any>>
    tpu.wait_dma2 semaphore(%dma_wait3A_779 : memref<!tpu.dma_semaphore, #tpu.memory_space<semaphore_mem>>) src(%dma_wait3A_784 : memref<20480xf32, #tpu.memory_space<any>>) dst(%dma_wait3A_782 : memref<20480xf32, #tpu.memory_space<vmem>>)
    %dma_wait3A_785 = arith.constant 20 : i32
    %dma_wait3A_786 = arith.constant 2 : i32
    %dma_wait3A_787 = tpu.memref_slice %arg13[%dma_wait3A_786] : memref<4x!tpu.dma_semaphore, #tpu.memory_space<semaphore_mem>> -> memref<1x!tpu.dma_semaphore, #tpu.memory_space<semaphore_mem>>
    %dma_wait3A_788 = tpu.memref_squeeze %dma_wait3A_787 : memref<1x!tpu.dma_semaphore, #tpu.memory_space<semaphore_mem>> -> memref<!tpu.dma_semaphore, #tpu.memory_space<semaphore_mem>>
    %dma_wait3A_789 = arith.constant 0 : i32
    %dma_wait3A_790 = tpu.memref_slice %arg7[%dma_wait3A_785, %dma_wait3A_789] : memref<32x20480xf32, #tpu.memory_space<vmem>> -> memref<1x20480xf32, #tpu.memory_space<vmem>>
    %dma_wait3A_791 = tpu.memref_squeeze %dma_wait3A_790 : memref<1x20480xf32, #tpu.memory_space<vmem>> -> memref<20480xf32, #tpu.memory_space<vmem>>
    %dma_wait3A_792 = arith.constant 409600 : i32
    %dma_wait3A_793 = tpu.memref_slice %arg2[%dma_wait3A_792] : memref<655360xf32, #tpu.memory_space<any>> -> memref<20480xf32, #tpu.memory_space<any>>
    tpu.wait_dma2 semaphore(%dma_wait3A_788 : memref<!tpu.dma_semaphore, #tpu.memory_space<semaphore_mem>>) src(%dma_wait3A_793 : memref<20480xf32, #tpu.memory_space<any>>) dst(%dma_wait3A_791 : memref<20480xf32, #tpu.memory_space<vmem>>)
    %dma_wait3A_794 = arith.constant 21 : i32
    %dma_wait3A_795 = arith.constant 2 : i32
    %dma_wait3A_796 = tpu.memref_slice %arg13[%dma_wait3A_795] : memref<4x!tpu.dma_semaphore, #tpu.memory_space<semaphore_mem>> -> memref<1x!tpu.dma_semaphore, #tpu.memory_space<semaphore_mem>>
    %dma_wait3A_797 = tpu.memref_squeeze %dma_wait3A_796 : memref<1x!tpu.dma_semaphore, #tpu.memory_space<semaphore_mem>> -> memref<!tpu.dma_semaphore, #tpu.memory_space<semaphore_mem>>
    %dma_wait3A_798 = arith.constant 0 : i32
    %dma_wait3A_799 = tpu.memref_slice %arg7[%dma_wait3A_794, %dma_wait3A_798] : memref<32x20480xf32, #tpu.memory_space<vmem>> -> memref<1x20480xf32, #tpu.memory_space<vmem>>
    %dma_wait3A_800 = tpu.memref_squeeze %dma_wait3A_799 : memref<1x20480xf32, #tpu.memory_space<vmem>> -> memref<20480xf32, #tpu.memory_space<vmem>>
    %dma_wait3A_801 = arith.constant 430080 : i32
    %dma_wait3A_802 = tpu.memref_slice %arg2[%dma_wait3A_801] : memref<655360xf32, #tpu.memory_space<any>> -> memref<20480xf32, #tpu.memory_space<any>>
    tpu.wait_dma2 semaphore(%dma_wait3A_797 : memref<!tpu.dma_semaphore, #tpu.memory_space<semaphore_mem>>) src(%dma_wait3A_802 : memref<20480xf32, #tpu.memory_space<any>>) dst(%dma_wait3A_800 : memref<20480xf32, #tpu.memory_space<vmem>>)
    %dma_wait3A_803 = arith.constant 22 : i32
    %dma_wait3A_804 = arith.constant 2 : i32
    %dma_wait3A_805 = tpu.memref_slice %arg13[%dma_wait3A_804] : memref<4x!tpu.dma_semaphore, #tpu.memory_space<semaphore_mem>> -> memref<1x!tpu.dma_semaphore, #tpu.memory_space<semaphore_mem>>
    %dma_wait3A_806 = tpu.memref_squeeze %dma_wait3A_805 : memref<1x!tpu.dma_semaphore, #tpu.memory_space<semaphore_mem>> -> memref<!tpu.dma_semaphore, #tpu.memory_space<semaphore_mem>>
    %dma_wait3A_807 = arith.constant 0 : i32
    %dma_wait3A_808 = tpu.memref_slice %arg7[%dma_wait3A_803, %dma_wait3A_807] : memref<32x20480xf32, #tpu.memory_space<vmem>> -> memref<1x20480xf32, #tpu.memory_space<vmem>>
    %dma_wait3A_809 = tpu.memref_squeeze %dma_wait3A_808 : memref<1x20480xf32, #tpu.memory_space<vmem>> -> memref<20480xf32, #tpu.memory_space<vmem>>
    %dma_wait3A_810 = arith.constant 450560 : i32
    %dma_wait3A_811 = tpu.memref_slice %arg2[%dma_wait3A_810] : memref<655360xf32, #tpu.memory_space<any>> -> memref<20480xf32, #tpu.memory_space<any>>
    tpu.wait_dma2 semaphore(%dma_wait3A_806 : memref<!tpu.dma_semaphore, #tpu.memory_space<semaphore_mem>>) src(%dma_wait3A_811 : memref<20480xf32, #tpu.memory_space<any>>) dst(%dma_wait3A_809 : memref<20480xf32, #tpu.memory_space<vmem>>)
    %dma_wait3A_812 = arith.constant 23 : i32
    %dma_wait3A_813 = arith.constant 2 : i32
    %dma_wait3A_814 = tpu.memref_slice %arg13[%dma_wait3A_813] : memref<4x!tpu.dma_semaphore, #tpu.memory_space<semaphore_mem>> -> memref<1x!tpu.dma_semaphore, #tpu.memory_space<semaphore_mem>>
    %dma_wait3A_815 = tpu.memref_squeeze %dma_wait3A_814 : memref<1x!tpu.dma_semaphore, #tpu.memory_space<semaphore_mem>> -> memref<!tpu.dma_semaphore, #tpu.memory_space<semaphore_mem>>
    %dma_wait3A_816 = arith.constant 0 : i32
    %dma_wait3A_817 = tpu.memref_slice %arg7[%dma_wait3A_812, %dma_wait3A_816] : memref<32x20480xf32, #tpu.memory_space<vmem>> -> memref<1x20480xf32, #tpu.memory_space<vmem>>
    %dma_wait3A_818 = tpu.memref_squeeze %dma_wait3A_817 : memref<1x20480xf32, #tpu.memory_space<vmem>> -> memref<20480xf32, #tpu.memory_space<vmem>>
    %dma_wait3A_819 = arith.constant 471040 : i32
    %dma_wait3A_820 = tpu.memref_slice %arg2[%dma_wait3A_819] : memref<655360xf32, #tpu.memory_space<any>> -> memref<20480xf32, #tpu.memory_space<any>>
    tpu.wait_dma2 semaphore(%dma_wait3A_815 : memref<!tpu.dma_semaphore, #tpu.memory_space<semaphore_mem>>) src(%dma_wait3A_820 : memref<20480xf32, #tpu.memory_space<any>>) dst(%dma_wait3A_818 : memref<20480xf32, #tpu.memory_space<vmem>>)
    %dma_wait3A_821 = arith.constant 24 : i32
    %dma_wait3A_822 = arith.constant 2 : i32
    %dma_wait3A_823 = tpu.memref_slice %arg13[%dma_wait3A_822] : memref<4x!tpu.dma_semaphore, #tpu.memory_space<semaphore_mem>> -> memref<1x!tpu.dma_semaphore, #tpu.memory_space<semaphore_mem>>
    %dma_wait3A_824 = tpu.memref_squeeze %dma_wait3A_823 : memref<1x!tpu.dma_semaphore, #tpu.memory_space<semaphore_mem>> -> memref<!tpu.dma_semaphore, #tpu.memory_space<semaphore_mem>>
    %dma_wait3A_825 = arith.constant 0 : i32
    %dma_wait3A_826 = tpu.memref_slice %arg7[%dma_wait3A_821, %dma_wait3A_825] : memref<32x20480xf32, #tpu.memory_space<vmem>> -> memref<1x20480xf32, #tpu.memory_space<vmem>>
    %dma_wait3A_827 = tpu.memref_squeeze %dma_wait3A_826 : memref<1x20480xf32, #tpu.memory_space<vmem>> -> memref<20480xf32, #tpu.memory_space<vmem>>
    %dma_wait3A_828 = arith.constant 491520 : i32
    %dma_wait3A_829 = tpu.memref_slice %arg2[%dma_wait3A_828] : memref<655360xf32, #tpu.memory_space<any>> -> memref<20480xf32, #tpu.memory_space<any>>
    tpu.wait_dma2 semaphore(%dma_wait3A_824 : memref<!tpu.dma_semaphore, #tpu.memory_space<semaphore_mem>>) src(%dma_wait3A_829 : memref<20480xf32, #tpu.memory_space<any>>) dst(%dma_wait3A_827 : memref<20480xf32, #tpu.memory_space<vmem>>)
    %dma_wait3A_830 = arith.constant 25 : i32
    %dma_wait3A_831 = arith.constant 2 : i32
    %dma_wait3A_832 = tpu.memref_slice %arg13[%dma_wait3A_831] : memref<4x!tpu.dma_semaphore, #tpu.memory_space<semaphore_mem>> -> memref<1x!tpu.dma_semaphore, #tpu.memory_space<semaphore_mem>>
    %dma_wait3A_833 = tpu.memref_squeeze %dma_wait3A_832 : memref<1x!tpu.dma_semaphore, #tpu.memory_space<semaphore_mem>> -> memref<!tpu.dma_semaphore, #tpu.memory_space<semaphore_mem>>
    %dma_wait3A_834 = arith.constant 0 : i32
    %dma_wait3A_835 = tpu.memref_slice %arg7[%dma_wait3A_830, %dma_wait3A_834] : memref<32x20480xf32, #tpu.memory_space<vmem>> -> memref<1x20480xf32, #tpu.memory_space<vmem>>
    %dma_wait3A_836 = tpu.memref_squeeze %dma_wait3A_835 : memref<1x20480xf32, #tpu.memory_space<vmem>> -> memref<20480xf32, #tpu.memory_space<vmem>>
    %dma_wait3A_837 = arith.constant 512000 : i32
    %dma_wait3A_838 = tpu.memref_slice %arg2[%dma_wait3A_837] : memref<655360xf32, #tpu.memory_space<any>> -> memref<20480xf32, #tpu.memory_space<any>>
    tpu.wait_dma2 semaphore(%dma_wait3A_833 : memref<!tpu.dma_semaphore, #tpu.memory_space<semaphore_mem>>) src(%dma_wait3A_838 : memref<20480xf32, #tpu.memory_space<any>>) dst(%dma_wait3A_836 : memref<20480xf32, #tpu.memory_space<vmem>>)
    %dma_wait3A_839 = arith.constant 26 : i32
    %dma_wait3A_840 = arith.constant 2 : i32
    %dma_wait3A_841 = tpu.memref_slice %arg13[%dma_wait3A_840] : memref<4x!tpu.dma_semaphore, #tpu.memory_space<semaphore_mem>> -> memref<1x!tpu.dma_semaphore, #tpu.memory_space<semaphore_mem>>
    %dma_wait3A_842 = tpu.memref_squeeze %dma_wait3A_841 : memref<1x!tpu.dma_semaphore, #tpu.memory_space<semaphore_mem>> -> memref<!tpu.dma_semaphore, #tpu.memory_space<semaphore_mem>>
    %dma_wait3A_843 = arith.constant 0 : i32
    %dma_wait3A_844 = tpu.memref_slice %arg7[%dma_wait3A_839, %dma_wait3A_843] : memref<32x20480xf32, #tpu.memory_space<vmem>> -> memref<1x20480xf32, #tpu.memory_space<vmem>>
    %dma_wait3A_845 = tpu.memref_squeeze %dma_wait3A_844 : memref<1x20480xf32, #tpu.memory_space<vmem>> -> memref<20480xf32, #tpu.memory_space<vmem>>
    %dma_wait3A_846 = arith.constant 532480 : i32
    %dma_wait3A_847 = tpu.memref_slice %arg2[%dma_wait3A_846] : memref<655360xf32, #tpu.memory_space<any>> -> memref<20480xf32, #tpu.memory_space<any>>
    tpu.wait_dma2 semaphore(%dma_wait3A_842 : memref<!tpu.dma_semaphore, #tpu.memory_space<semaphore_mem>>) src(%dma_wait3A_847 : memref<20480xf32, #tpu.memory_space<any>>) dst(%dma_wait3A_845 : memref<20480xf32, #tpu.memory_space<vmem>>)
    %dma_wait3A_848 = arith.constant 27 : i32
    %dma_wait3A_849 = arith.constant 2 : i32
    %dma_wait3A_850 = tpu.memref_slice %arg13[%dma_wait3A_849] : memref<4x!tpu.dma_semaphore, #tpu.memory_space<semaphore_mem>> -> memref<1x!tpu.dma_semaphore, #tpu.memory_space<semaphore_mem>>
    %dma_wait3A_851 = tpu.memref_squeeze %dma_wait3A_850 : memref<1x!tpu.dma_semaphore, #tpu.memory_space<semaphore_mem>> -> memref<!tpu.dma_semaphore, #tpu.memory_space<semaphore_mem>>
    %dma_wait3A_852 = arith.constant 0 : i32
    %dma_wait3A_853 = tpu.memref_slice %arg7[%dma_wait3A_848, %dma_wait3A_852] : memref<32x20480xf32, #tpu.memory_space<vmem>> -> memref<1x20480xf32, #tpu.memory_space<vmem>>
    %dma_wait3A_854 = tpu.memref_squeeze %dma_wait3A_853 : memref<1x20480xf32, #tpu.memory_space<vmem>> -> memref<20480xf32, #tpu.memory_space<vmem>>
    %dma_wait3A_855 = arith.constant 552960 : i32
    %dma_wait3A_856 = tpu.memref_slice %arg2[%dma_wait3A_855] : memref<655360xf32, #tpu.memory_space<any>> -> memref<20480xf32, #tpu.memory_space<any>>
    tpu.wait_dma2 semaphore(%dma_wait3A_851 : memref<!tpu.dma_semaphore, #tpu.memory_space<semaphore_mem>>) src(%dma_wait3A_856 : memref<20480xf32, #tpu.memory_space<any>>) dst(%dma_wait3A_854 : memref<20480xf32, #tpu.memory_space<vmem>>)
    %dma_wait3A_857 = arith.constant 28 : i32
    %dma_wait3A_858 = arith.constant 2 : i32
    %dma_wait3A_859 = tpu.memref_slice %arg13[%dma_wait3A_858] : memref<4x!tpu.dma_semaphore, #tpu.memory_space<semaphore_mem>> -> memref<1x!tpu.dma_semaphore, #tpu.memory_space<semaphore_mem>>
    %dma_wait3A_860 = tpu.memref_squeeze %dma_wait3A_859 : memref<1x!tpu.dma_semaphore, #tpu.memory_space<semaphore_mem>> -> memref<!tpu.dma_semaphore, #tpu.memory_space<semaphore_mem>>
    %dma_wait3A_861 = arith.constant 0 : i32
    %dma_wait3A_862 = tpu.memref_slice %arg7[%dma_wait3A_857, %dma_wait3A_861] : memref<32x20480xf32, #tpu.memory_space<vmem>> -> memref<1x20480xf32, #tpu.memory_space<vmem>>
    %dma_wait3A_863 = tpu.memref_squeeze %dma_wait3A_862 : memref<1x20480xf32, #tpu.memory_space<vmem>> -> memref<20480xf32, #tpu.memory_space<vmem>>
    %dma_wait3A_864 = arith.constant 573440 : i32
    %dma_wait3A_865 = tpu.memref_slice %arg2[%dma_wait3A_864] : memref<655360xf32, #tpu.memory_space<any>> -> memref<20480xf32, #tpu.memory_space<any>>
    tpu.wait_dma2 semaphore(%dma_wait3A_860 : memref<!tpu.dma_semaphore, #tpu.memory_space<semaphore_mem>>) src(%dma_wait3A_865 : memref<20480xf32, #tpu.memory_space<any>>) dst(%dma_wait3A_863 : memref<20480xf32, #tpu.memory_space<vmem>>)
    %dma_wait3A_866 = arith.constant 29 : i32
    %dma_wait3A_867 = arith.constant 2 : i32
    %dma_wait3A_868 = tpu.memref_slice %arg13[%dma_wait3A_867] : memref<4x!tpu.dma_semaphore, #tpu.memory_space<semaphore_mem>> -> memref<1x!tpu.dma_semaphore, #tpu.memory_space<semaphore_mem>>
    %dma_wait3A_869 = tpu.memref_squeeze %dma_wait3A_868 : memref<1x!tpu.dma_semaphore, #tpu.memory_space<semaphore_mem>> -> memref<!tpu.dma_semaphore, #tpu.memory_space<semaphore_mem>>
    %dma_wait3A_870 = arith.constant 0 : i32
    %dma_wait3A_871 = tpu.memref_slice %arg7[%dma_wait3A_866, %dma_wait3A_870] : memref<32x20480xf32, #tpu.memory_space<vmem>> -> memref<1x20480xf32, #tpu.memory_space<vmem>>
    %dma_wait3A_872 = tpu.memref_squeeze %dma_wait3A_871 : memref<1x20480xf32, #tpu.memory_space<vmem>> -> memref<20480xf32, #tpu.memory_space<vmem>>
    %dma_wait3A_873 = arith.constant 593920 : i32
    %dma_wait3A_874 = tpu.memref_slice %arg2[%dma_wait3A_873] : memref<655360xf32, #tpu.memory_space<any>> -> memref<20480xf32, #tpu.memory_space<any>>
    tpu.wait_dma2 semaphore(%dma_wait3A_869 : memref<!tpu.dma_semaphore, #tpu.memory_space<semaphore_mem>>) src(%dma_wait3A_874 : memref<20480xf32, #tpu.memory_space<any>>) dst(%dma_wait3A_872 : memref<20480xf32, #tpu.memory_space<vmem>>)
    %dma_wait3A_875 = arith.constant 30 : i32
    %dma_wait3A_876 = arith.constant 2 : i32
    %dma_wait3A_877 = tpu.memref_slice %arg13[%dma_wait3A_876] : memref<4x!tpu.dma_semaphore, #tpu.memory_space<semaphore_mem>> -> memref<1x!tpu.dma_semaphore, #tpu.memory_space<semaphore_mem>>
    %dma_wait3A_878 = tpu.memref_squeeze %dma_wait3A_877 : memref<1x!tpu.dma_semaphore, #tpu.memory_space<semaphore_mem>> -> memref<!tpu.dma_semaphore, #tpu.memory_space<semaphore_mem>>
    %dma_wait3A_879 = arith.constant 0 : i32
    %dma_wait3A_880 = tpu.memref_slice %arg7[%dma_wait3A_875, %dma_wait3A_879] : memref<32x20480xf32, #tpu.memory_space<vmem>> -> memref<1x20480xf32, #tpu.memory_space<vmem>>
    %dma_wait3A_881 = tpu.memref_squeeze %dma_wait3A_880 : memref<1x20480xf32, #tpu.memory_space<vmem>> -> memref<20480xf32, #tpu.memory_space<vmem>>
    %dma_wait3A_882 = arith.constant 614400 : i32
    %dma_wait3A_883 = tpu.memref_slice %arg2[%dma_wait3A_882] : memref<655360xf32, #tpu.memory_space<any>> -> memref<20480xf32, #tpu.memory_space<any>>
    tpu.wait_dma2 semaphore(%dma_wait3A_878 : memref<!tpu.dma_semaphore, #tpu.memory_space<semaphore_mem>>) src(%dma_wait3A_883 : memref<20480xf32, #tpu.memory_space<any>>) dst(%dma_wait3A_881 : memref<20480xf32, #tpu.memory_space<vmem>>)
    %dma_wait3A_884 = arith.constant 31 : i32
    %dma_wait3A_885 = arith.constant 2 : i32
    %dma_wait3A_886 = tpu.memref_slice %arg13[%dma_wait3A_885] : memref<4x!tpu.dma_semaphore, #tpu.memory_space<semaphore_mem>> -> memref<1x!tpu.dma_semaphore, #tpu.memory_space<semaphore_mem>>
    %dma_wait3A_887 = tpu.memref_squeeze %dma_wait3A_886 : memref<1x!tpu.dma_semaphore, #tpu.memory_space<semaphore_mem>> -> memref<!tpu.dma_semaphore, #tpu.memory_space<semaphore_mem>>
    %dma_wait3A_888 = arith.constant 0 : i32
    %dma_wait3A_889 = tpu.memref_slice %arg7[%dma_wait3A_884, %dma_wait3A_888] : memref<32x20480xf32, #tpu.memory_space<vmem>> -> memref<1x20480xf32, #tpu.memory_space<vmem>>
    %dma_wait3A_890 = tpu.memref_squeeze %dma_wait3A_889 : memref<1x20480xf32, #tpu.memory_space<vmem>> -> memref<20480xf32, #tpu.memory_space<vmem>>
    %dma_wait3A_891 = arith.constant 634880 : i32
    %dma_wait3A_892 = tpu.memref_slice %arg2[%dma_wait3A_891] : memref<655360xf32, #tpu.memory_space<any>> -> memref<20480xf32, #tpu.memory_space<any>>
    tpu.wait_dma2 semaphore(%dma_wait3A_887 : memref<!tpu.dma_semaphore, #tpu.memory_space<semaphore_mem>>) src(%dma_wait3A_892 : memref<20480xf32, #tpu.memory_space<any>>) dst(%dma_wait3A_890 : memref<20480xf32, #tpu.memory_space<vmem>>)
    %dma_wait3A_893 = arith.constant 0 : i32
    %dma_wait3A_894 = arith.constant 3 : i32
    %dma_wait3A_895 = tpu.memref_slice %arg13[%dma_wait3A_894] : memref<4x!tpu.dma_semaphore, #tpu.memory_space<semaphore_mem>> -> memref<1x!tpu.dma_semaphore, #tpu.memory_space<semaphore_mem>>
    %dma_wait3A_896 = tpu.memref_squeeze %dma_wait3A_895 : memref<1x!tpu.dma_semaphore, #tpu.memory_space<semaphore_mem>> -> memref<!tpu.dma_semaphore, #tpu.memory_space<semaphore_mem>>
    %dma_wait3A_897 = arith.constant 0 : i32
    %dma_wait3A_898 = tpu.memref_slice %arg8[%dma_wait3A_893, %dma_wait3A_897] : memref<32x20480xf32, #tpu.memory_space<vmem>> -> memref<1x20480xf32, #tpu.memory_space<vmem>>
    %dma_wait3A_899 = tpu.memref_squeeze %dma_wait3A_898 : memref<1x20480xf32, #tpu.memory_space<vmem>> -> memref<20480xf32, #tpu.memory_space<vmem>>
    %dma_wait3A_900 = arith.constant 0 : i32
    %dma_wait3A_901 = tpu.memref_slice %arg3[%dma_wait3A_900] : memref<655360xf32, #tpu.memory_space<any>> -> memref<20480xf32, #tpu.memory_space<any>>
    tpu.wait_dma2 semaphore(%dma_wait3A_896 : memref<!tpu.dma_semaphore, #tpu.memory_space<semaphore_mem>>) src(%dma_wait3A_901 : memref<20480xf32, #tpu.memory_space<any>>) dst(%dma_wait3A_899 : memref<20480xf32, #tpu.memory_space<vmem>>)
    %dma_wait3A_902 = arith.constant 1 : i32
    %dma_wait3A_903 = arith.constant 3 : i32
    %dma_wait3A_904 = tpu.memref_slice %arg13[%dma_wait3A_903] : memref<4x!tpu.dma_semaphore, #tpu.memory_space<semaphore_mem>> -> memref<1x!tpu.dma_semaphore, #tpu.memory_space<semaphore_mem>>
    %dma_wait3A_905 = tpu.memref_squeeze %dma_wait3A_904 : memref<1x!tpu.dma_semaphore, #tpu.memory_space<semaphore_mem>> -> memref<!tpu.dma_semaphore, #tpu.memory_space<semaphore_mem>>
    %dma_wait3A_906 = arith.constant 0 : i32
    %dma_wait3A_907 = tpu.memref_slice %arg8[%dma_wait3A_902, %dma_wait3A_906] : memref<32x20480xf32, #tpu.memory_space<vmem>> -> memref<1x20480xf32, #tpu.memory_space<vmem>>
    %dma_wait3A_908 = tpu.memref_squeeze %dma_wait3A_907 : memref<1x20480xf32, #tpu.memory_space<vmem>> -> memref<20480xf32, #tpu.memory_space<vmem>>
    %dma_wait3A_909 = arith.constant 20480 : i32
    %dma_wait3A_910 = tpu.memref_slice %arg3[%dma_wait3A_909] : memref<655360xf32, #tpu.memory_space<any>> -> memref<20480xf32, #tpu.memory_space<any>>
    tpu.wait_dma2 semaphore(%dma_wait3A_905 : memref<!tpu.dma_semaphore, #tpu.memory_space<semaphore_mem>>) src(%dma_wait3A_910 : memref<20480xf32, #tpu.memory_space<any>>) dst(%dma_wait3A_908 : memref<20480xf32, #tpu.memory_space<vmem>>)
    %dma_wait3A_911 = arith.constant 2 : i32
    %dma_wait3A_912 = arith.constant 3 : i32
    %dma_wait3A_913 = tpu.memref_slice %arg13[%dma_wait3A_912] : memref<4x!tpu.dma_semaphore, #tpu.memory_space<semaphore_mem>> -> memref<1x!tpu.dma_semaphore, #tpu.memory_space<semaphore_mem>>
    %dma_wait3A_914 = tpu.memref_squeeze %dma_wait3A_913 : memref<1x!tpu.dma_semaphore, #tpu.memory_space<semaphore_mem>> -> memref<!tpu.dma_semaphore, #tpu.memory_space<semaphore_mem>>
    %dma_wait3A_915 = arith.constant 0 : i32
    %dma_wait3A_916 = tpu.memref_slice %arg8[%dma_wait3A_911, %dma_wait3A_915] : memref<32x20480xf32, #tpu.memory_space<vmem>> -> memref<1x20480xf32, #tpu.memory_space<vmem>>
    %dma_wait3A_917 = tpu.memref_squeeze %dma_wait3A_916 : memref<1x20480xf32, #tpu.memory_space<vmem>> -> memref<20480xf32, #tpu.memory_space<vmem>>
    %dma_wait3A_918 = arith.constant 40960 : i32
    %dma_wait3A_919 = tpu.memref_slice %arg3[%dma_wait3A_918] : memref<655360xf32, #tpu.memory_space<any>> -> memref<20480xf32, #tpu.memory_space<any>>
    tpu.wait_dma2 semaphore(%dma_wait3A_914 : memref<!tpu.dma_semaphore, #tpu.memory_space<semaphore_mem>>) src(%dma_wait3A_919 : memref<20480xf32, #tpu.memory_space<any>>) dst(%dma_wait3A_917 : memref<20480xf32, #tpu.memory_space<vmem>>)
    %dma_wait3A_920 = arith.constant 3 : i32
    %dma_wait3A_921 = arith.constant 3 : i32
    %dma_wait3A_922 = tpu.memref_slice %arg13[%dma_wait3A_921] : memref<4x!tpu.dma_semaphore, #tpu.memory_space<semaphore_mem>> -> memref<1x!tpu.dma_semaphore, #tpu.memory_space<semaphore_mem>>
    %dma_wait3A_923 = tpu.memref_squeeze %dma_wait3A_922 : memref<1x!tpu.dma_semaphore, #tpu.memory_space<semaphore_mem>> -> memref<!tpu.dma_semaphore, #tpu.memory_space<semaphore_mem>>
    %dma_wait3A_924 = arith.constant 0 : i32
    %dma_wait3A_925 = tpu.memref_slice %arg8[%dma_wait3A_920, %dma_wait3A_924] : memref<32x20480xf32, #tpu.memory_space<vmem>> -> memref<1x20480xf32, #tpu.memory_space<vmem>>
    %dma_wait3A_926 = tpu.memref_squeeze %dma_wait3A_925 : memref<1x20480xf32, #tpu.memory_space<vmem>> -> memref<20480xf32, #tpu.memory_space<vmem>>
    %dma_wait3A_927 = arith.constant 61440 : i32
    %dma_wait3A_928 = tpu.memref_slice %arg3[%dma_wait3A_927] : memref<655360xf32, #tpu.memory_space<any>> -> memref<20480xf32, #tpu.memory_space<any>>
    tpu.wait_dma2 semaphore(%dma_wait3A_923 : memref<!tpu.dma_semaphore, #tpu.memory_space<semaphore_mem>>) src(%dma_wait3A_928 : memref<20480xf32, #tpu.memory_space<any>>) dst(%dma_wait3A_926 : memref<20480xf32, #tpu.memory_space<vmem>>)
    %dma_wait3A_929 = arith.constant 4 : i32
    %dma_wait3A_930 = arith.constant 3 : i32
    %dma_wait3A_931 = tpu.memref_slice %arg13[%dma_wait3A_930] : memref<4x!tpu.dma_semaphore, #tpu.memory_space<semaphore_mem>> -> memref<1x!tpu.dma_semaphore, #tpu.memory_space<semaphore_mem>>
    %dma_wait3A_932 = tpu.memref_squeeze %dma_wait3A_931 : memref<1x!tpu.dma_semaphore, #tpu.memory_space<semaphore_mem>> -> memref<!tpu.dma_semaphore, #tpu.memory_space<semaphore_mem>>
    %dma_wait3A_933 = arith.constant 0 : i32
    %dma_wait3A_934 = tpu.memref_slice %arg8[%dma_wait3A_929, %dma_wait3A_933] : memref<32x20480xf32, #tpu.memory_space<vmem>> -> memref<1x20480xf32, #tpu.memory_space<vmem>>
    %dma_wait3A_935 = tpu.memref_squeeze %dma_wait3A_934 : memref<1x20480xf32, #tpu.memory_space<vmem>> -> memref<20480xf32, #tpu.memory_space<vmem>>
    %dma_wait3A_936 = arith.constant 81920 : i32
    %dma_wait3A_937 = tpu.memref_slice %arg3[%dma_wait3A_936] : memref<655360xf32, #tpu.memory_space<any>> -> memref<20480xf32, #tpu.memory_space<any>>
    tpu.wait_dma2 semaphore(%dma_wait3A_932 : memref<!tpu.dma_semaphore, #tpu.memory_space<semaphore_mem>>) src(%dma_wait3A_937 : memref<20480xf32, #tpu.memory_space<any>>) dst(%dma_wait3A_935 : memref<20480xf32, #tpu.memory_space<vmem>>)
    %dma_wait3A_938 = arith.constant 5 : i32
    %dma_wait3A_939 = arith.constant 3 : i32
    %dma_wait3A_940 = tpu.memref_slice %arg13[%dma_wait3A_939] : memref<4x!tpu.dma_semaphore, #tpu.memory_space<semaphore_mem>> -> memref<1x!tpu.dma_semaphore, #tpu.memory_space<semaphore_mem>>
    %dma_wait3A_941 = tpu.memref_squeeze %dma_wait3A_940 : memref<1x!tpu.dma_semaphore, #tpu.memory_space<semaphore_mem>> -> memref<!tpu.dma_semaphore, #tpu.memory_space<semaphore_mem>>
    %dma_wait3A_942 = arith.constant 0 : i32
    %dma_wait3A_943 = tpu.memref_slice %arg8[%dma_wait3A_938, %dma_wait3A_942] : memref<32x20480xf32, #tpu.memory_space<vmem>> -> memref<1x20480xf32, #tpu.memory_space<vmem>>
    %dma_wait3A_944 = tpu.memref_squeeze %dma_wait3A_943 : memref<1x20480xf32, #tpu.memory_space<vmem>> -> memref<20480xf32, #tpu.memory_space<vmem>>
    %dma_wait3A_945 = arith.constant 102400 : i32
    %dma_wait3A_946 = tpu.memref_slice %arg3[%dma_wait3A_945] : memref<655360xf32, #tpu.memory_space<any>> -> memref<20480xf32, #tpu.memory_space<any>>
    tpu.wait_dma2 semaphore(%dma_wait3A_941 : memref<!tpu.dma_semaphore, #tpu.memory_space<semaphore_mem>>) src(%dma_wait3A_946 : memref<20480xf32, #tpu.memory_space<any>>) dst(%dma_wait3A_944 : memref<20480xf32, #tpu.memory_space<vmem>>)
    %dma_wait3A_947 = arith.constant 6 : i32
    %dma_wait3A_948 = arith.constant 3 : i32
    %dma_wait3A_949 = tpu.memref_slice %arg13[%dma_wait3A_948] : memref<4x!tpu.dma_semaphore, #tpu.memory_space<semaphore_mem>> -> memref<1x!tpu.dma_semaphore, #tpu.memory_space<semaphore_mem>>
    %dma_wait3A_950 = tpu.memref_squeeze %dma_wait3A_949 : memref<1x!tpu.dma_semaphore, #tpu.memory_space<semaphore_mem>> -> memref<!tpu.dma_semaphore, #tpu.memory_space<semaphore_mem>>
    %dma_wait3A_951 = arith.constant 0 : i32
    %dma_wait3A_952 = tpu.memref_slice %arg8[%dma_wait3A_947, %dma_wait3A_951] : memref<32x20480xf32, #tpu.memory_space<vmem>> -> memref<1x20480xf32, #tpu.memory_space<vmem>>
    %dma_wait3A_953 = tpu.memref_squeeze %dma_wait3A_952 : memref<1x20480xf32, #tpu.memory_space<vmem>> -> memref<20480xf32, #tpu.memory_space<vmem>>
    %dma_wait3A_954 = arith.constant 122880 : i32
    %dma_wait3A_955 = tpu.memref_slice %arg3[%dma_wait3A_954] : memref<655360xf32, #tpu.memory_space<any>> -> memref<20480xf32, #tpu.memory_space<any>>
    tpu.wait_dma2 semaphore(%dma_wait3A_950 : memref<!tpu.dma_semaphore, #tpu.memory_space<semaphore_mem>>) src(%dma_wait3A_955 : memref<20480xf32, #tpu.memory_space<any>>) dst(%dma_wait3A_953 : memref<20480xf32, #tpu.memory_space<vmem>>)
    %dma_wait3A_956 = arith.constant 7 : i32
    %dma_wait3A_957 = arith.constant 3 : i32
    %dma_wait3A_958 = tpu.memref_slice %arg13[%dma_wait3A_957] : memref<4x!tpu.dma_semaphore, #tpu.memory_space<semaphore_mem>> -> memref<1x!tpu.dma_semaphore, #tpu.memory_space<semaphore_mem>>
    %dma_wait3A_959 = tpu.memref_squeeze %dma_wait3A_958 : memref<1x!tpu.dma_semaphore, #tpu.memory_space<semaphore_mem>> -> memref<!tpu.dma_semaphore, #tpu.memory_space<semaphore_mem>>
    %dma_wait3A_960 = arith.constant 0 : i32
    %dma_wait3A_961 = tpu.memref_slice %arg8[%dma_wait3A_956, %dma_wait3A_960] : memref<32x20480xf32, #tpu.memory_space<vmem>> -> memref<1x20480xf32, #tpu.memory_space<vmem>>
    %dma_wait3A_962 = tpu.memref_squeeze %dma_wait3A_961 : memref<1x20480xf32, #tpu.memory_space<vmem>> -> memref<20480xf32, #tpu.memory_space<vmem>>
    %dma_wait3A_963 = arith.constant 143360 : i32
    %dma_wait3A_964 = tpu.memref_slice %arg3[%dma_wait3A_963] : memref<655360xf32, #tpu.memory_space<any>> -> memref<20480xf32, #tpu.memory_space<any>>
    tpu.wait_dma2 semaphore(%dma_wait3A_959 : memref<!tpu.dma_semaphore, #tpu.memory_space<semaphore_mem>>) src(%dma_wait3A_964 : memref<20480xf32, #tpu.memory_space<any>>) dst(%dma_wait3A_962 : memref<20480xf32, #tpu.memory_space<vmem>>)
    %dma_wait3A_965 = arith.constant 8 : i32
    %dma_wait3A_966 = arith.constant 3 : i32
    %dma_wait3A_967 = tpu.memref_slice %arg13[%dma_wait3A_966] : memref<4x!tpu.dma_semaphore, #tpu.memory_space<semaphore_mem>> -> memref<1x!tpu.dma_semaphore, #tpu.memory_space<semaphore_mem>>
    %dma_wait3A_968 = tpu.memref_squeeze %dma_wait3A_967 : memref<1x!tpu.dma_semaphore, #tpu.memory_space<semaphore_mem>> -> memref<!tpu.dma_semaphore, #tpu.memory_space<semaphore_mem>>
    %dma_wait3A_969 = arith.constant 0 : i32
    %dma_wait3A_970 = tpu.memref_slice %arg8[%dma_wait3A_965, %dma_wait3A_969] : memref<32x20480xf32, #tpu.memory_space<vmem>> -> memref<1x20480xf32, #tpu.memory_space<vmem>>
    %dma_wait3A_971 = tpu.memref_squeeze %dma_wait3A_970 : memref<1x20480xf32, #tpu.memory_space<vmem>> -> memref<20480xf32, #tpu.memory_space<vmem>>
    %dma_wait3A_972 = arith.constant 163840 : i32
    %dma_wait3A_973 = tpu.memref_slice %arg3[%dma_wait3A_972] : memref<655360xf32, #tpu.memory_space<any>> -> memref<20480xf32, #tpu.memory_space<any>>
    tpu.wait_dma2 semaphore(%dma_wait3A_968 : memref<!tpu.dma_semaphore, #tpu.memory_space<semaphore_mem>>) src(%dma_wait3A_973 : memref<20480xf32, #tpu.memory_space<any>>) dst(%dma_wait3A_971 : memref<20480xf32, #tpu.memory_space<vmem>>)
    %dma_wait3A_974 = arith.constant 9 : i32
    %dma_wait3A_975 = arith.constant 3 : i32
    %dma_wait3A_976 = tpu.memref_slice %arg13[%dma_wait3A_975] : memref<4x!tpu.dma_semaphore, #tpu.memory_space<semaphore_mem>> -> memref<1x!tpu.dma_semaphore, #tpu.memory_space<semaphore_mem>>
    %dma_wait3A_977 = tpu.memref_squeeze %dma_wait3A_976 : memref<1x!tpu.dma_semaphore, #tpu.memory_space<semaphore_mem>> -> memref<!tpu.dma_semaphore, #tpu.memory_space<semaphore_mem>>
    %dma_wait3A_978 = arith.constant 0 : i32
    %dma_wait3A_979 = tpu.memref_slice %arg8[%dma_wait3A_974, %dma_wait3A_978] : memref<32x20480xf32, #tpu.memory_space<vmem>> -> memref<1x20480xf32, #tpu.memory_space<vmem>>
    %dma_wait3A_980 = tpu.memref_squeeze %dma_wait3A_979 : memref<1x20480xf32, #tpu.memory_space<vmem>> -> memref<20480xf32, #tpu.memory_space<vmem>>
    %dma_wait3A_981 = arith.constant 184320 : i32
    %dma_wait3A_982 = tpu.memref_slice %arg3[%dma_wait3A_981] : memref<655360xf32, #tpu.memory_space<any>> -> memref<20480xf32, #tpu.memory_space<any>>
    tpu.wait_dma2 semaphore(%dma_wait3A_977 : memref<!tpu.dma_semaphore, #tpu.memory_space<semaphore_mem>>) src(%dma_wait3A_982 : memref<20480xf32, #tpu.memory_space<any>>) dst(%dma_wait3A_980 : memref<20480xf32, #tpu.memory_space<vmem>>)
    %dma_wait3A_983 = arith.constant 10 : i32
    %dma_wait3A_984 = arith.constant 3 : i32
    %dma_wait3A_985 = tpu.memref_slice %arg13[%dma_wait3A_984] : memref<4x!tpu.dma_semaphore, #tpu.memory_space<semaphore_mem>> -> memref<1x!tpu.dma_semaphore, #tpu.memory_space<semaphore_mem>>
    %dma_wait3A_986 = tpu.memref_squeeze %dma_wait3A_985 : memref<1x!tpu.dma_semaphore, #tpu.memory_space<semaphore_mem>> -> memref<!tpu.dma_semaphore, #tpu.memory_space<semaphore_mem>>
    %dma_wait3A_987 = arith.constant 0 : i32
    %dma_wait3A_988 = tpu.memref_slice %arg8[%dma_wait3A_983, %dma_wait3A_987] : memref<32x20480xf32, #tpu.memory_space<vmem>> -> memref<1x20480xf32, #tpu.memory_space<vmem>>
    %dma_wait3A_989 = tpu.memref_squeeze %dma_wait3A_988 : memref<1x20480xf32, #tpu.memory_space<vmem>> -> memref<20480xf32, #tpu.memory_space<vmem>>
    %dma_wait3A_990 = arith.constant 204800 : i32
    %dma_wait3A_991 = tpu.memref_slice %arg3[%dma_wait3A_990] : memref<655360xf32, #tpu.memory_space<any>> -> memref<20480xf32, #tpu.memory_space<any>>
    tpu.wait_dma2 semaphore(%dma_wait3A_986 : memref<!tpu.dma_semaphore, #tpu.memory_space<semaphore_mem>>) src(%dma_wait3A_991 : memref<20480xf32, #tpu.memory_space<any>>) dst(%dma_wait3A_989 : memref<20480xf32, #tpu.memory_space<vmem>>)
    %dma_wait3A_992 = arith.constant 11 : i32
    %dma_wait3A_993 = arith.constant 3 : i32
    %dma_wait3A_994 = tpu.memref_slice %arg13[%dma_wait3A_993] : memref<4x!tpu.dma_semaphore, #tpu.memory_space<semaphore_mem>> -> memref<1x!tpu.dma_semaphore, #tpu.memory_space<semaphore_mem>>
    %dma_wait3A_995 = tpu.memref_squeeze %dma_wait3A_994 : memref<1x!tpu.dma_semaphore, #tpu.memory_space<semaphore_mem>> -> memref<!tpu.dma_semaphore, #tpu.memory_space<semaphore_mem>>
    %dma_wait3A_996 = arith.constant 0 : i32
    %dma_wait3A_997 = tpu.memref_slice %arg8[%dma_wait3A_992, %dma_wait3A_996] : memref<32x20480xf32, #tpu.memory_space<vmem>> -> memref<1x20480xf32, #tpu.memory_space<vmem>>
    %dma_wait3A_998 = tpu.memref_squeeze %dma_wait3A_997 : memref<1x20480xf32, #tpu.memory_space<vmem>> -> memref<20480xf32, #tpu.memory_space<vmem>>
    %dma_wait3A_999 = arith.constant 225280 : i32
    %dma_wait3A_1000 = tpu.memref_slice %arg3[%dma_wait3A_999] : memref<655360xf32, #tpu.memory_space<any>> -> memref<20480xf32, #tpu.memory_space<any>>
    tpu.wait_dma2 semaphore(%dma_wait3A_995 : memref<!tpu.dma_semaphore, #tpu.memory_space<semaphore_mem>>) src(%dma_wait3A_1000 : memref<20480xf32, #tpu.memory_space<any>>) dst(%dma_wait3A_998 : memref<20480xf32, #tpu.memory_space<vmem>>)
    %dma_wait3A_1001 = arith.constant 12 : i32
    %dma_wait3A_1002 = arith.constant 3 : i32
    %dma_wait3A_1003 = tpu.memref_slice %arg13[%dma_wait3A_1002] : memref<4x!tpu.dma_semaphore, #tpu.memory_space<semaphore_mem>> -> memref<1x!tpu.dma_semaphore, #tpu.memory_space<semaphore_mem>>
    %dma_wait3A_1004 = tpu.memref_squeeze %dma_wait3A_1003 : memref<1x!tpu.dma_semaphore, #tpu.memory_space<semaphore_mem>> -> memref<!tpu.dma_semaphore, #tpu.memory_space<semaphore_mem>>
    %dma_wait3A_1005 = arith.constant 0 : i32
    %dma_wait3A_1006 = tpu.memref_slice %arg8[%dma_wait3A_1001, %dma_wait3A_1005] : memref<32x20480xf32, #tpu.memory_space<vmem>> -> memref<1x20480xf32, #tpu.memory_space<vmem>>
    %dma_wait3A_1007 = tpu.memref_squeeze %dma_wait3A_1006 : memref<1x20480xf32, #tpu.memory_space<vmem>> -> memref<20480xf32, #tpu.memory_space<vmem>>
    %dma_wait3A_1008 = arith.constant 245760 : i32
    %dma_wait3A_1009 = tpu.memref_slice %arg3[%dma_wait3A_1008] : memref<655360xf32, #tpu.memory_space<any>> -> memref<20480xf32, #tpu.memory_space<any>>
    tpu.wait_dma2 semaphore(%dma_wait3A_1004 : memref<!tpu.dma_semaphore, #tpu.memory_space<semaphore_mem>>) src(%dma_wait3A_1009 : memref<20480xf32, #tpu.memory_space<any>>) dst(%dma_wait3A_1007 : memref<20480xf32, #tpu.memory_space<vmem>>)
    %dma_wait3A_1010 = arith.constant 13 : i32
    %dma_wait3A_1011 = arith.constant 3 : i32
    %dma_wait3A_1012 = tpu.memref_slice %arg13[%dma_wait3A_1011] : memref<4x!tpu.dma_semaphore, #tpu.memory_space<semaphore_mem>> -> memref<1x!tpu.dma_semaphore, #tpu.memory_space<semaphore_mem>>
    %dma_wait3A_1013 = tpu.memref_squeeze %dma_wait3A_1012 : memref<1x!tpu.dma_semaphore, #tpu.memory_space<semaphore_mem>> -> memref<!tpu.dma_semaphore, #tpu.memory_space<semaphore_mem>>
    %dma_wait3A_1014 = arith.constant 0 : i32
    %dma_wait3A_1015 = tpu.memref_slice %arg8[%dma_wait3A_1010, %dma_wait3A_1014] : memref<32x20480xf32, #tpu.memory_space<vmem>> -> memref<1x20480xf32, #tpu.memory_space<vmem>>
    %dma_wait3A_1016 = tpu.memref_squeeze %dma_wait3A_1015 : memref<1x20480xf32, #tpu.memory_space<vmem>> -> memref<20480xf32, #tpu.memory_space<vmem>>
    %dma_wait3A_1017 = arith.constant 266240 : i32
    %dma_wait3A_1018 = tpu.memref_slice %arg3[%dma_wait3A_1017] : memref<655360xf32, #tpu.memory_space<any>> -> memref<20480xf32, #tpu.memory_space<any>>
    tpu.wait_dma2 semaphore(%dma_wait3A_1013 : memref<!tpu.dma_semaphore, #tpu.memory_space<semaphore_mem>>) src(%dma_wait3A_1018 : memref<20480xf32, #tpu.memory_space<any>>) dst(%dma_wait3A_1016 : memref<20480xf32, #tpu.memory_space<vmem>>)
    %dma_wait3A_1019 = arith.constant 14 : i32
    %dma_wait3A_1020 = arith.constant 3 : i32
    %dma_wait3A_1021 = tpu.memref_slice %arg13[%dma_wait3A_1020] : memref<4x!tpu.dma_semaphore, #tpu.memory_space<semaphore_mem>> -> memref<1x!tpu.dma_semaphore, #tpu.memory_space<semaphore_mem>>
    %dma_wait3A_1022 = tpu.memref_squeeze %dma_wait3A_1021 : memref<1x!tpu.dma_semaphore, #tpu.memory_space<semaphore_mem>> -> memref<!tpu.dma_semaphore, #tpu.memory_space<semaphore_mem>>
    %dma_wait3A_1023 = arith.constant 0 : i32
    %dma_wait3A_1024 = tpu.memref_slice %arg8[%dma_wait3A_1019, %dma_wait3A_1023] : memref<32x20480xf32, #tpu.memory_space<vmem>> -> memref<1x20480xf32, #tpu.memory_space<vmem>>
    %dma_wait3A_1025 = tpu.memref_squeeze %dma_wait3A_1024 : memref<1x20480xf32, #tpu.memory_space<vmem>> -> memref<20480xf32, #tpu.memory_space<vmem>>
    %dma_wait3A_1026 = arith.constant 286720 : i32
    %dma_wait3A_1027 = tpu.memref_slice %arg3[%dma_wait3A_1026] : memref<655360xf32, #tpu.memory_space<any>> -> memref<20480xf32, #tpu.memory_space<any>>
    tpu.wait_dma2 semaphore(%dma_wait3A_1022 : memref<!tpu.dma_semaphore, #tpu.memory_space<semaphore_mem>>) src(%dma_wait3A_1027 : memref<20480xf32, #tpu.memory_space<any>>) dst(%dma_wait3A_1025 : memref<20480xf32, #tpu.memory_space<vmem>>)
    %dma_wait3A_1028 = arith.constant 15 : i32
    %dma_wait3A_1029 = arith.constant 3 : i32
    %dma_wait3A_1030 = tpu.memref_slice %arg13[%dma_wait3A_1029] : memref<4x!tpu.dma_semaphore, #tpu.memory_space<semaphore_mem>> -> memref<1x!tpu.dma_semaphore, #tpu.memory_space<semaphore_mem>>
    %dma_wait3A_1031 = tpu.memref_squeeze %dma_wait3A_1030 : memref<1x!tpu.dma_semaphore, #tpu.memory_space<semaphore_mem>> -> memref<!tpu.dma_semaphore, #tpu.memory_space<semaphore_mem>>
    %dma_wait3A_1032 = arith.constant 0 : i32
    %dma_wait3A_1033 = tpu.memref_slice %arg8[%dma_wait3A_1028, %dma_wait3A_1032] : memref<32x20480xf32, #tpu.memory_space<vmem>> -> memref<1x20480xf32, #tpu.memory_space<vmem>>
    %dma_wait3A_1034 = tpu.memref_squeeze %dma_wait3A_1033 : memref<1x20480xf32, #tpu.memory_space<vmem>> -> memref<20480xf32, #tpu.memory_space<vmem>>
    %dma_wait3A_1035 = arith.constant 307200 : i32
    %dma_wait3A_1036 = tpu.memref_slice %arg3[%dma_wait3A_1035] : memref<655360xf32, #tpu.memory_space<any>> -> memref<20480xf32, #tpu.memory_space<any>>
    tpu.wait_dma2 semaphore(%dma_wait3A_1031 : memref<!tpu.dma_semaphore, #tpu.memory_space<semaphore_mem>>) src(%dma_wait3A_1036 : memref<20480xf32, #tpu.memory_space<any>>) dst(%dma_wait3A_1034 : memref<20480xf32, #tpu.memory_space<vmem>>)
    %dma_wait3A_1037 = arith.constant 16 : i32
    %dma_wait3A_1038 = arith.constant 3 : i32
    %dma_wait3A_1039 = tpu.memref_slice %arg13[%dma_wait3A_1038] : memref<4x!tpu.dma_semaphore, #tpu.memory_space<semaphore_mem>> -> memref<1x!tpu.dma_semaphore, #tpu.memory_space<semaphore_mem>>
    %dma_wait3A_1040 = tpu.memref_squeeze %dma_wait3A_1039 : memref<1x!tpu.dma_semaphore, #tpu.memory_space<semaphore_mem>> -> memref<!tpu.dma_semaphore, #tpu.memory_space<semaphore_mem>>
    %dma_wait3A_1041 = arith.constant 0 : i32
    %dma_wait3A_1042 = tpu.memref_slice %arg8[%dma_wait3A_1037, %dma_wait3A_1041] : memref<32x20480xf32, #tpu.memory_space<vmem>> -> memref<1x20480xf32, #tpu.memory_space<vmem>>
    %dma_wait3A_1043 = tpu.memref_squeeze %dma_wait3A_1042 : memref<1x20480xf32, #tpu.memory_space<vmem>> -> memref<20480xf32, #tpu.memory_space<vmem>>
    %dma_wait3A_1044 = arith.constant 327680 : i32
    %dma_wait3A_1045 = tpu.memref_slice %arg3[%dma_wait3A_1044] : memref<655360xf32, #tpu.memory_space<any>> -> memref<20480xf32, #tpu.memory_space<any>>
    tpu.wait_dma2 semaphore(%dma_wait3A_1040 : memref<!tpu.dma_semaphore, #tpu.memory_space<semaphore_mem>>) src(%dma_wait3A_1045 : memref<20480xf32, #tpu.memory_space<any>>) dst(%dma_wait3A_1043 : memref<20480xf32, #tpu.memory_space<vmem>>)
    %dma_wait3A_1046 = arith.constant 17 : i32
    %dma_wait3A_1047 = arith.constant 3 : i32
    %dma_wait3A_1048 = tpu.memref_slice %arg13[%dma_wait3A_1047] : memref<4x!tpu.dma_semaphore, #tpu.memory_space<semaphore_mem>> -> memref<1x!tpu.dma_semaphore, #tpu.memory_space<semaphore_mem>>
    %dma_wait3A_1049 = tpu.memref_squeeze %dma_wait3A_1048 : memref<1x!tpu.dma_semaphore, #tpu.memory_space<semaphore_mem>> -> memref<!tpu.dma_semaphore, #tpu.memory_space<semaphore_mem>>
    %dma_wait3A_1050 = arith.constant 0 : i32
    %dma_wait3A_1051 = tpu.memref_slice %arg8[%dma_wait3A_1046, %dma_wait3A_1050] : memref<32x20480xf32, #tpu.memory_space<vmem>> -> memref<1x20480xf32, #tpu.memory_space<vmem>>
    %dma_wait3A_1052 = tpu.memref_squeeze %dma_wait3A_1051 : memref<1x20480xf32, #tpu.memory_space<vmem>> -> memref<20480xf32, #tpu.memory_space<vmem>>
    %dma_wait3A_1053 = arith.constant 348160 : i32
    %dma_wait3A_1054 = tpu.memref_slice %arg3[%dma_wait3A_1053] : memref<655360xf32, #tpu.memory_space<any>> -> memref<20480xf32, #tpu.memory_space<any>>
    tpu.wait_dma2 semaphore(%dma_wait3A_1049 : memref<!tpu.dma_semaphore, #tpu.memory_space<semaphore_mem>>) src(%dma_wait3A_1054 : memref<20480xf32, #tpu.memory_space<any>>) dst(%dma_wait3A_1052 : memref<20480xf32, #tpu.memory_space<vmem>>)
    %dma_wait3A_1055 = arith.constant 18 : i32
    %dma_wait3A_1056 = arith.constant 3 : i32
    %dma_wait3A_1057 = tpu.memref_slice %arg13[%dma_wait3A_1056] : memref<4x!tpu.dma_semaphore, #tpu.memory_space<semaphore_mem>> -> memref<1x!tpu.dma_semaphore, #tpu.memory_space<semaphore_mem>>
    %dma_wait3A_1058 = tpu.memref_squeeze %dma_wait3A_1057 : memref<1x!tpu.dma_semaphore, #tpu.memory_space<semaphore_mem>> -> memref<!tpu.dma_semaphore, #tpu.memory_space<semaphore_mem>>
    %dma_wait3A_1059 = arith.constant 0 : i32
    %dma_wait3A_1060 = tpu.memref_slice %arg8[%dma_wait3A_1055, %dma_wait3A_1059] : memref<32x20480xf32, #tpu.memory_space<vmem>> -> memref<1x20480xf32, #tpu.memory_space<vmem>>
    %dma_wait3A_1061 = tpu.memref_squeeze %dma_wait3A_1060 : memref<1x20480xf32, #tpu.memory_space<vmem>> -> memref<20480xf32, #tpu.memory_space<vmem>>
    %dma_wait3A_1062 = arith.constant 368640 : i32
    %dma_wait3A_1063 = tpu.memref_slice %arg3[%dma_wait3A_1062] : memref<655360xf32, #tpu.memory_space<any>> -> memref<20480xf32, #tpu.memory_space<any>>
    tpu.wait_dma2 semaphore(%dma_wait3A_1058 : memref<!tpu.dma_semaphore, #tpu.memory_space<semaphore_mem>>) src(%dma_wait3A_1063 : memref<20480xf32, #tpu.memory_space<any>>) dst(%dma_wait3A_1061 : memref<20480xf32, #tpu.memory_space<vmem>>)
    %dma_wait3A_1064 = arith.constant 19 : i32
    %dma_wait3A_1065 = arith.constant 3 : i32
    %dma_wait3A_1066 = tpu.memref_slice %arg13[%dma_wait3A_1065] : memref<4x!tpu.dma_semaphore, #tpu.memory_space<semaphore_mem>> -> memref<1x!tpu.dma_semaphore, #tpu.memory_space<semaphore_mem>>
    %dma_wait3A_1067 = tpu.memref_squeeze %dma_wait3A_1066 : memref<1x!tpu.dma_semaphore, #tpu.memory_space<semaphore_mem>> -> memref<!tpu.dma_semaphore, #tpu.memory_space<semaphore_mem>>
    %dma_wait3A_1068 = arith.constant 0 : i32
    %dma_wait3A_1069 = tpu.memref_slice %arg8[%dma_wait3A_1064, %dma_wait3A_1068] : memref<32x20480xf32, #tpu.memory_space<vmem>> -> memref<1x20480xf32, #tpu.memory_space<vmem>>
    %dma_wait3A_1070 = tpu.memref_squeeze %dma_wait3A_1069 : memref<1x20480xf32, #tpu.memory_space<vmem>> -> memref<20480xf32, #tpu.memory_space<vmem>>
    %dma_wait3A_1071 = arith.constant 389120 : i32
    %dma_wait3A_1072 = tpu.memref_slice %arg3[%dma_wait3A_1071] : memref<655360xf32, #tpu.memory_space<any>> -> memref<20480xf32, #tpu.memory_space<any>>
    tpu.wait_dma2 semaphore(%dma_wait3A_1067 : memref<!tpu.dma_semaphore, #tpu.memory_space<semaphore_mem>>) src(%dma_wait3A_1072 : memref<20480xf32, #tpu.memory_space<any>>) dst(%dma_wait3A_1070 : memref<20480xf32, #tpu.memory_space<vmem>>)
    %dma_wait3A_1073 = arith.constant 20 : i32
    %dma_wait3A_1074 = arith.constant 3 : i32
    %dma_wait3A_1075 = tpu.memref_slice %arg13[%dma_wait3A_1074] : memref<4x!tpu.dma_semaphore, #tpu.memory_space<semaphore_mem>> -> memref<1x!tpu.dma_semaphore, #tpu.memory_space<semaphore_mem>>
    %dma_wait3A_1076 = tpu.memref_squeeze %dma_wait3A_1075 : memref<1x!tpu.dma_semaphore, #tpu.memory_space<semaphore_mem>> -> memref<!tpu.dma_semaphore, #tpu.memory_space<semaphore_mem>>
    %dma_wait3A_1077 = arith.constant 0 : i32
    %dma_wait3A_1078 = tpu.memref_slice %arg8[%dma_wait3A_1073, %dma_wait3A_1077] : memref<32x20480xf32, #tpu.memory_space<vmem>> -> memref<1x20480xf32, #tpu.memory_space<vmem>>
    %dma_wait3A_1079 = tpu.memref_squeeze %dma_wait3A_1078 : memref<1x20480xf32, #tpu.memory_space<vmem>> -> memref<20480xf32, #tpu.memory_space<vmem>>
    %dma_wait3A_1080 = arith.constant 409600 : i32
    %dma_wait3A_1081 = tpu.memref_slice %arg3[%dma_wait3A_1080] : memref<655360xf32, #tpu.memory_space<any>> -> memref<20480xf32, #tpu.memory_space<any>>
    tpu.wait_dma2 semaphore(%dma_wait3A_1076 : memref<!tpu.dma_semaphore, #tpu.memory_space<semaphore_mem>>) src(%dma_wait3A_1081 : memref<20480xf32, #tpu.memory_space<any>>) dst(%dma_wait3A_1079 : memref<20480xf32, #tpu.memory_space<vmem>>)
    %dma_wait3A_1082 = arith.constant 21 : i32
    %dma_wait3A_1083 = arith.constant 3 : i32
    %dma_wait3A_1084 = tpu.memref_slice %arg13[%dma_wait3A_1083] : memref<4x!tpu.dma_semaphore, #tpu.memory_space<semaphore_mem>> -> memref<1x!tpu.dma_semaphore, #tpu.memory_space<semaphore_mem>>
    %dma_wait3A_1085 = tpu.memref_squeeze %dma_wait3A_1084 : memref<1x!tpu.dma_semaphore, #tpu.memory_space<semaphore_mem>> -> memref<!tpu.dma_semaphore, #tpu.memory_space<semaphore_mem>>
    %dma_wait3A_1086 = arith.constant 0 : i32
    %dma_wait3A_1087 = tpu.memref_slice %arg8[%dma_wait3A_1082, %dma_wait3A_1086] : memref<32x20480xf32, #tpu.memory_space<vmem>> -> memref<1x20480xf32, #tpu.memory_space<vmem>>
    %dma_wait3A_1088 = tpu.memref_squeeze %dma_wait3A_1087 : memref<1x20480xf32, #tpu.memory_space<vmem>> -> memref<20480xf32, #tpu.memory_space<vmem>>
    %dma_wait3A_1089 = arith.constant 430080 : i32
    %dma_wait3A_1090 = tpu.memref_slice %arg3[%dma_wait3A_1089] : memref<655360xf32, #tpu.memory_space<any>> -> memref<20480xf32, #tpu.memory_space<any>>
    tpu.wait_dma2 semaphore(%dma_wait3A_1085 : memref<!tpu.dma_semaphore, #tpu.memory_space<semaphore_mem>>) src(%dma_wait3A_1090 : memref<20480xf32, #tpu.memory_space<any>>) dst(%dma_wait3A_1088 : memref<20480xf32, #tpu.memory_space<vmem>>)
    %dma_wait3A_1091 = arith.constant 22 : i32
    %dma_wait3A_1092 = arith.constant 3 : i32
    %dma_wait3A_1093 = tpu.memref_slice %arg13[%dma_wait3A_1092] : memref<4x!tpu.dma_semaphore, #tpu.memory_space<semaphore_mem>> -> memref<1x!tpu.dma_semaphore, #tpu.memory_space<semaphore_mem>>
    %dma_wait3A_1094 = tpu.memref_squeeze %dma_wait3A_1093 : memref<1x!tpu.dma_semaphore, #tpu.memory_space<semaphore_mem>> -> memref<!tpu.dma_semaphore, #tpu.memory_space<semaphore_mem>>
    %dma_wait3A_1095 = arith.constant 0 : i32
    %dma_wait3A_1096 = tpu.memref_slice %arg8[%dma_wait3A_1091, %dma_wait3A_1095] : memref<32x20480xf32, #tpu.memory_space<vmem>> -> memref<1x20480xf32, #tpu.memory_space<vmem>>
    %dma_wait3A_1097 = tpu.memref_squeeze %dma_wait3A_1096 : memref<1x20480xf32, #tpu.memory_space<vmem>> -> memref<20480xf32, #tpu.memory_space<vmem>>
    %dma_wait3A_1098 = arith.constant 450560 : i32
    %dma_wait3A_1099 = tpu.memref_slice %arg3[%dma_wait3A_1098] : memref<655360xf32, #tpu.memory_space<any>> -> memref<20480xf32, #tpu.memory_space<any>>
    tpu.wait_dma2 semaphore(%dma_wait3A_1094 : memref<!tpu.dma_semaphore, #tpu.memory_space<semaphore_mem>>) src(%dma_wait3A_1099 : memref<20480xf32, #tpu.memory_space<any>>) dst(%dma_wait3A_1097 : memref<20480xf32, #tpu.memory_space<vmem>>)
    %dma_wait3A_1100 = arith.constant 23 : i32
    %dma_wait3A_1101 = arith.constant 3 : i32
    %dma_wait3A_1102 = tpu.memref_slice %arg13[%dma_wait3A_1101] : memref<4x!tpu.dma_semaphore, #tpu.memory_space<semaphore_mem>> -> memref<1x!tpu.dma_semaphore, #tpu.memory_space<semaphore_mem>>
    %dma_wait3A_1103 = tpu.memref_squeeze %dma_wait3A_1102 : memref<1x!tpu.dma_semaphore, #tpu.memory_space<semaphore_mem>> -> memref<!tpu.dma_semaphore, #tpu.memory_space<semaphore_mem>>
    %dma_wait3A_1104 = arith.constant 0 : i32
    %dma_wait3A_1105 = tpu.memref_slice %arg8[%dma_wait3A_1100, %dma_wait3A_1104] : memref<32x20480xf32, #tpu.memory_space<vmem>> -> memref<1x20480xf32, #tpu.memory_space<vmem>>
    %dma_wait3A_1106 = tpu.memref_squeeze %dma_wait3A_1105 : memref<1x20480xf32, #tpu.memory_space<vmem>> -> memref<20480xf32, #tpu.memory_space<vmem>>
    %dma_wait3A_1107 = arith.constant 471040 : i32
    %dma_wait3A_1108 = tpu.memref_slice %arg3[%dma_wait3A_1107] : memref<655360xf32, #tpu.memory_space<any>> -> memref<20480xf32, #tpu.memory_space<any>>
    tpu.wait_dma2 semaphore(%dma_wait3A_1103 : memref<!tpu.dma_semaphore, #tpu.memory_space<semaphore_mem>>) src(%dma_wait3A_1108 : memref<20480xf32, #tpu.memory_space<any>>) dst(%dma_wait3A_1106 : memref<20480xf32, #tpu.memory_space<vmem>>)
    %dma_wait3A_1109 = arith.constant 24 : i32
    %dma_wait3A_1110 = arith.constant 3 : i32
    %dma_wait3A_1111 = tpu.memref_slice %arg13[%dma_wait3A_1110] : memref<4x!tpu.dma_semaphore, #tpu.memory_space<semaphore_mem>> -> memref<1x!tpu.dma_semaphore, #tpu.memory_space<semaphore_mem>>
    %dma_wait3A_1112 = tpu.memref_squeeze %dma_wait3A_1111 : memref<1x!tpu.dma_semaphore, #tpu.memory_space<semaphore_mem>> -> memref<!tpu.dma_semaphore, #tpu.memory_space<semaphore_mem>>
    %dma_wait3A_1113 = arith.constant 0 : i32
    %dma_wait3A_1114 = tpu.memref_slice %arg8[%dma_wait3A_1109, %dma_wait3A_1113] : memref<32x20480xf32, #tpu.memory_space<vmem>> -> memref<1x20480xf32, #tpu.memory_space<vmem>>
    %dma_wait3A_1115 = tpu.memref_squeeze %dma_wait3A_1114 : memref<1x20480xf32, #tpu.memory_space<vmem>> -> memref<20480xf32, #tpu.memory_space<vmem>>
    %dma_wait3A_1116 = arith.constant 491520 : i32
    %dma_wait3A_1117 = tpu.memref_slice %arg3[%dma_wait3A_1116] : memref<655360xf32, #tpu.memory_space<any>> -> memref<20480xf32, #tpu.memory_space<any>>
    tpu.wait_dma2 semaphore(%dma_wait3A_1112 : memref<!tpu.dma_semaphore, #tpu.memory_space<semaphore_mem>>) src(%dma_wait3A_1117 : memref<20480xf32, #tpu.memory_space<any>>) dst(%dma_wait3A_1115 : memref<20480xf32, #tpu.memory_space<vmem>>)
    %dma_wait3A_1118 = arith.constant 25 : i32
    %dma_wait3A_1119 = arith.constant 3 : i32
    %dma_wait3A_1120 = tpu.memref_slice %arg13[%dma_wait3A_1119] : memref<4x!tpu.dma_semaphore, #tpu.memory_space<semaphore_mem>> -> memref<1x!tpu.dma_semaphore, #tpu.memory_space<semaphore_mem>>
    %dma_wait3A_1121 = tpu.memref_squeeze %dma_wait3A_1120 : memref<1x!tpu.dma_semaphore, #tpu.memory_space<semaphore_mem>> -> memref<!tpu.dma_semaphore, #tpu.memory_space<semaphore_mem>>
    %dma_wait3A_1122 = arith.constant 0 : i32
    %dma_wait3A_1123 = tpu.memref_slice %arg8[%dma_wait3A_1118, %dma_wait3A_1122] : memref<32x20480xf32, #tpu.memory_space<vmem>> -> memref<1x20480xf32, #tpu.memory_space<vmem>>
    %dma_wait3A_1124 = tpu.memref_squeeze %dma_wait3A_1123 : memref<1x20480xf32, #tpu.memory_space<vmem>> -> memref<20480xf32, #tpu.memory_space<vmem>>
    %dma_wait3A_1125 = arith.constant 512000 : i32
    %dma_wait3A_1126 = tpu.memref_slice %arg3[%dma_wait3A_1125] : memref<655360xf32, #tpu.memory_space<any>> -> memref<20480xf32, #tpu.memory_space<any>>
    tpu.wait_dma2 semaphore(%dma_wait3A_1121 : memref<!tpu.dma_semaphore, #tpu.memory_space<semaphore_mem>>) src(%dma_wait3A_1126 : memref<20480xf32, #tpu.memory_space<any>>) dst(%dma_wait3A_1124 : memref<20480xf32, #tpu.memory_space<vmem>>)
    %dma_wait3A_1127 = arith.constant 26 : i32
    %dma_wait3A_1128 = arith.constant 3 : i32
    %dma_wait3A_1129 = tpu.memref_slice %arg13[%dma_wait3A_1128] : memref<4x!tpu.dma_semaphore, #tpu.memory_space<semaphore_mem>> -> memref<1x!tpu.dma_semaphore, #tpu.memory_space<semaphore_mem>>
    %dma_wait3A_1130 = tpu.memref_squeeze %dma_wait3A_1129 : memref<1x!tpu.dma_semaphore, #tpu.memory_space<semaphore_mem>> -> memref<!tpu.dma_semaphore, #tpu.memory_space<semaphore_mem>>
    %dma_wait3A_1131 = arith.constant 0 : i32
    %dma_wait3A_1132 = tpu.memref_slice %arg8[%dma_wait3A_1127, %dma_wait3A_1131] : memref<32x20480xf32, #tpu.memory_space<vmem>> -> memref<1x20480xf32, #tpu.memory_space<vmem>>
    %dma_wait3A_1133 = tpu.memref_squeeze %dma_wait3A_1132 : memref<1x20480xf32, #tpu.memory_space<vmem>> -> memref<20480xf32, #tpu.memory_space<vmem>>
    %dma_wait3A_1134 = arith.constant 532480 : i32
    %dma_wait3A_1135 = tpu.memref_slice %arg3[%dma_wait3A_1134] : memref<655360xf32, #tpu.memory_space<any>> -> memref<20480xf32, #tpu.memory_space<any>>
    tpu.wait_dma2 semaphore(%dma_wait3A_1130 : memref<!tpu.dma_semaphore, #tpu.memory_space<semaphore_mem>>) src(%dma_wait3A_1135 : memref<20480xf32, #tpu.memory_space<any>>) dst(%dma_wait3A_1133 : memref<20480xf32, #tpu.memory_space<vmem>>)
    %dma_wait3A_1136 = arith.constant 27 : i32
    %dma_wait3A_1137 = arith.constant 3 : i32
    %dma_wait3A_1138 = tpu.memref_slice %arg13[%dma_wait3A_1137] : memref<4x!tpu.dma_semaphore, #tpu.memory_space<semaphore_mem>> -> memref<1x!tpu.dma_semaphore, #tpu.memory_space<semaphore_mem>>
    %dma_wait3A_1139 = tpu.memref_squeeze %dma_wait3A_1138 : memref<1x!tpu.dma_semaphore, #tpu.memory_space<semaphore_mem>> -> memref<!tpu.dma_semaphore, #tpu.memory_space<semaphore_mem>>
    %dma_wait3A_1140 = arith.constant 0 : i32
    %dma_wait3A_1141 = tpu.memref_slice %arg8[%dma_wait3A_1136, %dma_wait3A_1140] : memref<32x20480xf32, #tpu.memory_space<vmem>> -> memref<1x20480xf32, #tpu.memory_space<vmem>>
    %dma_wait3A_1142 = tpu.memref_squeeze %dma_wait3A_1141 : memref<1x20480xf32, #tpu.memory_space<vmem>> -> memref<20480xf32, #tpu.memory_space<vmem>>
    %dma_wait3A_1143 = arith.constant 552960 : i32
    %dma_wait3A_1144 = tpu.memref_slice %arg3[%dma_wait3A_1143] : memref<655360xf32, #tpu.memory_space<any>> -> memref<20480xf32, #tpu.memory_space<any>>
    tpu.wait_dma2 semaphore(%dma_wait3A_1139 : memref<!tpu.dma_semaphore, #tpu.memory_space<semaphore_mem>>) src(%dma_wait3A_1144 : memref<20480xf32, #tpu.memory_space<any>>) dst(%dma_wait3A_1142 : memref<20480xf32, #tpu.memory_space<vmem>>)
    %dma_wait3A_1145 = arith.constant 28 : i32
    %dma_wait3A_1146 = arith.constant 3 : i32
    %dma_wait3A_1147 = tpu.memref_slice %arg13[%dma_wait3A_1146] : memref<4x!tpu.dma_semaphore, #tpu.memory_space<semaphore_mem>> -> memref<1x!tpu.dma_semaphore, #tpu.memory_space<semaphore_mem>>
    %dma_wait3A_1148 = tpu.memref_squeeze %dma_wait3A_1147 : memref<1x!tpu.dma_semaphore, #tpu.memory_space<semaphore_mem>> -> memref<!tpu.dma_semaphore, #tpu.memory_space<semaphore_mem>>
    %dma_wait3A_1149 = arith.constant 0 : i32
    %dma_wait3A_1150 = tpu.memref_slice %arg8[%dma_wait3A_1145, %dma_wait3A_1149] : memref<32x20480xf32, #tpu.memory_space<vmem>> -> memref<1x20480xf32, #tpu.memory_space<vmem>>
    %dma_wait3A_1151 = tpu.memref_squeeze %dma_wait3A_1150 : memref<1x20480xf32, #tpu.memory_space<vmem>> -> memref<20480xf32, #tpu.memory_space<vmem>>
    %dma_wait3A_1152 = arith.constant 573440 : i32
    %dma_wait3A_1153 = tpu.memref_slice %arg3[%dma_wait3A_1152] : memref<655360xf32, #tpu.memory_space<any>> -> memref<20480xf32, #tpu.memory_space<any>>
    tpu.wait_dma2 semaphore(%dma_wait3A_1148 : memref<!tpu.dma_semaphore, #tpu.memory_space<semaphore_mem>>) src(%dma_wait3A_1153 : memref<20480xf32, #tpu.memory_space<any>>) dst(%dma_wait3A_1151 : memref<20480xf32, #tpu.memory_space<vmem>>)
    %dma_wait3A_1154 = arith.constant 29 : i32
    %dma_wait3A_1155 = arith.constant 3 : i32
    %dma_wait3A_1156 = tpu.memref_slice %arg13[%dma_wait3A_1155] : memref<4x!tpu.dma_semaphore, #tpu.memory_space<semaphore_mem>> -> memref<1x!tpu.dma_semaphore, #tpu.memory_space<semaphore_mem>>
    %dma_wait3A_1157 = tpu.memref_squeeze %dma_wait3A_1156 : memref<1x!tpu.dma_semaphore, #tpu.memory_space<semaphore_mem>> -> memref<!tpu.dma_semaphore, #tpu.memory_space<semaphore_mem>>
    %dma_wait3A_1158 = arith.constant 0 : i32
    %dma_wait3A_1159 = tpu.memref_slice %arg8[%dma_wait3A_1154, %dma_wait3A_1158] : memref<32x20480xf32, #tpu.memory_space<vmem>> -> memref<1x20480xf32, #tpu.memory_space<vmem>>
    %dma_wait3A_1160 = tpu.memref_squeeze %dma_wait3A_1159 : memref<1x20480xf32, #tpu.memory_space<vmem>> -> memref<20480xf32, #tpu.memory_space<vmem>>
    %dma_wait3A_1161 = arith.constant 593920 : i32
    %dma_wait3A_1162 = tpu.memref_slice %arg3[%dma_wait3A_1161] : memref<655360xf32, #tpu.memory_space<any>> -> memref<20480xf32, #tpu.memory_space<any>>
    tpu.wait_dma2 semaphore(%dma_wait3A_1157 : memref<!tpu.dma_semaphore, #tpu.memory_space<semaphore_mem>>) src(%dma_wait3A_1162 : memref<20480xf32, #tpu.memory_space<any>>) dst(%dma_wait3A_1160 : memref<20480xf32, #tpu.memory_space<vmem>>)
    %dma_wait3A_1163 = arith.constant 30 : i32
    %dma_wait3A_1164 = arith.constant 3 : i32
    %dma_wait3A_1165 = tpu.memref_slice %arg13[%dma_wait3A_1164] : memref<4x!tpu.dma_semaphore, #tpu.memory_space<semaphore_mem>> -> memref<1x!tpu.dma_semaphore, #tpu.memory_space<semaphore_mem>>
    %dma_wait3A_1166 = tpu.memref_squeeze %dma_wait3A_1165 : memref<1x!tpu.dma_semaphore, #tpu.memory_space<semaphore_mem>> -> memref<!tpu.dma_semaphore, #tpu.memory_space<semaphore_mem>>
    %dma_wait3A_1167 = arith.constant 0 : i32
    %dma_wait3A_1168 = tpu.memref_slice %arg8[%dma_wait3A_1163, %dma_wait3A_1167] : memref<32x20480xf32, #tpu.memory_space<vmem>> -> memref<1x20480xf32, #tpu.memory_space<vmem>>
    %dma_wait3A_1169 = tpu.memref_squeeze %dma_wait3A_1168 : memref<1x20480xf32, #tpu.memory_space<vmem>> -> memref<20480xf32, #tpu.memory_space<vmem>>
    %dma_wait3A_1170 = arith.constant 614400 : i32
    %dma_wait3A_1171 = tpu.memref_slice %arg3[%dma_wait3A_1170] : memref<655360xf32, #tpu.memory_space<any>> -> memref<20480xf32, #tpu.memory_space<any>>
    tpu.wait_dma2 semaphore(%dma_wait3A_1166 : memref<!tpu.dma_semaphore, #tpu.memory_space<semaphore_mem>>) src(%dma_wait3A_1171 : memref<20480xf32, #tpu.memory_space<any>>) dst(%dma_wait3A_1169 : memref<20480xf32, #tpu.memory_space<vmem>>)
    %dma_wait3A_1172 = arith.constant 31 : i32
    %dma_wait3A_1173 = arith.constant 3 : i32
    %dma_wait3A_1174 = tpu.memref_slice %arg13[%dma_wait3A_1173] : memref<4x!tpu.dma_semaphore, #tpu.memory_space<semaphore_mem>> -> memref<1x!tpu.dma_semaphore, #tpu.memory_space<semaphore_mem>>
    %dma_wait3A_1175 = tpu.memref_squeeze %dma_wait3A_1174 : memref<1x!tpu.dma_semaphore, #tpu.memory_space<semaphore_mem>> -> memref<!tpu.dma_semaphore, #tpu.memory_space<semaphore_mem>>
    %dma_wait3A_1176 = arith.constant 0 : i32
    %dma_wait3A_1177 = tpu.memref_slice %arg8[%dma_wait3A_1172, %dma_wait3A_1176] : memref<32x20480xf32, #tpu.memory_space<vmem>> -> memref<1x20480xf32, #tpu.memory_space<vmem>>
    %dma_wait3A_1178 = tpu.memref_squeeze %dma_wait3A_1177 : memref<1x20480xf32, #tpu.memory_space<vmem>> -> memref<20480xf32, #tpu.memory_space<vmem>>
    %dma_wait3A_1179 = arith.constant 634880 : i32
    %dma_wait3A_1180 = tpu.memref_slice %arg3[%dma_wait3A_1179] : memref<655360xf32, #tpu.memory_space<any>> -> memref<20480xf32, #tpu.memory_space<any>>
    tpu.wait_dma2 semaphore(%dma_wait3A_1175 : memref<!tpu.dma_semaphore, #tpu.memory_space<semaphore_mem>>) src(%dma_wait3A_1180 : memref<20480xf32, #tpu.memory_space<any>>) dst(%dma_wait3A_1178 : memref<20480xf32, #tpu.memory_space<vmem>>)
    %scan3A_1181 = arith.constant 0 : i32
    %scan3A_1182 = arith.constant 39 : i32
    %scan3A_1183 = arith.addi %scan3A_1181, %scan3A_1182 : i32
    %scan3A_1184 = arith.constant 1 : i32
    scf.for %scan3A_1275 = %scan3A_1181 to %scan3A_1183 step %scan3A_1184  : i32 {
      %mul3A_1276 = arith.constant 512 : i32
      %mul3A_1277 = arith.muli %scan3A_1275, %mul3A_1276 : i32
      %get3A_1278 = arith.constant 0 : index
      %get3A_1279 = arith.index_cast %mul3A_1277 : i32 to index
      %get3A_1280 = vector.load %arg9[%get3A_1278, %get3A_1279] : memref<64x20000xf32, #tpu.memory_space<vmem>>, vector<64x512xf32>
      %lt3A_1281 = vector.broadcast %mul3A_601 : vector<64x1xf32> to vector<64x512xf32>
      %lt3A_1282 = arith.cmpf olt, %get3A_1280, %lt3A_1281 : vector<64x512xf32>
      %mul3A_1283 = arith.constant 0.00999999977 : f32
      %mul3A_1284 = vector.broadcast %mul3A_1283 : f32 to vector<64x512xf32>
      %mul3A_1285 = arith.mulf %get3A_1280, %mul3A_1284 : vector<64x512xf32>
      %select_n3A_1286 = arith.select %lt3A_1282, %mul3A_1285, %get3A_1280 : vector<64x512xi1>, vector<64x512xf32>
      %lt3A_1287 = arith.constant 1.000000e-01 : f32
      %lt3A_1288 = vector.broadcast %lt3A_1287 : f32 to vector<64x512xf32>
      %lt3A_1289 = arith.cmpf olt, %select_n3A_1286, %lt3A_1288 : vector<64x512xf32>
      %convert_element_type3A_1290 = arith.extui %lt3A_1289 : vector<64x512xi1> to vector<64x512xi32>
      %convert_element_type3A_1291 = arith.sitofp %convert_element_type3A_1290 : vector<64x512xi32> to vector<64x512xf32>
      %swap3A_1292 = arith.constant 0 : index
      %swap3A_1293 = arith.index_cast %mul3A_1277 : i32 to index
      %swap3A_1294 = vector.load %arg10[%swap3A_1292, %swap3A_1293] : memref<64x20000xf32, #tpu.memory_space<vmem>>, vector<64x512xf32>
      tpu.vector_store %arg10[%swap3A_1292, %swap3A_1293], %convert_element_type3A_1291 {strides = array<i32>} : memref<64x20000xf32, #tpu.memory_space<vmem>>, vector<64x512xf32>,
      %sqrt3A_1295 = math.sqrt %select_n3A_1286 : vector<64x512xf32>
      %sqrt3A_1296 = math.sqrt %sqrt3A_1295 : vector<64x512xf32>
      %swap3A_1297 = arith.constant 0 : index
      %swap3A_1298 = arith.index_cast %mul3A_1277 : i32 to index
      %swap3A_1299 = vector.load %arg9[%swap3A_1297, %swap3A_1298] : memref<64x20000xf32, #tpu.memory_space<vmem>>, vector<64x512xf32>
      tpu.vector_store %arg9[%swap3A_1297, %swap3A_1298], %sqrt3A_1296 {strides = array<i32>} : memref<64x20000xf32, #tpu.memory_space<vmem>>, vector<64x512xf32>,
      %get3A_1300 = arith.constant 0 : index
      %get3A_1301 = arith.index_cast %mul3A_1277 : i32 to index
      %get3A_1302 = vector.load %arg6[%get3A_1300, %get3A_1301] : memref<16x20000xf32, #tpu.memory_space<vmem>>, vector<16x512xf32>
      %sqrt3A_1303 = math.sqrt %get3A_1302 : vector<16x512xf32>
      %sqrt3A_1304 = math.sqrt %sqrt3A_1303 : vector<16x512xf32>
      %get3A_1305 = arith.constant 0 : index
      %get3A_1306 = arith.index_cast %mul3A_1277 : i32 to index
      %get3A_1307 = vector.load %arg7[%get3A_1305, %get3A_1306] : memref<32x20480xf32, #tpu.memory_space<vmem>>, vector<16x512xf32>
      %get3A_1308 = arith.constant 16 : index
      %get3A_1309 = arith.index_cast %mul3A_1277 : i32 to index
      %get3A_1310 = vector.load %arg7[%get3A_1308, %get3A_1309] : memref<32x20480xf32, #tpu.memory_space<vmem>>, vector<16x512xf32>
      %add3A_1311 = arith.addf %get3A_1307, %get3A_1310 : vector<16x512xf32>
      %get3A_1312 = arith.constant 0 : index
      %get3A_1313 = arith.index_cast %mul3A_1277 : i32 to index
      %get3A_1314 = vector.load %arg8[%get3A_1312, %get3A_1313] : memref<32x20480xf32, #tpu.memory_space<vmem>>, vector<16x512xf32>
      %get3A_1315 = arith.constant 16 : index
      %get3A_1316 = arith.index_cast %mul3A_1277 : i32 to index
      %get3A_1317 = vector.load %arg8[%get3A_1315, %get3A_1316] : memref<32x20480xf32, #tpu.memory_space<vmem>>, vector<16x512xf32>
      %add3A_1318 = arith.addf %get3A_1314, %get3A_1317 : vector<16x512xf32>
      %swap3A_1319 = arith.constant 0 : index
      %swap3A_1320 = arith.index_cast %mul3A_1277 : i32 to index
      %swap3A_1321 = vector.load %arg12[%swap3A_1319, %swap3A_1320] : memref<32x20000xf32, #tpu.memory_space<vmem>>, vector<16x512xf32>
      tpu.vector_store %arg12[%swap3A_1319, %swap3A_1320], %add3A_1311 {strides = array<i32>} : memref<32x20000xf32, #tpu.memory_space<vmem>>, vector<16x512xf32>,
      %swap3A_1322 = arith.constant 16 : index
      %swap3A_1323 = arith.index_cast %mul3A_1277 : i32 to index
      %swap3A_1324 = vector.load %arg12[%swap3A_1322, %swap3A_1323] : memref<32x20000xf32, #tpu.memory_space<vmem>>, vector<16x512xf32>
      tpu.vector_store %arg12[%swap3A_1322, %swap3A_1323], %add3A_1318 {strides = array<i32>} : memref<32x20000xf32, #tpu.memory_space<vmem>>, vector<16x512xf32>,
      %mul3A_1325 = arith.mulf %sqrt3A_1304, %add3A_1311 : vector<16x512xf32>
      %swap3A_1326 = arith.constant 0 : index
      %swap3A_1327 = arith.index_cast %mul3A_1277 : i32 to index
      %swap3A_1328 = vector.load %arg11[%swap3A_1326, %swap3A_1327] : memref<32x20000xf32, #tpu.memory_space<vmem>>, vector<16x512xf32>
      tpu.vector_store %arg11[%swap3A_1326, %swap3A_1327], %mul3A_1325 {strides = array<i32>} : memref<32x20000xf32, #tpu.memory_space<vmem>>, vector<16x512xf32>,
      %mul3A_1329 = arith.mulf %sqrt3A_1304, %add3A_1318 : vector<16x512xf32>
      %swap3A_1330 = arith.constant 16 : index
      %swap3A_1331 = arith.index_cast %mul3A_1277 : i32 to index
      %swap3A_1332 = vector.load %arg11[%swap3A_1330, %swap3A_1331] : memref<32x20000xf32, #tpu.memory_space<vmem>>, vector<16x512xf32>
      tpu.vector_store %arg11[%swap3A_1330, %swap3A_1331], %mul3A_1329 {strides = array<i32>} : memref<32x20000xf32, #tpu.memory_space<vmem>>, vector<16x512xf32>,
    }
    %scan3A_1185 = arith.constant 39 : i32
    %get3A_1186 = arith.constant 0 : index
    %get3A_1187 = arith.constant 19968 : index
    %get3A_1188 = vector.load %arg9[%get3A_1186, %get3A_1187] : memref<64x20000xf32, #tpu.memory_space<vmem>>, vector<64x32xf32>
    %lt3A = vector.broadcast %mul3A_601 : vector<64x1xf32> to vector<64x32xf32>
    %lt3A_1189 = arith.cmpf olt, %get3A_1188, %lt3A : vector<64x32xf32>
    %mul3A_1190 = arith.constant 0.00999999977 : f32
    %mul3A_1191 = vector.broadcast %mul3A_1190 : f32 to vector<64x32xf32>
    %mul3A_1192 = arith.mulf %get3A_1188, %mul3A_1191 : vector<64x32xf32>
    %select_n3A = arith.select %lt3A_1189, %mul3A_1192, %get3A_1188 : vector<64x32xi1>, vector<64x32xf32>
    %lt3A_1193 = arith.constant 1.000000e-01 : f32
    %lt3A_1194 = vector.broadcast %lt3A_1193 : f32 to vector<64x32xf32>
    %lt3A_1195 = arith.cmpf olt, %select_n3A, %lt3A_1194 : vector<64x32xf32>
    %convert_element_type3A = arith.extui %lt3A_1195 : vector<64x32xi1> to vector<64x32xi32>
    %convert_element_type3A_1196 = arith.sitofp %convert_element_type3A : vector<64x32xi32> to vector<64x32xf32>
    %swap3A_1197 = arith.constant 0 : index
    %swap3A_1198 = arith.constant 19968 : index
    %swap3A_1199 = vector.load %arg10[%swap3A_1197, %swap3A_1198] : memref<64x20000xf32, #tpu.memory_space<vmem>>, vector<64x32xf32>
    tpu.vector_store %arg10[%swap3A_1197, %swap3A_1198], %convert_element_type3A_1196 {strides = array<i32>} : memref<64x20000xf32, #tpu.memory_space<vmem>>, vector<64x32xf32>,
    %sqrt3A = math.sqrt %select_n3A : vector<64x32xf32>
    %sqrt3A_1200 = math.sqrt %sqrt3A : vector<64x32xf32>
    %swap3A_1201 = arith.constant 0 : index
    %swap3A_1202 = arith.constant 19968 : index
    %swap3A_1203 = vector.load %arg9[%swap3A_1201, %swap3A_1202] : memref<64x20000xf32, #tpu.memory_space<vmem>>, vector<64x32xf32>
    tpu.vector_store %arg9[%swap3A_1201, %swap3A_1202], %sqrt3A_1200 {strides = array<i32>} : memref<64x20000xf32, #tpu.memory_space<vmem>>, vector<64x32xf32>,
    %get3A_1204 = arith.constant 0 : index
    %get3A_1205 = arith.constant 19968 : index
    %get3A_1206 = vector.load %arg6[%get3A_1204, %get3A_1205] : memref<16x20000xf32, #tpu.memory_space<vmem>>, vector<16x32xf32>
    %sqrt3A_1207 = math.sqrt %get3A_1206 : vector<16x32xf32>
    %sqrt3A_1208 = math.sqrt %sqrt3A_1207 : vector<16x32xf32>
    %get3A_1209 = arith.constant 0 : index
    %get3A_1210 = arith.constant 19968 : index
    %get3A_1211 = vector.load %arg7[%get3A_1209, %get3A_1210] : memref<32x20480xf32, #tpu.memory_space<vmem>>, vector<16x32xf32>
    %get3A_1212 = arith.constant 16 : index
    %get3A_1213 = arith.constant 19968 : index
    %get3A_1214 = vector.load %arg7[%get3A_1212, %get3A_1213] : memref<32x20480xf32, #tpu.memory_space<vmem>>, vector<16x32xf32>
    %add3A_1215 = arith.addf %get3A_1211, %get3A_1214 : vector<16x32xf32>
    %get3A_1216 = arith.constant 0 : index
    %get3A_1217 = arith.constant 19968 : index
    %get3A_1218 = vector.load %arg8[%get3A_1216, %get3A_1217] : memref<32x20480xf32, #tpu.memory_space<vmem>>, vector<16x32xf32>
    %get3A_1219 = arith.constant 16 : index
    %get3A_1220 = arith.constant 19968 : index
    %get3A_1221 = vector.load %arg8[%get3A_1219, %get3A_1220] : memref<32x20480xf32, #tpu.memory_space<vmem>>, vector<16x32xf32>
    %add3A_1222 = arith.addf %get3A_1218, %get3A_1221 : vector<16x32xf32>
    %swap3A_1223 = arith.constant 0 : index
    %swap3A_1224 = arith.constant 19968 : index
    %swap3A_1225 = vector.load %arg12[%swap3A_1223, %swap3A_1224] : memref<32x20000xf32, #tpu.memory_space<vmem>>, vector<16x32xf32>
    tpu.vector_store %arg12[%swap3A_1223, %swap3A_1224], %add3A_1215 {strides = array<i32>} : memref<32x20000xf32, #tpu.memory_space<vmem>>, vector<16x32xf32>,
    %swap3A_1226 = arith.constant 16 : index
    %swap3A_1227 = arith.constant 19968 : index
    %swap3A_1228 = vector.load %arg12[%swap3A_1226, %swap3A_1227] : memref<32x20000xf32, #tpu.memory_space<vmem>>, vector<16x32xf32>
    tpu.vector_store %arg12[%swap3A_1226, %swap3A_1227], %add3A_1222 {strides = array<i32>} : memref<32x20000xf32, #tpu.memory_space<vmem>>, vector<16x32xf32>,
    %mul3A_1229 = arith.mulf %sqrt3A_1208, %add3A_1215 : vector<16x32xf32>
    %swap3A_1230 = arith.constant 0 : index
    %swap3A_1231 = arith.constant 19968 : index
    %swap3A_1232 = vector.load %arg11[%swap3A_1230, %swap3A_1231] : memref<32x20000xf32, #tpu.memory_space<vmem>>, vector<16x32xf32>
    tpu.vector_store %arg11[%swap3A_1230, %swap3A_1231], %mul3A_1229 {strides = array<i32>} : memref<32x20000xf32, #tpu.memory_space<vmem>>, vector<16x32xf32>,
    %mul3A_1233 = arith.mulf %sqrt3A_1208, %add3A_1222 : vector<16x32xf32>
    %swap3A_1234 = arith.constant 16 : index
    %swap3A_1235 = arith.constant 19968 : index
    %swap3A_1236 = vector.load %arg11[%swap3A_1234, %swap3A_1235] : memref<32x20000xf32, #tpu.memory_space<vmem>>, vector<16x32xf32>
    tpu.vector_store %arg11[%swap3A_1234, %swap3A_1235], %mul3A_1233 {strides = array<i32>} : memref<32x20000xf32, #tpu.memory_space<vmem>>, vector<16x32xf32>,
    %get3A_1237 = arith.constant 0 : index
    %get3A_1238 = arith.constant 0 : index
    %get3A_1239 = vector.load %arg11[%get3A_1237, %get3A_1238] : memref<32x20000xf32, #tpu.memory_space<vmem>>, vector<32x20000xf32>
    %get3A_1240 = arith.constant 0 : index
    %get3A_1241 = arith.constant 0 : index
    %get3A_1242 = vector.load %arg9[%get3A_1240, %get3A_1241] : memref<64x20000xf32, #tpu.memory_space<vmem>>, vector<64x20000xf32>
    %dot_general3A = arith.constant dense<0.000000e+00> : vector<32x64xf32>
    %dot_general3A_1243 = tpu.matmul %get3A_1239, %get3A_1242, %dot_general3A {dimension_numbers = #tpu.dot_dimension_numbers<[1], [1], [0], [0], [0, 0, 1, 0], [], []>, precision = #tpu.contract_precision<fp32>, transpose_lhs_hint = false} : vector<32x20000xf32>, vector<64x20000xf32>, vector<32x64xf32> -> vector<32x64xf32>
    %get3A_1244 = arith.constant 0 : index
    %get3A_1245 = arith.constant 0 : index
    %get3A_1246 = vector.load %arg12[%get3A_1244, %get3A_1245] : memref<32x20000xf32, #tpu.memory_space<vmem>>, vector<32x20000xf32>
    %get3A_1247 = arith.constant 0 : index
    %get3A_1248 = arith.constant 0 : index
    %get3A_1249 = vector.load %arg10[%get3A_1247, %get3A_1248] : memref<64x20000xf32, #tpu.memory_space<vmem>>, vector<64x20000xf32>
    %dot_general3A_1250 = arith.constant dense<0.000000e+00> : vector<32x64xf32>
    %dot_general3A_1251 = tpu.matmul %get3A_1246, %get3A_1249, %dot_general3A_1250 {dimension_numbers = #tpu.dot_dimension_numbers<[1], [1], [0], [0], [0, 0, 1, 0], [], []>, precision = #tpu.contract_precision<fp32>, transpose_lhs_hint = false} : vector<32x20000xf32>, vector<64x20000xf32>, vector<32x64xf32> -> vector<32x64xf32>
    %slice3A = vector.extract_strided_slice %dot_general3A_1243 {offsets = [0, 0], sizes = [16, 64], strides = [1, 1]} : vector<32x64xf32> to vector<16x64xf32>
    %slice3A_1252 = vector.extract_strided_slice %dot_general3A_1243 {offsets = [16, 0], sizes = [16, 64], strides = [1, 1]} : vector<32x64xf32> to vector<16x64xf32>
    %slice3A_1253 = vector.extract_strided_slice %dot_general3A_1251 {offsets = [0, 0], sizes = [16, 64], strides = [1, 1]} : vector<32x64xf32> to vector<16x64xf32>
    %slice3A_1254 = vector.extract_strided_slice %dot_general3A_1251 {offsets = [16, 0], sizes = [16, 64], strides = [1, 1]} : vector<32x64xf32> to vector<16x64xf32>
    %gt3A = arith.constant 9.99999993E-9 : f32
    %gt3A_1255 = vector.broadcast %gt3A : f32 to vector<16x64xf32>
    %gt3A_1256 = arith.cmpf ogt, %slice3A, %gt3A_1255 : vector<16x64xf32>
    %add3A_1257 = arith.constant 1.000000e-10 : f32
    %add3A_1258 = vector.broadcast %add3A_1257 : f32 to vector<16x64xf32>
    %add3A_1259 = arith.addf %slice3A, %add3A_1258 : vector<16x64xf32>
    %div3A = arith.divf %slice3A_1252, %add3A_1259 : vector<16x64xf32>
    %jit3A = arith.constant 0.000000e+00 : f32
    %broadcast_in_dim3A_1260 = vector.broadcast %jit3A : f32 to vector<16x64xf32>
    %select_n3A_1261 = arith.select %gt3A_1256, %div3A, %broadcast_in_dim3A_1260 : vector<16x64xi1>, vector<16x64xf32>
    %gt3A_1262 = arith.constant 9.99999993E-9 : f32
    %gt3A_1263 = vector.broadcast %gt3A_1262 : f32 to vector<16x64xf32>
    %gt3A_1264 = arith.cmpf ogt, %slice3A_1253, %gt3A_1263 : vector<16x64xf32>
    %add3A_1265 = arith.constant 1.000000e-10 : f32
    %add3A_1266 = vector.broadcast %add3A_1265 : f32 to vector<16x64xf32>
    %add3A_1267 = arith.addf %slice3A_1253, %add3A_1266 : vector<16x64xf32>
    %div3A_1268 = arith.divf %slice3A_1254, %add3A_1267 : vector<16x64xf32>
    %jit3A_1269 = arith.constant 0.000000e+00 : f32
    %broadcast_in_dim3A_1270 = vector.broadcast %jit3A_1269 : f32 to vector<16x64xf32>
    %select_n3A_1271 = arith.select %gt3A_1264, %div3A_1268, %broadcast_in_dim3A_1270 : vector<16x64xi1>, vector<16x64xf32>
    %sub3A = arith.subf %select_n3A_1261, %select_n3A_1271 : vector<16x64xf32>
    %swap3A_1272 = arith.constant 0 : index
    %swap3A_1273 = arith.constant 0 : index
    %swap3A_1274 = vector.load %arg4[%swap3A_1272, %swap3A_1273] : memref<16x64xf32, #tpu.memory_space<vmem>>, vector<16x64xf32>
    tpu.vector_store %arg4[%swap3A_1272, %swap3A_1273], %sub3A {strides = array<i32>} : memref<16x64xf32, #tpu.memory_space<vmem>>, vector<16x64xf32>,
    return
  }
}

</mosaic_0001>

<sc_bundles>
// kernel: kernel.4.cloned.1.call-start
scs
__scs_entry_jumppad:
0x0: {  	(pc) =	sbr.rel $0x88, $3  }
0x1: {  	(tag) =	ssettag $0x0;
	lr =	simm.s32 $0x1  }
0x2: {  	[smem:$0x3F9E] =	sst lr;
	_ =	strace $0xD0000000  }
0x3: {  	_ = 	snop  }
0x4: {  	_ = 	snop  }
0x5: {  	_ = 	snop  }
0x6: {  	_ = 	snop  }
0x7: {  	_ = 	snop  }
__scs_overlays_trampoline_lowered:
0x8: {  	[smem:$0x3FAD] =	sst s0  }
0x9: {  	[smem:$0x3FAE] =	sst s1  }
0xa: {  	[smem:$0x3FAF] =	sst s2  }
0xb: {  	[smem:$0x3FB0] =	sst s3  }
0xc: {  	[smem:$0x3FB1] =	sst s4  }
0xd: {  	[smem:$0x3FB2] =	sst s5  }
0xe: {  	[smem:$0x3FB3] =	sst s6  }
0xf: {  	[smem:$0x3FB4] =	sst s7  }
0x10: {  	[smem:$0x3FB5] =	sst s8  }
0x11: {  	[smem:$0x3FB6] =	sst s9;
	s0 =	simm.s32 @!p0 $0x0  }
0x12: {  	s1 =	sld [smem:$0x3F9C];
	s0 =	simm.s32 @p0 $0x1  }
0x13: {  	[smem:$0x3FB7] =	sst s0;
	s0 =	simm.s32 @!p1 $0x0  }
0x14: {  	s2 =	sld [smem:$0x3F9B];
	s0 =	simm.s32 @p1 $0x1  }
0x15: {  	[smem:$0x3FB8] =	sst s0;
	s0 =	simm.s32 @!p2 $0x0  }
0x16: {  	s3 =	sld [smem:$0x3FDB];
	s0 =	simm.s32 @p2 $0x1  }
0x17: {  	s4 =	simm.s32 $0x1BF5;
	[smem:$0x3FBA] =	sst s0  }
0x18: {  	s0 =	sld [smem:$0x3F9D];
	_ =	swait.ge [sflag:s4], $0x0  }
0x19: {  	s7 =	sld [smem:$0x3F9E]  }
0x1a: {  	s8 =	sadd.s32 $0xFFFFE003, lr  }
0x1b: {  	s9 =	sadd.s32 $0xFFFFFEF7, lr;
	s5 =	simm.s32 $0xFFFFFFFF;
	p2 =	slt.u32 s8, $0xFFFFF086  }
0x1c: {  	p1 =	slt.u32 s9, $0xF7A;
	s5 =	simm.s32 @!p2 $0x0  }
0x1d: {  	s5 =	simm.s32 @p1 $0x1;
	p0 =	seq.s32 s7, s2  }
0x1e: {  	s7 =	smul.u32 @!p0 $0xF7A, s2;
	p2 =	seq.s32 @!p0 s5, $0x0  }
0x1f: {  	s9 =	smul.u32 $0xF7A, s1;
	s8 =	simm.s32 @!p0 $0x1BF5;
	p2 =	por !p2, p0  }
0x20: {  	[sflag:s8] =	ssyncset.s32 @!p0 $0xFFFFF086;
	s6 =	sadd.s32 @!p0 s3, s7;
	s7 =	simm.s32 @!p0 $0x108  }
0x21: {  	s3 =	sadd.s32 s3, s9;
	s6 =	sadd.s32 @!p0 $0x88, s6;
	s7 =	simm.s32 @p2 $0x1082  }
0x22: {  	[simem:s7], [sflag:s8] =	dma.local @!p0 [hbm:s6], $0xF7A  }
0x23: {  	s9 =	sor.u32 $0xD0000000, s2;
	s6 =	simm.s32 $0x108;
	_ =	swait.ge @!p0 [sflag:s8], $0x0  }
0x24: {  	s3 =	sadd.s32 $0x88, s3;
	s6 =	simm.s32 @!p1 $0x1082;
	[sflag:s4] =	ssyncset.s32 $0xFFFFF086  }
0x25: {  	[simem:s6], [sflag:s4] =	dma.local [hbm:s3], $0xF7A  }
0x26: {  	[smem:$0x3F9E] =	sst s1;
	(tag) =	ssettag s2;
	_ =	strace s9  }
0x27: {  	s1 =	sld [smem:$0x3FAE]  }
0x28: {  	s2 =	sld [smem:$0x3FAF]  }
0x29: {  	s4 =	sld [smem:$0x3FB1]  }
0x2a: {  	p0 =	seq.s32 s5, $0x0;
	s5 =	sld [smem:$0x3FB2]  }
0x2b: {  	s6 =	sld [smem:$0x3FB3]  }
0x2c: {  	s7 =	sld [smem:$0x3FB4]  }
0x2d: {  	s3 =	simm.s32 $0x108;
	s8 =	sld [smem:$0x3FB5]  }
0x2e: {  	s3 =	simm.s32 @!p0 $0x1082;
	s9 =	sld [smem:$0x3FB6]  }
0x2f: {  	lr =	sadd.s32 s0, s3;
	s0 =	sld [smem:$0x3FAD]  }
0x30: {  	s3 =	sld [smem:$0x3FB0]  }
0x31: {  	[smem:$0x3FB9] =	sst s10  }
0x32: {  	s10 =	sld [smem:$0x3FB7];
	_ =	sdelay $0x3  }
0x33: {  	p0 =	seq.s32 s10, $0x1;
	s10 =	sld [smem:$0x3FB9];
	_ =	sdelay $0x3  }
0x34: {  	[smem:$0x3FB9] =	sst s10  }
0x35: {  	s10 =	sld [smem:$0x3FB8];
	_ =	sdelay $0x3  }
0x36: {  	p1 =	seq.s32 s10, $0x1;
	s10 =	sld [smem:$0x3FB9];
	_ =	sdelay $0x3  }
0x37: {  	[smem:$0x3FB9] =	sst s10  }
0x38: {  	s10 =	sld [smem:$0x3FBA]  }
0x39: {  	_ = 	snop;
	(pc) =	sbr.ind lr, $3  }
0x3a: {  	_ = 	snop  }
0x3b: {  	_ = 	snop  }
0x3c: {  	p2 =	seq.s32 s10, $0x1;
	s10 =	sld [smem:$0x3FB9]  }
0x3d: {  	_ =	shalt  }
0x3e: {  	_ =	shalt  }
0x3f: {  	_ =	shalt  }
0x40: {  	_ =	shalt  }
0x41: {  	_ =	shalt  }
0x42: {  	_ =	shalt  }
0x43: {  	_ =	shalt  }
0x44: {  	_ =	shalt  }
0x45: {  	_ =	shalt  }
0x46: {  	_ =	shalt  }
0x47: {  	_ =	shalt  }
0x48: {  	_ =	shalt  }
0x49: {  	_ =	shalt  }
0x4a: {  	_ =	shalt  }
0x4b: {  	_ =	shalt  }
0x4c: {  	_ =	shalt  }
0x4d: {  	_ =	shalt  }
0x4e: {  	_ =	shalt  }
0x4f: {  	_ =	shalt  }
0x50: {  	_ =	shalt  }
0x51: {  	_ =	shalt  }
0x52: {  	_ =	shalt  }
0x53: {  	_ =	shalt  }
0x54: {  	_ =	shalt  }
0x55: {  	_ =	shalt  }
0x56: {  	_ =	shalt  }
0x57: {  	_ =	shalt  }
0x58: {  	_ =	shalt  }
0x59: {  	_ =	shalt  }
0x5a: {  	_ =	shalt  }
0x5b: {  	_ =	shalt  }
0x5c: {  	_ =	shalt  }
0x5d: {  	_ =	shalt  }
0x5e: {  	_ =	shalt  }
0x5f: {  	_ =	shalt  }
0x60: {  	_ =	shalt  }
0x61: {  	_ =	shalt  }
0x62: {  	_ =	shalt  }
0x63: {  	_ =	shalt  }
0x64: {  	_ =	shalt  }
0x65: {  	_ =	shalt  }
0x66: {  	_ =	shalt  }
0x67: {  	_ =	shalt  }
0x68: {  	_ =	shalt  }
0x69: {  	_ =	shalt  }
0x6a: {  	_ =	shalt  }
0x6b: {  	_ =	shalt  }
0x6c: {  	_ =	shalt  }
0x6d: {  	_ =	shalt  }
0x6e: {  	_ =	shalt  }
0x6f: {  	_ =	shalt  }
0x70: {  	_ =	shalt  }
0x71: {  	_ =	shalt  }
0x72: {  	_ =	shalt  }
0x73: {  	_ =	shalt  }
0x74: {  	_ =	shalt  }
0x75: {  	_ =	shalt  }
0x76: {  	_ =	shalt  }
0x77: {  	_ =	shalt  }
0x78: {  	_ =	shalt  }
0x79: {  	_ =	shalt  }
0x7a: {  	_ =	shalt  }
0x7b: {  	_ =	shalt  }
0x7c: {  	_ =	shalt  }
0x7d: {  	_ =	shalt  }
0x7e: {  	_ =	shalt  }
0x7f: {  	_ =	shalt  }
0x80: {  	_ =	shalt  }
0x81: {  	_ =	shalt  }
0x82: {  	_ =	shalt  }
0x83: {  	_ =	shalt  }
0x84: {  	_ =	shalt  }
0x85: {  	_ =	shalt  }
0x86: {  	_ =	shalt  }
0x87: {  	_ =	shalt  }
.Lfunc_end0:
.L_simem_size_0:
called_computation_lowered:
.L_overlay_start_0:
0x88: {  	s2 =	sld [smem:$0x3FD9]  }
0x89: {  	s3 =	sld [smem:$0x3FFE];
	_ =	sdelay $0x1  }
0x8a: {  	s1 =	srdreg.scid  }
0x8b: {  	s0 =	sand.u32 $0x1, s1  }
0x8c: {  	s16 =	sshll.u32 s0, $0xA;
	s2 =	sadd.s32 s3, s2  }
0x8d: {  	s2 =	sadd.s32 s2, s16  }
0x8e: {  	[smem:$0x3FC5] =	sst s2  }
0x8f: {  	_ = 	snop  }
0x90: {  	(tm) =	ssettm $0x1  }
0x91: {  	s17 =	sld [smem:$0x3FFB];
	_ =	sdelay $0x3  }
0x92: {  	_ =	strace s17  }
0x93: {  	s2 =	sld [smem:$0x3FFC];
	_ =	sdelay $0x3  }
0x94: {  	_ =	strace s2  }
0x95: {  	s2 =	sld [smem:$0x3FFD];
	_ =	sdelay $0x3  }
0x96: {  	_ =	strace s2  }
0x97: {  	_ =	strace $0x8FFFFFFF  }
0x98: {  	s18 =	sld [smem:$0x3FDB];
	_ =	sdelay $0x1  }
0x99: {  	s19 =	simm.s32 $_scs_section_size  }
0x9a: {  	s4 =	simm.s32 $_size__tile_overlayer_lowered;
	s5 =	simm.s32 $_tile_overlayer_lowered  }
0x9b: {  	s22 =	simm.s32 $0x1BFF;
	s21 =	sshll.u32 s5, $0x1;
	s2 =	sadd.s32 s19, s18  }
0x9c: {  	s6 =	simm.s32 $0x0;
	s20 =	sshll.u32 s4, $0x1;
	s4 =	sadd.s32 s21, s2  }
0x9d: {  	[timem:s6], [sflag:s22] =	dma.local [hbm:s4], s20  }
0x9e: {  	_ =	swait.ge [sflag:s22], s20  }
0x9f: {  	s3 =	ssub.s32 $0x0, s20;
	[sflag:s22] =	ssyncset.done $0x0  }
0xa0: {  	[sflag:s22] =	ssyncadd.s32 s3;
	_ =	sdelay $0x1  }
0xa1: {  	s23 =	simm.s32 $0x1B8B  }
0xa2: {  	_ =	swait.ge [sflag:s23], $0x1  }
0xa3: {  	[sflag:s23] =	ssyncset.done $0x0  }
0xa4: {  	s25 =	simm.s32 $0x1B8E;
	s24 =	sld [smem:$0x3FFE];
	[sflag:s23] =	ssyncadd.s32 $0xFFFFFFFF  }
0xa5: {  	s26 =	simm.s32 $execute0_lowered;
	[smem:$0x3FD2] =	sst s25  }
0xa6: {  	s4 =	sshll.u32 s26, $0x1;
	_ =	strace $0x80000046;
	[dreg:$0x1] =	wrdreg $0xFFFFFFFF  }
0xa7: {  	s28 =	simm.s32 $_size_execute0_lowered;
	s2 =	sadd.s32 s2, s4;
	[dreg:$0x0] =	wrdreg $0x0  }
0xa8: {  	s4 =	sshll.u32 s28, $0x1;
	[dreg:$0x2] =	wrdreg s2  }
0xa9: {  	[dreg:$0x3] =	wrdreg s4  }
0xaa: {  	[dreg:$0x4] =	wrdreg $0xC0  }
0xab: {  	_ =	task [dreg:s6], $0x5FFFF  }
0xac: {  	[dreg:$0x1] =	wrdreg $0xFFFFFFFF  }
0xad: {  	[dreg:$0x0] =	wrdreg $0x60  }
0xae: {  	[dreg:$0x2] =	wrdreg s24  }
0xaf: {  	[dreg:$0x3] =	wrdreg $0x9  }
0xb0: {  	_ =	task.clear_ibuf [dreg:s6], $0x4FFFF;
	_ =	strace $0x90000046  }
0xb1: {  	s29 =	simm.s32 $0x9;
	_ =	strace $0x80000048  }
0xb2: {  	_ =	swait.ge [sflag:s29], $0x1  }
0xb3: {  	[sflag:s29] =	ssyncadd.s32 $0xFFFFFFFF  }
0xb4: {  	_ =	strace $0x90000048  }
0xb5: {  	_ =	sfence  }
0xb6: {  	s30 =	sld [smem:$0x0];
	_ =	sdelay $0x2  }
0xb7: {  	s31 =	sshll.u32 s1, $0xD;
	s1 =	sshrl.u32 s1, $0x2  }
0xb8: {  	s3 =	sand.u32 $0x4000, s31;
	s1 =	sadd.s32 s1, s30  }
0xb9: {  	s0 =	sor.u32 s3, s0;
	s1 =	sshll.u32 s1, $0x11  }
0xba: {  	s0 =	sor.u32 s1, s0  }
0xbb: {  	s0 =	sadd.s32 $0x8F2B, s0  }
0xbc: {  	[sflag:s0] =	ssyncadd.remote.s32 $0x1  }
0xbd: {  	_ =	sfence.sel $0xFFFF  }
0xbe: {  	[dreg:$0x0] =	wrdreg $0xFFFFFFFF;
	(pc) =	sbr.abs _section_cstart, $3  }
0xbf: {  	[dreg:$0x1] =	wrdreg $0xFFFFFFFF  }
0xc0: {  	_ =	task.clear_ibuf [dreg:s6], $0x2FFFF;
	_ =	strace $0x9FFFFFFF  }
0xc1: {  	(tm) =	ssettm $0x7FFFFFFF  }
tec
execute0_lowered:
.L_overlay_start_1:
0x0: {  	(tag) =	ssettag $0x1  }
0x1: {  	s4 =	rddreg [dreg:$0x0]  }
0x2: {  	s0 =	srdreg.scid;
	s1 =	rddreg [dreg:$0x1]  }
0x3: {  	s2 =	simm.s32 $0x0;
	s10 =	simm.s32 $0x7780;
	s3 =	sand.u32 $0x1, s0  }
0x4: {  	v0 =	vlaneseq.u32;
	s11 =	simm.s32 $0x0;
	s0 =	stileid.u32;
	s7 =	smul.u32 $0x2710, s3  }
0x5: {  	[smem:$0x7FF] =	sst s2;
	v0 =	vmul.u32 $0xFFFFFFFF, v0;
	s5 =	smul.u32 $0x4E20, s0;
	s6 =	sshll.u32 s3, $0x4  }
0x6: {  	s3 =	ssub.s32 $0x2, s3;
	_ =	strace $0x80000047;
	s8 =	sadd.s32 $0x2700, s7  }
0x7: {  	s6 =	sor.u32 s0, s6;
	s9 =	sshrl.u32 s3, $0x1;
	v0 =	vadd.s32 $0x4E20, v0;
	s5 =	sadd.s32 s7, s5;
	v1 =	vmov s8  }
0x8: {  	s6 =	smul.u32 $0xA00, s6;
	s31 =	ssub.s32 s3, s9;
	s5 =	sshrl.u32 s5, $0x3;
	v1 =	vsub.s32 v0, v1  }
0x9: {  	s7 =	sadd.s32 $0x70, s7;
	s9 =	simm.s32 $0x2780;
	s5 =	sadd.s32 s5, s4;
	v1 =	vcvt.s32.f32 v1  }
0xa: {  	s8 =	simm.s32 $0x1;
	s6 =	sadd.s32 s6, s4;
	s3 =	sadd.s32 $0x1000, s5  }
0xb: {  	v2 =	vimm.f32 $0.0e+00;
	v3 =	vimm.f32 $1.000000000e+00;
	s4 =	sadd.s32 $0xAE00, s6;
	s5 =	sadd.s32 $0x1EE00, s6;
	s6 =	smax.u32 s31, $0x1;
	v1 =	vmul.f32 $4.999999870e-05, v1  }
.LBB2_1:
0xc: {  	s12 =	simm.s32 $0x27C0  }
0xd: {  	[tilespmem:s12+$0x30] =	vst v2  }
0xe: {  	[tilespmem:s12+$0xFFFFFFF0] =	vst v2  }
0xf: {  	[tilespmem:s12+$0xFFFFFFC0] =	vst v2  }
0x10: {  	[tilespmem:s12+$0xFFFFFFE0] =	vst v2  }
0x11: {  	[tilespmem:s12+$0x10] =	vst v2  }
0x12: {  	[tilespmem:s12+$0x20] =	vst v2  }
0x13: {  	[tilespmem:s12+$0x0] =	vst v2  }
0x14: {  	s13 =	simm.s32 $0x77C0;
	[tilespmem:s12+$0xFFFFFFD0] =	vst v2  }
0x15: {  	[tilespmem:s13+$0xFFFFFFC0] =	vst v2  }
0x16: {  	[tilespmem:s13+$0x30] =	vst v2  }
0x17: {  	[tilespmem:s13+$0x20] =	vst v2  }
0x18: {  	[tilespmem:s13+$0x10] =	vst v2  }
0x19: {  	[tilespmem:s13+$0xFFFFFFE0] =	vst v2  }
0x1a: {  	[tilespmem:s13+$0x0] =	vst v2  }
0x1b: {  	s14 =	simm.s32 $0x0;
	[tilespmem:s13+$0xFFFFFFF0] =	vst v2  }
.LBB2_2:
0x1c: {  	s14 =	sadd.s32 $0x8, s14;
	[tilespmem:s13+$0xFFFFFFD0] =	vst v2;
	s12 =	sadd.s32 $0x80, s12;
	s13 =	sadd.s32 $0x80, s13  }
0x1d: {  	[tilespmem:s12+$0x30] =	vst v2;
	p0 =	slt.u32 s14, $0x4F8  }
0x1e: {  	[tilespmem:s12+$0xFFFFFFF0] =	vst v2  }
0x1f: {  	[tilespmem:s12+$0xFFFFFFC0] =	vst v2  }
0x20: {  	[tilespmem:s13+$0xFFFFFFC0] =	vst v2  }
0x21: {  	[tilespmem:s13+$0x30] =	vst v2  }
0x22: {  	[tilespmem:s12+$0xFFFFFFE0] =	vst v2  }
0x23: {  	[tilespmem:s12+$0x10] =	vst v2  }
0x24: {  	[tilespmem:s12+$0x20] =	vst v2  }
0x25: {  	[tilespmem:s13+$0x20] =	vst v2  }
0x26: {  	[tilespmem:s13+$0x10] =	vst v2  }
.Ltmp0:
0x27: {  	[tilespmem:s13+$0xFFFFFFE0] =	vst v2;
	(pc) =	sbr.rel @p0 .LBB2_2-.Ltmp0, $4  }
0x28: {  	[tilespmem:s12+$0x0] =	vst v2  }
0x29: {  	[tilespmem:s13+$0x0] =	vst v2  }
0x2a: {  	[tilespmem:s13+$0xFFFFFFF0] =	vst v2  }
0x2b: {  	[tilespmem:s12+$0xFFFFFFD0] =	vst v2  }
0x2c: {  	[tilespmem:s13+$0xFFFFFFD0] =	vst v2  }
0x2d: {  	[tilespmem:s2], [sflag:$0x1] =	stream.linear.gather [hbm4b:s3+s2], $0x2710, $0x38;
	[tilespmem:$0xC780] =	vst v63  }
0x2e: {  	_ =	swait.ge [sflag:s8], $0x2710  }
0x2f: {  	[sflag:s8] =	ssyncset.done $0x0  }
0x30: {  	s12 =	simm.s32 $0x40;
	[sflag:s8] =	ssyncadd.s32 $0xFFFFD8F0  }
0x31: {  	v4 =	vld [tilespmem:s12+$0x30]  }
0x32: {  	v5 =	vld [tilespmem:s12+$0xFFFFFFD0]  }
0x33: {  	v6 =	vld [tilespmem:s12+$0xFFFFFFE0]  }
0x34: {  	v7 =	vld [tilespmem:s12+$0xFFFFFFF0]  }
0x35: {  	v9 =	vld [tilespmem:s12+$0x0]  }
0x36: {  	v8 =	vmov s7;
	v10 =	vld [tilespmem:s12+$0x10]  }
0x37: {  	v8 =	vsub.s32 v0, v8;
	v11 =	vld [tilespmem:s12+$0x20]  }
0x38: {  	v8 =	vcvt.s32.f32 v8;
	v12 =	vld [tilespmem:s12+$0xFFFFFFC0]  }
0x39: {  	[tilespmem:v4+s9+$0x0] =	vst.idx.add.f32.msk $0xffff, v3  }
0x3a: {  	v8 =	vmul.f32 $4.999999870e-05, v8;
	[tilespmem:v5+s9+$0x0] =	vst.idx.add.f32.msk $0xffff, v3  }
0x3b: {  	s25 =	sadd.s32 $0xFFFFFF90, s7;
	s26 =	sadd.s32 $0xFFFFFFA0, s7;
	s14 =	sadd.s32 $0xFFFFFFB0, s7;
	[tilespmem:v6+s9+$0x0] =	vst.idx.add.f32.msk $0xffff, v3  }
0x3c: {  	s28 =	sadd.s32 $0xFFFFFFC0, s7;
	s29 =	sadd.s32 $0xFFFFFFD0, s7;
	v61 =	vmov s26;
	v13 =	vmov s14;
	[tilespmem:v4+s10+$0x0] =	vst.idx.add.f32.msk $0xffff, v8;
	v4 =	vmov s25  }
0x3d: {  	s30 =	sadd.s32 $0xFFFFFFE0, s7;
	v14 =	vmov s28;
	v15 =	vmov s29;
	[tilespmem:v7+s9+$0x0] =	vst.idx.add.f32.msk $0xffff, v3;
	v4 =	vsub.s32 v0, v4  }
0x3e: {  	v16 =	vmov s30;
	v13 =	vsub.s32 v0, v13;
	[tilespmem:v9+s9+$0x0] =	vst.idx.add.f32.msk $0xffff, v3;
	v4 =	vcvt.s32.f32 v4  }
0x3f: {  	v14 =	vsub.s32 v0, v14;
	v15 =	vsub.s32 v0, v15;
	v13 =	vcvt.s32.f32 v13;
	[tilespmem:v10+s9+$0x0] =	vst.idx.add.f32.msk $0xffff, v3  }
0x40: {  	v14 =	vcvt.s32.f32 v14;
	[tilespmem:v12+s9+$0x0] =	vst.idx.add.f32.msk $0xffff, v3;
	v8 =	vsub.s32 v0, v61;
	v4 =	vmul.f32 $4.999999870e-05, v4  }
0x41: {  	s31 =	sadd.s32 $0xFFFFFFF0, s7;
	v16 =	vsub.s32 v0, v16;
	v13 =	vmul.f32 $4.999999870e-05, v13;
	[tilespmem:v11+s9+$0x0] =	vst.idx.add.f32.msk $0xffff, v3;
	v8 =	vcvt.s32.f32 v8  }
0x42: {  	v62 =	vcvt.s32.f32 v16;
	v14 =	vmul.f32 $4.999999870e-05, v14;
	[tilespmem:v12+s10+$0x0] =	vst.idx.add.f32.msk $0xffff, v4;
	v4 =	vmov s31  }
0x43: {  	v15 =	vcvt.s32.f32 v15;
	[tilespmem:v6+s10+$0x0] =	vst.idx.add.f32.msk $0xffff, v13;
	v8 =	vmul.f32 $4.999999870e-05, v8;
	v4 =	vsub.s32 v0, v4  }
0x44: {  	v63 =	vmul.f32 $4.999999870e-05, v62;
	[tilespmem:v7+s10+$0x0] =	vst.idx.add.f32.msk $0xffff, v14;
	v4 =	vcvt.s32.f32 v4  }
0x45: {  	[tilespmem:v5+s10+$0x0] =	vst.idx.add.f32.msk $0xffff, v8;
	v5 =	vmul.f32 $4.999999870e-05, v15  }
0x46: {  	[tilespmem:v10+s10+$0x0] =	vst.idx.add.f32.msk $0xffff, v63;
	v4 =	vmul.f32 $4.999999870e-05, v4  }
0x47: {  	[tilespmem:v9+s10+$0x0] =	vst.idx.add.f32.msk $0xffff, v5  }
0x48: {  	s13 =	simm.s32 $0xC0;
	s14 =	smov.u32 s7;
	s12 =	simm.s32 $0x0;
	[tilespmem:v11+s10+$0x0] =	vst.idx.add.f32.msk $0xffff, v4  }
.LBB2_4:
0x49: {  	v4 =	vld [tilespmem:s13+$0x30]  }
0x4a: {  	s12 =	sadd.s32 $0x8, s12;
	v5 =	vld [tilespmem:s13+$0xFFFFFFD0]  }
0x4b: {  	s14 =	sadd.s32 $0x80, s14;
	p0 =	slt.u32 s12, $0x268;
	v6 =	vld [tilespmem:s13+$0xFFFFFFE0]  }
0x4c: {  	s15 =	sadd.s32 $0xFFFFFF90, s14;
	s16 =	sadd.s32 $0xFFFFFFA0, s14;
	s17 =	sadd.s32 $0xFFFFFFB0, s14;
	v8 =	vmov s14;
	v7 =	vld [tilespmem:s13+$0xFFFFFFF0]  }
0x4d: {  	s18 =	sadd.s32 $0xFFFFFFE0, s14;
	v9 =	vmov s15;
	v10 =	vmov s16;
	s15 =	sadd.s32 $0xFFFFFFC0, s14;
	s16 =	sadd.s32 $0xFFFFFFD0, s14;
	v8 =	vsub.s32 v0, v8;
	v11 =	vld [tilespmem:s13+$0x0]  }
0x4e: {  	v12 =	vmov s17;
	v13 =	vmov s15;
	s15 =	sadd.s32 $0xFFFFFFF0, s14;
	v8 =	vcvt.s32.f32 v8;
	v14 =	vld [tilespmem:s13+$0x10]  }
0x4f: {  	v16 =	vmov s18;
	v15 =	vmov s16;
	v18 =	vmov s15;
	v17 =	vld [tilespmem:s13+$0x20]  }
0x50: {  	v9 =	vsub.s32 v0, v9;
	v10 =	vsub.s32 v0, v10;
	v8 =	vmul.f32 $4.999999870e-05, v8;
	v19 =	vld [tilespmem:s13+$0xFFFFFFC0]  }
0x51: {  	v12 =	vsub.s32 v0, v12;
	v9 =	vcvt.s32.f32 v9;
	v13 =	vsub.s32 v0, v13;
	[tilespmem:v4+s9+$0x0] =	vst.idx.add.f32.msk $0xffff, v3  }
0x52: {  	v16 =	vsub.s32 v0, v16;
	v10 =	vcvt.s32.f32 v10;
	v15 =	vsub.s32 v0, v15;
	[tilespmem:v4+s10+$0x0] =	vst.idx.add.f32.msk $0xffff, v8  }
0x53: {  	v4 =	vcvt.s32.f32 v12;
	v8 =	vcvt.s32.f32 v13;
	v12 =	vsub.s32 v0, v18;
	[tilespmem:v5+s9+$0x0] =	vst.idx.add.f32.msk $0xffff, v3  }
0x54: {  	v13 =	vcvt.s32.f32 v15;
	v15 =	vcvt.s32.f32 v16;
	[tilespmem:v6+s9+$0x0] =	vst.idx.add.f32.msk $0xffff, v3  }
0x55: {  	v9 =	vmul.f32 $4.999999870e-05, v9;
	v12 =	vcvt.s32.f32 v12;
	[tilespmem:v7+s9+$0x0] =	vst.idx.add.f32.msk $0xffff, v3  }
0x56: {  	v10 =	vmul.f32 $4.999999870e-05, v10;
	v4 =	vmul.f32 $4.999999870e-05, v4;
	[tilespmem:v11+s9+$0x0] =	vst.idx.add.f32.msk $0xffff, v3  }
0x57: {  	v8 =	vmul.f32 $4.999999870e-05, v8;
	v13 =	vmul.f32 $4.999999870e-05, v13;
	[tilespmem:v14+s9+$0x0] =	vst.idx.add.f32.msk $0xffff, v3  }
0x58: {  	v15 =	vmul.f32 $4.999999870e-05, v15;
	v12 =	vmul.f32 $4.999999870e-05, v12;
	[tilespmem:v19+s9+$0x0] =	vst.idx.add.f32.msk $0xffff, v3  }
0x59: {  	[tilespmem:v19+s10+$0x0] =	vst.idx.add.f32.msk $0xffff, v9  }
0x5a: {  	[tilespmem:v5+s10+$0x0] =	vst.idx.add.f32.msk $0xffff, v10  }
0x5b: {  	[tilespmem:v6+s10+$0x0] =	vst.idx.add.f32.msk $0xffff, v4  }
.Ltmp1:
0x5c: {  	[tilespmem:v7+s10+$0x0] =	vst.idx.add.f32.msk $0xffff, v8;
	(pc) =	sbr.rel @p0 .LBB2_4-.Ltmp1, $4  }
0x5d: {  	[tilespmem:v11+s10+$0x0] =	vst.idx.add.f32.msk $0xffff, v13  }
0x5e: {  	[tilespmem:v14+s10+$0x0] =	vst.idx.add.f32.msk $0xffff, v15  }
0x5f: {  	[tilespmem:v17+s9+$0x0] =	vst.idx.add.f32.msk $0xffff, v3  }
0x60: {  	s13 =	sadd.s32 $0x80, s13;
	[tilespmem:v17+s10+$0x0] =	vst.idx.add.f32.msk $0xffff, v12  }
0x61: {  	v4 =	vld [tilespmem:$0x2700];
	_ =	sdelay $0x7  }
0x62: {  	[tilespmem:v4+s9+$0x0] =	vst.idx.add.f32.msk $0xffff, v3  }
0x63: {  	[tilespmem:v4+s10+$0x0] =	vst.idx.add.f32.msk $0xffff, v1  }
0x64: {  	[hbm4b:s4+s2] =	stream.linear.scatter [tilespmem:s9], [sflag:$0x1], $0x5000, $0x38;
	[tilespmem:$0xC780] =	vst v63  }
0x65: {  	s11 =	sadd.s32 $0x1, s11;
	_ =	swait.ge [sflag:s8], $0x5000  }
0x66: {  	p0 =	sne.s32 s11, s6;
	[sflag:s8] =	ssyncset.done $0x0  }
.Ltmp2:
0x67: {  	[sflag:s8] =	ssyncadd.s32 $0xFFFFB000;
	(pc) =	sbr.rel @p0 .LBB2_1-.Ltmp2, $4  }
0x68: {  	[hbm4b:s5+s2] =	stream.linear.scatter [tilespmem:s10], [sflag:$0x1], $0x5000, $0x38;
	[tilespmem:$0xC780] =	vst v63  }
0x69: {  	_ =	swait.ge [sflag:s8], $0x5000  }
0x6a: {  	[sflag:s8] =	ssyncset.done $0x0  }
0x6b: {  	[sflag:s8] =	ssyncadd.s32 $0xFFFFB000  }
0x6c: {  	_ =	sfence.sel $0x180000  }
0x6d: {  	[bflag:$0x0] =	sbarrier.arrive $0xFFFF  }
0x6e: {  	p0 =	sne.s32 s0, $0x0;
	_ =	strace $0x90000047  }
0x6f: {  	s0 =	sadd.s32 @!p0 $0x100000, s1;
	[bflag:$0x2] =	sbarrier.arrive $0xFFFF  }
0x70: {  	[sflag:s0] =	ssyncadd.tile.s32 @!p0 $0x1;
	_ =	shalt  }
.Lfunc_end2:
_tile_overlayer_lowered:
.L_overlay_start_2:
0x71: {  	(tag) =	ssettag $0x2  }
0x72: {  	s0 =	rddreg [dreg:$0x0];
	s2 =	stileid.u32  }
0x73: {  	s1 =	rddreg [dreg:$0x1];
	p0 =	sne.s32 s2, $0x0  }
0x74: {  	s3 =	rddreg [dreg:$0x2];
	[bflag:$0x3] =	sbarrier.arrive $0xFFFF;
	s2 =	simm.s32 @!p0 $0x1C01  }
0x75: {  	[timem:s3], [sflag:s2] =	dma.local @!p0 [hbm:s0], s1  }
0x76: {  	s0 =	simm.s32 @!p0 $0x1  }
0x77: {  	_ =	swait.ge @!p0 [sflag:s0], s1  }
0x78: {  	s1 =	ssub.s32 @!p0 $0x0, s1;
	[sflag:s0] =	ssyncset.done @!p0 $0x0  }
0x79: {  	[sflag:s0] =	ssyncadd.s32 @!p0 s1  }
0x7a: {  	[bflag:$0x3] =	sbarrier.arrive $0xFFFF  }
0x7b: {  	_ =	shalt  }

</sc_bundles>
